<compile_context>
chip_gen: v7x
topology: tpu7x:2x2x1
jax: 0.10.2.dev20260603
libtpu: 0.0.44.dev20260713+nightly
codegen_flags: <defaults>
</compile_context>

<pallas_src>
import functools
import numpy as np
import jax
import jax.numpy as jnp
from jax import lax
from jax.experimental import pallas as pl
from jax.experimental.pallas import tpu as pltpu
from jax.experimental.pallas import tpu_sc as plsc

MAXF = 1024
D_EMB = 256
N_FEAT = 10
D_OUT = D_EMB + 2 * N_FEAT


def _fourier_table_np():
    powers = (2.0 ** np.arange(N_FEAT)).astype(np.float32)
    coefs = (powers * (np.pi / MAXF)).astype(np.float32)
    raw = np.arange(MAXF, dtype=np.float32)[:, None] * coefs[None, :]
    return np.concatenate([np.sin(raw), np.cos(raw)], axis=1).astype(np.float32)


_FTAB = _fourier_table_np()

_WIDTHS = (128, 128, 32, 128, 128, 48)


@functools.lru_cache(maxsize=None)
def _build_sc_call(batch, nframes):
    NC, NS, L = 2, 16, 16
    NW = NC * NS
    BW = batch // NW
    CB = 64
    NCH = BW // CB

    mesh = plsc.VectorSubcoreMesh(
        core_axis_name="c", subcore_axis_name="s",
        num_cores=NC, num_subcores=NS)

    panel = jax.ShapeDtypeStruct((batch, 128), jnp.float32)
    bufs = [pltpu.VMEM((CB, w), jnp.float32)
            for w in _WIDTHS for _ in (0, 1)]
    sems = [pltpu.SemaphoreType.DMA] * 14

    @functools.partial(
        pl.kernel,
        out_type=(panel, panel, panel, panel, panel),
        mesh=mesh,
        compiler_params=pltpu.CompilerParams(use_tc_tiling_on_sc=False),
        scratch_types=[
            pltpu.VMEM((BW,), jnp.int32),
            pltpu.VMEM((BW,), jnp.int32),
            pltpu.VMEM((BW,), jnp.int32),
            pltpu.VMEM((BW,), jnp.int32),
            pltpu.VMEM((BW,), jnp.int32),
        ] + bufs + sems,
    )
    def sc_call(t_hbm, te0_h, te1_h, te2_h, to2_h, to3_h, to4_h,
                p0_h, p1_h, p2_h, p3_h, p4_h,
                t0_v, t1_v, t2_v, de_v, do_v, *bufsem):
        buf = [(bufsem[2 * k], bufsem[2 * k + 1]) for k in range(6)]
        gsem = [(bufsem[12 + 2 * k], bufsem[12 + 2 * k + 1])
                for k in range(6)]
        wsem = (bufsem[24], bufsem[25])
        tabs = (te0_h, te1_h, te2_h, to2_h, to3_h, to4_h)
        outs = (p0_h, p1_h, p2_h, p3_h, p4_h)

        wid = lax.axis_index("s") * NC + lax.axis_index("c")
        b0 = wid * BW
        pltpu.sync_copy(t_hbm.at[pl.ds(b0, BW)], t0_v)
        pltpu.sync_copy(t_hbm.at[pl.ds(batch + b0, BW)], t1_v)
        pltpu.sync_copy(t_hbm.at[pl.ds(2 * batch + b0, BW)], t2_v)

        def diff_body(g, carry):
            s = pl.ds(g * L, L)
            de_v[s] = t1_v[s] - t0_v[s]
            do_v[s] = t2_v[s] - t1_v[s]
            return carry

        lax.fori_loop(0, BW // L, diff_body, 0)

        lane = lax.iota(jnp.int32, L)
        in_lo = lane < 4

        gh = [None] * NCH
        wh = [None] * NCH

        def start_gathers(c):
            i = c % 2
            idx_e = de_v.at[pl.ds(c * CB, CB)]
            idx_o = do_v.at[pl.ds(c * CB, CB)]
            gh[c] = tuple(
                pltpu.async_copy(
                    tabs[k].at[idx_e if k < 3 else idx_o],
                    buf[k][i], gsem[k][i])
                for k in range(6))

        start_gathers(0)
        for c in range(NCH):
            i = c % 2
            if c + 1 < NCH:
                if c >= 1:
                    for h in wh[c - 1]:
                        h.wait()
                start_gathers(c + 1)
            for g in gh[c]:
                g.wait()

            be2 = buf[2][i]
            bo2 = buf[3][i]

            def fix_body(j, carry):
                bo2[j, pl.ds(0, L)] = be2[j, pl.ds(0, L)]
                ve2 = be2[j, pl.ds(L, L)]
                cur = bo2[j, pl.ds(L, L)]
                bo2[j, pl.ds(L, L)] = jnp.where(in_lo, ve2, cur)
                return carry

            lax.fori_loop(0, CB, fix_body, 0)

            rows0 = pl.ds(b0 + c * CB, CB)
            srcs = (buf[0][i], buf[1][i], bo2, buf[4][i], buf[5][i])
            wh[c] = tuple(
                pltpu.async_copy(
                    srcs[p] if p < 4 else srcs[p].at[:, pl.ds(0, 40)],
                    outs[p].at[rows0] if p < 4
                    else outs[p].at[rows0, pl.ds(0, 40)],
                    wsem[i])
                for p in range(5))

        for c in (NCH - 2, NCH - 1):
            for h in wh[c]:
                h.wait()

    return sc_call


def kernel(t, embed_table):
    batch, nframes = t.shape
    ftab = jnp.asarray(_FTAB)
    aug = jnp.concatenate([embed_table, ftab], axis=1)
    z20 = jnp.zeros((MAXF, 20), jnp.float32)
    t_e0 = aug[:, 0:128]
    t_e1 = aug[:, 128:256]
    t_e2 = jnp.concatenate([aug[:, 256:276], z20[:, :12]], axis=1)
    t_o2 = jnp.concatenate([z20, aug[:, 0:108]], axis=1)
    t_o3 = aug[:, 108:236]
    t_o4 = jnp.concatenate([aug[:, 236:276], z20[:, :8]], axis=1)
    p0, p1, p2, p3, p4 = _build_sc_call(batch, nframes)(
        t.T.reshape(-1), t_e0, t_e1, t_e2, t_o2, t_o3, t_o4)
    return jnp.concatenate([p0, p1, p2, p3, p4[:, :40]], axis=1)

# --- scband reference (transcript-rebuilt; emitter-appended) ---
"""Pipeline reference for scband-temporal-difference-encoder-7370163879948 (READ-ONLY COPY).

The authoritative reference and input builder live on the scoring server;
editing this copy changes nothing except your own understanding.
"""

import jax, jax.numpy as jnp
import numpy as np

MAX_NUM_FRAMES = 1024
D = 256
BATCH = 16384
NUM_FRAMES = 3

def _fourier_coefs():
    time_resolution = 2 ** np.ceil(np.log2(MAX_NUM_FRAMES))
    num_feats = int(np.ceil(np.log2(time_resolution)))
    powers = (2.0 ** np.arange(num_feats)).astype(np.float32)
    return jnp.asarray(powers[None, :] * np.pi / time_resolution, dtype=jnp.float32)


def setup_inputs(seed: int = 0) -> dict:
    key = jax.random.key(seed)
    k1, k2 = jax.random.split(key)
    t = jnp.sort(jax.random.randint(k1, (BATCH, NUM_FRAMES), 0, MAX_NUM_FRAMES, dtype=jnp.int32), axis=1)
    embed_table = jax.random.normal(k2, (MAX_NUM_FRAMES, D), dtype=jnp.float32)
    return {"t": t, "embed_table": embed_table}


def reference(t, embed_table):
    # cfg.sampling.type != 'uniform' -> use all (num_frames-1) consecutive diffs
    B = t.shape[0]
    t_diffs = (t[:, 1:] - t[:, :-1]).reshape(-1)
    idx = jnp.round(t_diffs.astype(jnp.float32)).astype(jnp.int32)
    const_embs = jnp.take(embed_table, idx, axis=0)  # [B*(F-1), 256]
    coefs = _fourier_coefs()  # [1, 10]
    raw = coefs * t_diffs.astype(jnp.float32)[:, None]  # [B*(F-1), 10]
    fourier_embs = jnp.concatenate([jnp.sin(raw), jnp.cos(raw)], axis=1)  # [B*(F-1), 20]
    out = jnp.concatenate([const_embs, fourier_embs], axis=1)  # [B*(F-1), 276]
    out = out.reshape(B, -1)  # [B, (F-1)*276] = [16384, 552]
    return out

if __name__ == "__main__":
    import jax
    _d = setup_inputs()
    print(jax.jit(kernel)(*tuple(_d.values())))

</pallas_src>

<mosaic_0001>
#map = affine_map<(d0, d1) -> (0)>
#map1 = affine_map<(d0, d1) -> (0, 0)>
module attributes {stable_mosaic.version = 14 : i64} {
  func.func @sc_call(%arg0: i32, %arg1: i32, %arg2: memref<49152xi32, #tpu.memory_space<hbm>>, %arg3: memref<1024x128xf32, #tpu.memory_space<hbm>>, %arg4: memref<1024x128xf32, #tpu.memory_space<hbm>>, %arg5: memref<1024x32xf32, #tpu.memory_space<hbm>>, %arg6: memref<1024x128xf32, #tpu.memory_space<hbm>>, %arg7: memref<1024x128xf32, #tpu.memory_space<hbm>>, %arg8: memref<1024x48xf32, #tpu.memory_space<hbm>>, %arg9: memref<16384x128xf32, #tpu.memory_space<hbm>>, %arg10: memref<16384x128xf32, #tpu.memory_space<hbm>>, %arg11: memref<16384x128xf32, #tpu.memory_space<hbm>>, %arg12: memref<16384x128xf32, #tpu.memory_space<hbm>>, %arg13: memref<16384x128xf32, #tpu.memory_space<hbm>>, %arg14: memref<512xi32, #tpu.memory_space<vmem>>, %arg15: memref<512xi32, #tpu.memory_space<vmem>>, %arg16: memref<512xi32, #tpu.memory_space<vmem>>, %arg17: memref<512xi32, #tpu.memory_space<vmem>>, %arg18: memref<512xi32, #tpu.memory_space<vmem>>, %arg19: memref<64x128xf32, #tpu.memory_space<vmem>>, %arg20: memref<64x128xf32, #tpu.memory_space<vmem>>, %arg21: memref<64x128xf32, #tpu.memory_space<vmem>>, %arg22: memref<64x128xf32, #tpu.memory_space<vmem>>, %arg23: memref<64x32xf32, #tpu.memory_space<vmem>>, %arg24: memref<64x32xf32, #tpu.memory_space<vmem>>, %arg25: memref<64x128xf32, #tpu.memory_space<vmem>>, %arg26: memref<64x128xf32, #tpu.memory_space<vmem>>, %arg27: memref<64x128xf32, #tpu.memory_space<vmem>>, %arg28: memref<64x128xf32, #tpu.memory_space<vmem>>, %arg29: memref<64x48xf32, #tpu.memory_space<vmem>>, %arg30: memref<64x48xf32, #tpu.memory_space<vmem>>, %arg31: memref<!tpu.dma_semaphore, #tpu.memory_space<semaphore_mem>>, %arg32: memref<!tpu.dma_semaphore, #tpu.memory_space<semaphore_mem>>, %arg33: memref<!tpu.dma_semaphore, #tpu.memory_space<semaphore_mem>>, %arg34: memref<!tpu.dma_semaphore, #tpu.memory_space<semaphore_mem>>, %arg35: memref<!tpu.dma_semaphore, #tpu.memory_space<semaphore_mem>>, %arg36: memref<!tpu.dma_semaphore, #tpu.memory_space<semaphore_mem>>, %arg37: memref<!tpu.dma_semaphore, #tpu.memory_space<semaphore_mem>>, %arg38: memref<!tpu.dma_semaphore, #tpu.memory_space<semaphore_mem>>, %arg39: memref<!tpu.dma_semaphore, #tpu.memory_space<semaphore_mem>>, %arg40: memref<!tpu.dma_semaphore, #tpu.memory_space<semaphore_mem>>, %arg41: memref<!tpu.dma_semaphore, #tpu.memory_space<semaphore_mem>>, %arg42: memref<!tpu.dma_semaphore, #tpu.memory_space<semaphore_mem>>, %arg43: memref<!tpu.dma_semaphore, #tpu.memory_space<semaphore_mem>>, %arg44: memref<!tpu.dma_semaphore, #tpu.memory_space<semaphore_mem>>) attributes {dimension_semantics = [#tpu.dimension_semantics<core_parallel>, #tpu.dimension_semantics<subcore_parallel>], iteration_bounds = array<i64: 2, 16>, scalar_prefetch = 0 : i64, scratch_operands = 31 : i64, tpu.core_type = #tpu.core_type<sc_vector_subcore>, window_params = [{transform_indices = #map}, {transform_indices = #map1}, {transform_indices = #map1}, {transform_indices = #map1}, {transform_indices = #map1}, {transform_indices = #map1}, {transform_indices = #map1}, {transform_indices = #map1}, {transform_indices = #map1}, {transform_indices = #map1}, {transform_indices = #map1}, {transform_indices = #map1}]} {
    %mul3A = arith.constant 2 : i32
    %mul3A_0 = arith.muli %arg1, %mul3A : i32
    %add3A = arith.addi %mul3A_0, %arg0 : i32
    %mul3A_1 = arith.constant 512 : i32
    %mul3A_2 = arith.muli %add3A, %mul3A_1 : i32
    "tpu.region"() ({
      %run_scoped3A = tpu.sem_alloc : memref<!tpu.dma_semaphore, #tpu.memory_space<semaphore_mem>>
      %dma_start3A_972 = tpu.memref_slice %arg2[%mul3A_2] : memref<49152xi32, #tpu.memory_space<hbm>> -> memref<512xi32, #tpu.memory_space<hbm>>
      %dma_start3A_973 = tpu.memref_slice %arg2[%mul3A_2] : memref<49152xi32, #tpu.memory_space<hbm>> -> memref<512xi32, #tpu.memory_space<hbm>>
      tpu.enqueue_dma source(%dma_start3A_973 : memref<512xi32, #tpu.memory_space<hbm>>) target(%arg14 : memref<512xi32, #tpu.memory_space<vmem>>) target_semaphore(%run_scoped3A : memref<!tpu.dma_semaphore, #tpu.memory_space<semaphore_mem>>)
      %dma_wait3A_974 = tpu.memref_slice %arg2[%mul3A_2] : memref<49152xi32, #tpu.memory_space<hbm>> -> memref<512xi32, #tpu.memory_space<hbm>>
      %dma_wait3A_975 = tpu.memref_slice %arg2[%mul3A_2] : memref<49152xi32, #tpu.memory_space<hbm>> -> memref<512xi32, #tpu.memory_space<hbm>>
      tpu.wait_dma2 semaphore(%run_scoped3A : memref<!tpu.dma_semaphore, #tpu.memory_space<semaphore_mem>>) src(%dma_wait3A_975 : memref<512xi32, #tpu.memory_space<hbm>>) dst(%arg14 : memref<512xi32, #tpu.memory_space<vmem>>)
      tpu.yield
    }) : () -> ()
    %add3A_3 = arith.constant 16384 : i32
    %add3A_4 = arith.addi %add3A_3, %mul3A_2 : i32
    "tpu.region"() ({
      %run_scoped3A = tpu.sem_alloc : memref<!tpu.dma_semaphore, #tpu.memory_space<semaphore_mem>>
      %dma_start3A_972 = tpu.memref_slice %arg2[%add3A_4] : memref<49152xi32, #tpu.memory_space<hbm>> -> memref<512xi32, #tpu.memory_space<hbm>>
      %dma_start3A_973 = tpu.memref_slice %arg2[%add3A_4] : memref<49152xi32, #tpu.memory_space<hbm>> -> memref<512xi32, #tpu.memory_space<hbm>>
      tpu.enqueue_dma source(%dma_start3A_973 : memref<512xi32, #tpu.memory_space<hbm>>) target(%arg15 : memref<512xi32, #tpu.memory_space<vmem>>) target_semaphore(%run_scoped3A : memref<!tpu.dma_semaphore, #tpu.memory_space<semaphore_mem>>)
      %dma_wait3A_974 = tpu.memref_slice %arg2[%add3A_4] : memref<49152xi32, #tpu.memory_space<hbm>> -> memref<512xi32, #tpu.memory_space<hbm>>
      %dma_wait3A_975 = tpu.memref_slice %arg2[%add3A_4] : memref<49152xi32, #tpu.memory_space<hbm>> -> memref<512xi32, #tpu.memory_space<hbm>>
      tpu.wait_dma2 semaphore(%run_scoped3A : memref<!tpu.dma_semaphore, #tpu.memory_space<semaphore_mem>>) src(%dma_wait3A_975 : memref<512xi32, #tpu.memory_space<hbm>>) dst(%arg15 : memref<512xi32, #tpu.memory_space<vmem>>)
      tpu.yield
    }) : () -> ()
    %add3A_5 = arith.constant 32768 : i32
    %add3A_6 = arith.addi %add3A_5, %mul3A_2 : i32
    "tpu.region"() ({
      %run_scoped3A = tpu.sem_alloc : memref<!tpu.dma_semaphore, #tpu.memory_space<semaphore_mem>>
      %dma_start3A_972 = tpu.memref_slice %arg2[%add3A_6] : memref<49152xi32, #tpu.memory_space<hbm>> -> memref<512xi32, #tpu.memory_space<hbm>>
      %dma_start3A_973 = tpu.memref_slice %arg2[%add3A_6] : memref<49152xi32, #tpu.memory_space<hbm>> -> memref<512xi32, #tpu.memory_space<hbm>>
      tpu.enqueue_dma source(%dma_start3A_973 : memref<512xi32, #tpu.memory_space<hbm>>) target(%arg16 : memref<512xi32, #tpu.memory_space<vmem>>) target_semaphore(%run_scoped3A : memref<!tpu.dma_semaphore, #tpu.memory_space<semaphore_mem>>)
      %dma_wait3A_974 = tpu.memref_slice %arg2[%add3A_6] : memref<49152xi32, #tpu.memory_space<hbm>> -> memref<512xi32, #tpu.memory_space<hbm>>
      %dma_wait3A_975 = tpu.memref_slice %arg2[%add3A_6] : memref<49152xi32, #tpu.memory_space<hbm>> -> memref<512xi32, #tpu.memory_space<hbm>>
      tpu.wait_dma2 semaphore(%run_scoped3A : memref<!tpu.dma_semaphore, #tpu.memory_space<semaphore_mem>>) src(%dma_wait3A_975 : memref<512xi32, #tpu.memory_space<hbm>>) dst(%arg16 : memref<512xi32, #tpu.memory_space<vmem>>)
      tpu.yield
    }) : () -> ()
    %scan3A = arith.constant 0 : i32
    %scan3A_7 = arith.constant 0 : i32
    %scan3A_8 = arith.constant 32 : i32
    %scan3A_9 = arith.addi %scan3A_7, %scan3A_8 : i32
    %scan3A_10 = arith.constant 1 : i32
    scf.for %scan3A_972 = %scan3A_7 to %scan3A_9 step %scan3A_10  : i32 {
      %mul3A_973 = arith.constant 16 : i32
      %mul3A_974 = arith.muli %scan3A_972, %mul3A_973 : i32
      %get3A = arith.index_cast %mul3A_974 : i32 to index
      %get3A_975 = tpu.vector_load %arg15[%get3A] {strides = array<i32>} : memref<512xi32, #tpu.memory_space<vmem>>, vector<16xi32>,
      %get3A_976 = vector.shape_cast %get3A_975 : vector<16xi32> to vector<16xi32>
      %get3A_977 = arith.index_cast %mul3A_974 : i32 to index
      %get3A_978 = tpu.vector_load %arg14[%get3A_977] {strides = array<i32>} : memref<512xi32, #tpu.memory_space<vmem>>, vector<16xi32>,
      %get3A_979 = vector.shape_cast %get3A_978 : vector<16xi32> to vector<16xi32>
      %sub3A = arith.subi %get3A_976, %get3A_979 : vector<16xi32>
      %swap3A = arith.index_cast %mul3A_974 : i32 to index
      %swap3A_980 = tpu.vector_load %arg17[%swap3A] {strides = array<i32>} : memref<512xi32, #tpu.memory_space<vmem>>, vector<16xi32>,
      %swap3A_981 = vector.shape_cast %swap3A_980 : vector<16xi32> to vector<16xi32>
      %swap3A_982 = vector.shape_cast %sub3A : vector<16xi32> to vector<16xi32>
      tpu.vector_store %arg17[%swap3A], %swap3A_982 {strides = array<i32>} : memref<512xi32, #tpu.memory_space<vmem>>, vector<16xi32>,
      %get3A_983 = arith.index_cast %mul3A_974 : i32 to index
      %get3A_984 = tpu.vector_load %arg16[%get3A_983] {strides = array<i32>} : memref<512xi32, #tpu.memory_space<vmem>>, vector<16xi32>,
      %get3A_985 = vector.shape_cast %get3A_984 : vector<16xi32> to vector<16xi32>
      %get3A_986 = arith.index_cast %mul3A_974 : i32 to index
      %get3A_987 = tpu.vector_load %arg15[%get3A_986] {strides = array<i32>} : memref<512xi32, #tpu.memory_space<vmem>>, vector<16xi32>,
      %get3A_988 = vector.shape_cast %get3A_987 : vector<16xi32> to vector<16xi32>
      %sub3A_989 = arith.subi %get3A_985, %get3A_988 : vector<16xi32>
      %swap3A_990 = arith.index_cast %mul3A_974 : i32 to index
      %swap3A_991 = tpu.vector_load %arg18[%swap3A_990] {strides = array<i32>} : memref<512xi32, #tpu.memory_space<vmem>>, vector<16xi32>,
      %swap3A_992 = vector.shape_cast %swap3A_991 : vector<16xi32> to vector<16xi32>
      %swap3A_993 = vector.shape_cast %sub3A_989 : vector<16xi32> to vector<16xi32>
      tpu.vector_store %arg18[%swap3A_990], %swap3A_993 {strides = array<i32>} : memref<512xi32, #tpu.memory_space<vmem>>, vector<16xi32>,
    }
    %scan3A_11 = arith.constant 32 : i32
    %iota3A = tpu.iota {dimensions = array<i32: 0>} : vector<16xi32>
    %lt3A = arith.constant 4 : i32
    %lt3A_12 = vector.broadcast %lt3A : i32 to vector<16xi32>
    %lt3A_13 = arith.cmpi slt, %iota3A, %lt3A_12 : vector<16xi32>
    %dma_start3A = arith.constant 0 : i32
    %dma_start3A_14 = tpu.memref_slice %arg17[%dma_start3A] : memref<512xi32, #tpu.memory_space<vmem>> -> memref<64xi32, #tpu.memory_space<vmem>>
    %dma_start3A_15 = arith.constant 0 : i32
    %dma_start3A_16 = arith.constant 0 : i32
    %dma_start3A_17 = tpu.memref_slice %arg3[%dma_start3A_15, %dma_start3A_16] : memref<1024x128xf32, #tpu.memory_space<hbm>> -> memref<1024x128xf32, #tpu.memory_space<hbm>>
    tpu.enqueue_indirect_dma source(%dma_start3A_17 : memref<1024x128xf32, #tpu.memory_space<hbm>>) target(%arg19 : memref<64x128xf32, #tpu.memory_space<vmem>>) offsets(%dma_start3A_14 : memref<64xi32, #tpu.memory_space<vmem>>) semaphore(%arg31 : memref<!tpu.dma_semaphore, #tpu.memory_space<semaphore_mem>>)
    %dma_start3A_18 = arith.constant 0 : i32
    %dma_start3A_19 = tpu.memref_slice %arg17[%dma_start3A_18] : memref<512xi32, #tpu.memory_space<vmem>> -> memref<64xi32, #tpu.memory_space<vmem>>
    %dma_start3A_20 = arith.constant 0 : i32
    %dma_start3A_21 = arith.constant 0 : i32
    %dma_start3A_22 = tpu.memref_slice %arg4[%dma_start3A_20, %dma_start3A_21] : memref<1024x128xf32, #tpu.memory_space<hbm>> -> memref<1024x128xf32, #tpu.memory_space<hbm>>
    tpu.enqueue_indirect_dma source(%dma_start3A_22 : memref<1024x128xf32, #tpu.memory_space<hbm>>) target(%arg21 : memref<64x128xf32, #tpu.memory_space<vmem>>) offsets(%dma_start3A_19 : memref<64xi32, #tpu.memory_space<vmem>>) semaphore(%arg33 : memref<!tpu.dma_semaphore, #tpu.memory_space<semaphore_mem>>)
    %dma_start3A_23 = arith.constant 0 : i32
    %dma_start3A_24 = tpu.memref_slice %arg17[%dma_start3A_23] : memref<512xi32, #tpu.memory_space<vmem>> -> memref<64xi32, #tpu.memory_space<vmem>>
    %dma_start3A_25 = arith.constant 0 : i32
    %dma_start3A_26 = arith.constant 0 : i32
    %dma_start3A_27 = tpu.memref_slice %arg5[%dma_start3A_25, %dma_start3A_26] : memref<1024x32xf32, #tpu.memory_space<hbm>> -> memref<1024x32xf32, #tpu.memory_space<hbm>>
    tpu.enqueue_indirect_dma source(%dma_start3A_27 : memref<1024x32xf32, #tpu.memory_space<hbm>>) target(%arg23 : memref<64x32xf32, #tpu.memory_space<vmem>>) offsets(%dma_start3A_24 : memref<64xi32, #tpu.memory_space<vmem>>) semaphore(%arg35 : memref<!tpu.dma_semaphore, #tpu.memory_space<semaphore_mem>>)
    %dma_start3A_28 = arith.constant 0 : i32
    %dma_start3A_29 = tpu.memref_slice %arg18[%dma_start3A_28] : memref<512xi32, #tpu.memory_space<vmem>> -> memref<64xi32, #tpu.memory_space<vmem>>
    %dma_start3A_30 = arith.constant 0 : i32
    %dma_start3A_31 = arith.constant 0 : i32
    %dma_start3A_32 = tpu.memref_slice %arg6[%dma_start3A_30, %dma_start3A_31] : memref<1024x128xf32, #tpu.memory_space<hbm>> -> memref<1024x128xf32, #tpu.memory_space<hbm>>
    tpu.enqueue_indirect_dma source(%dma_start3A_32 : memref<1024x128xf32, #tpu.memory_space<hbm>>) target(%arg25 : memref<64x128xf32, #tpu.memory_space<vmem>>) offsets(%dma_start3A_29 : memref<64xi32, #tpu.memory_space<vmem>>) semaphore(%arg37 : memref<!tpu.dma_semaphore, #tpu.memory_space<semaphore_mem>>)
    %dma_start3A_33 = arith.constant 0 : i32
    %dma_start3A_34 = tpu.memref_slice %arg18[%dma_start3A_33] : memref<512xi32, #tpu.memory_space<vmem>> -> memref<64xi32, #tpu.memory_space<vmem>>
    %dma_start3A_35 = arith.constant 0 : i32
    %dma_start3A_36 = arith.constant 0 : i32
    %dma_start3A_37 = tpu.memref_slice %arg7[%dma_start3A_35, %dma_start3A_36] : memref<1024x128xf32, #tpu.memory_space<hbm>> -> memref<1024x128xf32, #tpu.memory_space<hbm>>
    tpu.enqueue_indirect_dma source(%dma_start3A_37 : memref<1024x128xf32, #tpu.memory_space<hbm>>) target(%arg27 : memref<64x128xf32, #tpu.memory_space<vmem>>) offsets(%dma_start3A_34 : memref<64xi32, #tpu.memory_space<vmem>>) semaphore(%arg39 : memref<!tpu.dma_semaphore, #tpu.memory_space<semaphore_mem>>)
    %dma_start3A_38 = arith.constant 0 : i32
    %dma_start3A_39 = tpu.memref_slice %arg18[%dma_start3A_38] : memref<512xi32, #tpu.memory_space<vmem>> -> memref<64xi32, #tpu.memory_space<vmem>>
    %dma_start3A_40 = arith.constant 0 : i32
    %dma_start3A_41 = arith.constant 0 : i32
    %dma_start3A_42 = tpu.memref_slice %arg8[%dma_start3A_40, %dma_start3A_41] : memref<1024x48xf32, #tpu.memory_space<hbm>> -> memref<1024x48xf32, #tpu.memory_space<hbm>>
    tpu.enqueue_indirect_dma source(%dma_start3A_42 : memref<1024x48xf32, #tpu.memory_space<hbm>>) target(%arg29 : memref<64x48xf32, #tpu.memory_space<vmem>>) offsets(%dma_start3A_39 : memref<64xi32, #tpu.memory_space<vmem>>) semaphore(%arg41 : memref<!tpu.dma_semaphore, #tpu.memory_space<semaphore_mem>>)
    %dma_start3A_43 = arith.constant 64 : i32
    %dma_start3A_44 = tpu.memref_slice %arg17[%dma_start3A_43] : memref<512xi32, #tpu.memory_space<vmem>> -> memref<64xi32, #tpu.memory_space<vmem>>
    %dma_start3A_45 = arith.constant 0 : i32
    %dma_start3A_46 = arith.constant 0 : i32
    %dma_start3A_47 = tpu.memref_slice %arg3[%dma_start3A_45, %dma_start3A_46] : memref<1024x128xf32, #tpu.memory_space<hbm>> -> memref<1024x128xf32, #tpu.memory_space<hbm>>
    tpu.enqueue_indirect_dma source(%dma_start3A_47 : memref<1024x128xf32, #tpu.memory_space<hbm>>) target(%arg20 : memref<64x128xf32, #tpu.memory_space<vmem>>) offsets(%dma_start3A_44 : memref<64xi32, #tpu.memory_space<vmem>>) semaphore(%arg32 : memref<!tpu.dma_semaphore, #tpu.memory_space<semaphore_mem>>)
    %dma_start3A_48 = arith.constant 64 : i32
    %dma_start3A_49 = tpu.memref_slice %arg17[%dma_start3A_48] : memref<512xi32, #tpu.memory_space<vmem>> -> memref<64xi32, #tpu.memory_space<vmem>>
    %dma_start3A_50 = arith.constant 0 : i32
    %dma_start3A_51 = arith.constant 0 : i32
    %dma_start3A_52 = tpu.memref_slice %arg4[%dma_start3A_50, %dma_start3A_51] : memref<1024x128xf32, #tpu.memory_space<hbm>> -> memref<1024x128xf32, #tpu.memory_space<hbm>>
    tpu.enqueue_indirect_dma source(%dma_start3A_52 : memref<1024x128xf32, #tpu.memory_space<hbm>>) target(%arg22 : memref<64x128xf32, #tpu.memory_space<vmem>>) offsets(%dma_start3A_49 : memref<64xi32, #tpu.memory_space<vmem>>) semaphore(%arg34 : memref<!tpu.dma_semaphore, #tpu.memory_space<semaphore_mem>>)
    %dma_start3A_53 = arith.constant 64 : i32
    %dma_start3A_54 = tpu.memref_slice %arg17[%dma_start3A_53] : memref<512xi32, #tpu.memory_space<vmem>> -> memref<64xi32, #tpu.memory_space<vmem>>
    %dma_start3A_55 = arith.constant 0 : i32
    %dma_start3A_56 = arith.constant 0 : i32
    %dma_start3A_57 = tpu.memref_slice %arg5[%dma_start3A_55, %dma_start3A_56] : memref<1024x32xf32, #tpu.memory_space<hbm>> -> memref<1024x32xf32, #tpu.memory_space<hbm>>
    tpu.enqueue_indirect_dma source(%dma_start3A_57 : memref<1024x32xf32, #tpu.memory_space<hbm>>) target(%arg24 : memref<64x32xf32, #tpu.memory_space<vmem>>) offsets(%dma_start3A_54 : memref<64xi32, #tpu.memory_space<vmem>>) semaphore(%arg36 : memref<!tpu.dma_semaphore, #tpu.memory_space<semaphore_mem>>)
    %dma_start3A_58 = arith.constant 64 : i32
    %dma_start3A_59 = tpu.memref_slice %arg18[%dma_start3A_58] : memref<512xi32, #tpu.memory_space<vmem>> -> memref<64xi32, #tpu.memory_space<vmem>>
    %dma_start3A_60 = arith.constant 0 : i32
    %dma_start3A_61 = arith.constant 0 : i32
    %dma_start3A_62 = tpu.memref_slice %arg6[%dma_start3A_60, %dma_start3A_61] : memref<1024x128xf32, #tpu.memory_space<hbm>> -> memref<1024x128xf32, #tpu.memory_space<hbm>>
    tpu.enqueue_indirect_dma source(%dma_start3A_62 : memref<1024x128xf32, #tpu.memory_space<hbm>>) target(%arg26 : memref<64x128xf32, #tpu.memory_space<vmem>>) offsets(%dma_start3A_59 : memref<64xi32, #tpu.memory_space<vmem>>) semaphore(%arg38 : memref<!tpu.dma_semaphore, #tpu.memory_space<semaphore_mem>>)
    %dma_start3A_63 = arith.constant 64 : i32
    %dma_start3A_64 = tpu.memref_slice %arg18[%dma_start3A_63] : memref<512xi32, #tpu.memory_space<vmem>> -> memref<64xi32, #tpu.memory_space<vmem>>
    %dma_start3A_65 = arith.constant 0 : i32
    %dma_start3A_66 = arith.constant 0 : i32
    %dma_start3A_67 = tpu.memref_slice %arg7[%dma_start3A_65, %dma_start3A_66] : memref<1024x128xf32, #tpu.memory_space<hbm>> -> memref<1024x128xf32, #tpu.memory_space<hbm>>
    tpu.enqueue_indirect_dma source(%dma_start3A_67 : memref<1024x128xf32, #tpu.memory_space<hbm>>) target(%arg28 : memref<64x128xf32, #tpu.memory_space<vmem>>) offsets(%dma_start3A_64 : memref<64xi32, #tpu.memory_space<vmem>>) semaphore(%arg40 : memref<!tpu.dma_semaphore, #tpu.memory_space<semaphore_mem>>)
    %dma_start3A_68 = arith.constant 64 : i32
    %dma_start3A_69 = tpu.memref_slice %arg18[%dma_start3A_68] : memref<512xi32, #tpu.memory_space<vmem>> -> memref<64xi32, #tpu.memory_space<vmem>>
    %dma_start3A_70 = arith.constant 0 : i32
    %dma_start3A_71 = arith.constant 0 : i32
    %dma_start3A_72 = tpu.memref_slice %arg8[%dma_start3A_70, %dma_start3A_71] : memref<1024x48xf32, #tpu.memory_space<hbm>> -> memref<1024x48xf32, #tpu.memory_space<hbm>>
    tpu.enqueue_indirect_dma source(%dma_start3A_72 : memref<1024x48xf32, #tpu.memory_space<hbm>>) target(%arg30 : memref<64x48xf32, #tpu.memory_space<vmem>>) offsets(%dma_start3A_69 : memref<64xi32, #tpu.memory_space<vmem>>) semaphore(%arg42 : memref<!tpu.dma_semaphore, #tpu.memory_space<semaphore_mem>>)
    %dma_wait3A = arith.constant 0 : i32
    %dma_wait3A_73 = tpu.memref_slice %arg17[%dma_wait3A] : memref<512xi32, #tpu.memory_space<vmem>> -> memref<64xi32, #tpu.memory_space<vmem>>
    %dma_wait3A_74 = arith.constant 0 : i32
    %dma_wait3A_75 = arith.constant 0 : i32
    %dma_wait3A_76 = tpu.memref_slice %arg3[%dma_wait3A_74, %dma_wait3A_75] : memref<1024x128xf32, #tpu.memory_space<hbm>> -> memref<1024x128xf32, #tpu.memory_space<hbm>>
    tpu.wait_indirect_dma semaphore(%arg31 : memref<!tpu.dma_semaphore, #tpu.memory_space<semaphore_mem>>) src(%dma_wait3A_76 : memref<1024x128xf32, #tpu.memory_space<hbm>>) dst(%arg19 : memref<64x128xf32, #tpu.memory_space<vmem>>)
    %dma_wait3A_77 = arith.constant 0 : i32
    %dma_wait3A_78 = tpu.memref_slice %arg17[%dma_wait3A_77] : memref<512xi32, #tpu.memory_space<vmem>> -> memref<64xi32, #tpu.memory_space<vmem>>
    %dma_wait3A_79 = arith.constant 0 : i32
    %dma_wait3A_80 = arith.constant 0 : i32
    %dma_wait3A_81 = tpu.memref_slice %arg4[%dma_wait3A_79, %dma_wait3A_80] : memref<1024x128xf32, #tpu.memory_space<hbm>> -> memref<1024x128xf32, #tpu.memory_space<hbm>>
    tpu.wait_indirect_dma semaphore(%arg33 : memref<!tpu.dma_semaphore, #tpu.memory_space<semaphore_mem>>) src(%dma_wait3A_81 : memref<1024x128xf32, #tpu.memory_space<hbm>>) dst(%arg21 : memref<64x128xf32, #tpu.memory_space<vmem>>)
    %dma_wait3A_82 = arith.constant 0 : i32
    %dma_wait3A_83 = tpu.memref_slice %arg17[%dma_wait3A_82] : memref<512xi32, #tpu.memory_space<vmem>> -> memref<64xi32, #tpu.memory_space<vmem>>
    %dma_wait3A_84 = arith.constant 0 : i32
    %dma_wait3A_85 = arith.constant 0 : i32
    %dma_wait3A_86 = tpu.memref_slice %arg5[%dma_wait3A_84, %dma_wait3A_85] : memref<1024x32xf32, #tpu.memory_space<hbm>> -> memref<1024x32xf32, #tpu.memory_space<hbm>>
    tpu.wait_indirect_dma semaphore(%arg35 : memref<!tpu.dma_semaphore, #tpu.memory_space<semaphore_mem>>) src(%dma_wait3A_86 : memref<1024x32xf32, #tpu.memory_space<hbm>>) dst(%arg23 : memref<64x32xf32, #tpu.memory_space<vmem>>)
    %dma_wait3A_87 = arith.constant 0 : i32
    %dma_wait3A_88 = tpu.memref_slice %arg18[%dma_wait3A_87] : memref<512xi32, #tpu.memory_space<vmem>> -> memref<64xi32, #tpu.memory_space<vmem>>
    %dma_wait3A_89 = arith.constant 0 : i32
    %dma_wait3A_90 = arith.constant 0 : i32
    %dma_wait3A_91 = tpu.memref_slice %arg6[%dma_wait3A_89, %dma_wait3A_90] : memref<1024x128xf32, #tpu.memory_space<hbm>> -> memref<1024x128xf32, #tpu.memory_space<hbm>>
    tpu.wait_indirect_dma semaphore(%arg37 : memref<!tpu.dma_semaphore, #tpu.memory_space<semaphore_mem>>) src(%dma_wait3A_91 : memref<1024x128xf32, #tpu.memory_space<hbm>>) dst(%arg25 : memref<64x128xf32, #tpu.memory_space<vmem>>)
    %dma_wait3A_92 = arith.constant 0 : i32
    %dma_wait3A_93 = tpu.memref_slice %arg18[%dma_wait3A_92] : memref<512xi32, #tpu.memory_space<vmem>> -> memref<64xi32, #tpu.memory_space<vmem>>
    %dma_wait3A_94 = arith.constant 0 : i32
    %dma_wait3A_95 = arith.constant 0 : i32
    %dma_wait3A_96 = tpu.memref_slice %arg7[%dma_wait3A_94, %dma_wait3A_95] : memref<1024x128xf32, #tpu.memory_space<hbm>> -> memref<1024x128xf32, #tpu.memory_space<hbm>>
    tpu.wait_indirect_dma semaphore(%arg39 : memref<!tpu.dma_semaphore, #tpu.memory_space<semaphore_mem>>) src(%dma_wait3A_96 : memref<1024x128xf32, #tpu.memory_space<hbm>>) dst(%arg27 : memref<64x128xf32, #tpu.memory_space<vmem>>)
    %dma_wait3A_97 = arith.constant 0 : i32
    %dma_wait3A_98 = tpu.memref_slice %arg18[%dma_wait3A_97] : memref<512xi32, #tpu.memory_space<vmem>> -> memref<64xi32, #tpu.memory_space<vmem>>
    %dma_wait3A_99 = arith.constant 0 : i32
    %dma_wait3A_100 = arith.constant 0 : i32
    %dma_wait3A_101 = tpu.memref_slice %arg8[%dma_wait3A_99, %dma_wait3A_100] : memref<1024x48xf32, #tpu.memory_space<hbm>> -> memref<1024x48xf32, #tpu.memory_space<hbm>>
    tpu.wait_indirect_dma semaphore(%arg41 : memref<!tpu.dma_semaphore, #tpu.memory_space<semaphore_mem>>) src(%dma_wait3A_101 : memref<1024x48xf32, #tpu.memory_space<hbm>>) dst(%arg29 : memref<64x48xf32, #tpu.memory_space<vmem>>)
    %scan3A_102 = arith.constant 0 : i32
    %scan3A_103 = arith.constant 0 : i32
    %scan3A_104 = arith.constant 64 : i32
    %scan3A_105 = arith.addi %scan3A_103, %scan3A_104 : i32
    %scan3A_106 = arith.constant 1 : i32
    scf.for %scan3A_972 = %scan3A_103 to %scan3A_105 step %scan3A_106  : i32 {
      %get3A = arith.index_cast %scan3A_972 : i32 to index
      %get3A_973 = arith.constant 0 : index
      %get3A_974 = tpu.vector_load %arg23[%get3A, %get3A_973] {strides = array<i32>} : memref<64x32xf32, #tpu.memory_space<vmem>>, vector<1x16xf32>,
      %get3A_975 = vector.shape_cast %get3A_974 : vector<1x16xf32> to vector<16xf32>
      %swap3A = arith.index_cast %scan3A_972 : i32 to index
      %swap3A_976 = arith.constant 0 : index
      %swap3A_977 = tpu.vector_load %arg25[%swap3A, %swap3A_976] {strides = array<i32>} : memref<64x128xf32, #tpu.memory_space<vmem>>, vector<1x16xf32>,
      %swap3A_978 = vector.shape_cast %swap3A_977 : vector<1x16xf32> to vector<16xf32>
      %swap3A_979 = vector.shape_cast %get3A_975 : vector<16xf32> to vector<1x16xf32>
      tpu.vector_store %arg25[%swap3A, %swap3A_976], %swap3A_979 {strides = array<i32>} : memref<64x128xf32, #tpu.memory_space<vmem>>, vector<1x16xf32>,
      %get3A_980 = arith.index_cast %scan3A_972 : i32 to index
      %get3A_981 = arith.constant 16 : index
      %get3A_982 = tpu.vector_load %arg23[%get3A_980, %get3A_981] {strides = array<i32>} : memref<64x32xf32, #tpu.memory_space<vmem>>, vector<1x16xf32>,
      %get3A_983 = vector.shape_cast %get3A_982 : vector<1x16xf32> to vector<16xf32>
      %get3A_984 = arith.index_cast %scan3A_972 : i32 to index
      %get3A_985 = arith.constant 16 : index
      %get3A_986 = tpu.vector_load %arg25[%get3A_984, %get3A_985] {strides = array<i32>} : memref<64x128xf32, #tpu.memory_space<vmem>>, vector<1x16xf32>,
      %get3A_987 = vector.shape_cast %get3A_986 : vector<1x16xf32> to vector<16xf32>
      %select_n3A = arith.select %lt3A_13, %get3A_983, %get3A_987 : vector<16xi1>, vector<16xf32>
      %swap3A_988 = arith.index_cast %scan3A_972 : i32 to index
      %swap3A_989 = arith.constant 16 : index
      %swap3A_990 = tpu.vector_load %arg25[%swap3A_988, %swap3A_989] {strides = array<i32>} : memref<64x128xf32, #tpu.memory_space<vmem>>, vector<1x16xf32>,
      %swap3A_991 = vector.shape_cast %swap3A_990 : vector<1x16xf32> to vector<16xf32>
      %swap3A_992 = vector.shape_cast %select_n3A : vector<16xf32> to vector<1x16xf32>
      tpu.vector_store %arg25[%swap3A_988, %swap3A_989], %swap3A_992 {strides = array<i32>} : memref<64x128xf32, #tpu.memory_space<vmem>>, vector<1x16xf32>,
    }
    %scan3A_107 = arith.constant 64 : i32
    %add3A_108 = arith.constant 0 : i32
    %add3A_109 = arith.addi %mul3A_2, %add3A_108 : i32
    %dma_start3A_110 = arith.constant 0 : i32
    %dma_start3A_111 = tpu.memref_slice %arg9[%add3A_109, %dma_start3A_110] : memref<16384x128xf32, #tpu.memory_space<hbm>> -> memref<64x128xf32, #tpu.memory_space<hbm>>
    %dma_start3A_112 = arith.constant 0 : i32
    %dma_start3A_113 = tpu.memref_slice %arg9[%add3A_109, %dma_start3A_112] : memref<16384x128xf32, #tpu.memory_space<hbm>> -> memref<64x128xf32, #tpu.memory_space<hbm>>
    tpu.enqueue_dma source(%arg19 : memref<64x128xf32, #tpu.memory_space<vmem>>) target(%dma_start3A_113 : memref<64x128xf32, #tpu.memory_space<hbm>>) target_semaphore(%arg43 : memref<!tpu.dma_semaphore, #tpu.memory_space<semaphore_mem>>)
    %dma_start3A_114 = arith.constant 0 : i32
    %dma_start3A_115 = tpu.memref_slice %arg10[%add3A_109, %dma_start3A_114] : memref<16384x128xf32, #tpu.memory_space<hbm>> -> memref<64x128xf32, #tpu.memory_space<hbm>>
    %dma_start3A_116 = arith.constant 0 : i32
    %dma_start3A_117 = tpu.memref_slice %arg10[%add3A_109, %dma_start3A_116] : memref<16384x128xf32, #tpu.memory_space<hbm>> -> memref<64x128xf32, #tpu.memory_space<hbm>>
    tpu.enqueue_dma source(%arg21 : memref<64x128xf32, #tpu.memory_space<vmem>>) target(%dma_start3A_117 : memref<64x128xf32, #tpu.memory_space<hbm>>) target_semaphore(%arg43 : memref<!tpu.dma_semaphore, #tpu.memory_space<semaphore_mem>>)
    %dma_start3A_118 = arith.constant 0 : i32
    %dma_start3A_119 = tpu.memref_slice %arg11[%add3A_109, %dma_start3A_118] : memref<16384x128xf32, #tpu.memory_space<hbm>> -> memref<64x128xf32, #tpu.memory_space<hbm>>
    %dma_start3A_120 = arith.constant 0 : i32
    %dma_start3A_121 = tpu.memref_slice %arg11[%add3A_109, %dma_start3A_120] : memref<16384x128xf32, #tpu.memory_space<hbm>> -> memref<64x128xf32, #tpu.memory_space<hbm>>
    tpu.enqueue_dma source(%arg25 : memref<64x128xf32, #tpu.memory_space<vmem>>) target(%dma_start3A_121 : memref<64x128xf32, #tpu.memory_space<hbm>>) target_semaphore(%arg43 : memref<!tpu.dma_semaphore, #tpu.memory_space<semaphore_mem>>)
    %dma_start3A_122 = arith.constant 0 : i32
    %dma_start3A_123 = tpu.memref_slice %arg12[%add3A_109, %dma_start3A_122] : memref<16384x128xf32, #tpu.memory_space<hbm>> -> memref<64x128xf32, #tpu.memory_space<hbm>>
    %dma_start3A_124 = arith.constant 0 : i32
    %dma_start3A_125 = tpu.memref_slice %arg12[%add3A_109, %dma_start3A_124] : memref<16384x128xf32, #tpu.memory_space<hbm>> -> memref<64x128xf32, #tpu.memory_space<hbm>>
    tpu.enqueue_dma source(%arg27 : memref<64x128xf32, #tpu.memory_space<vmem>>) target(%dma_start3A_125 : memref<64x128xf32, #tpu.memory_space<hbm>>) target_semaphore(%arg43 : memref<!tpu.dma_semaphore, #tpu.memory_space<semaphore_mem>>)
    %dma_start3A_126 = arith.constant 0 : i32
    %dma_start3A_127 = arith.constant 0 : i32
    %dma_start3A_128 = tpu.memref_slice %arg29[%dma_start3A_126, %dma_start3A_127] : memref<64x48xf32, #tpu.memory_space<vmem>> -> memref<64x40xf32, #tpu.memory_space<vmem>>
    %dma_start3A_129 = arith.constant 0 : i32
    %dma_start3A_130 = tpu.memref_slice %arg13[%add3A_109, %dma_start3A_129] : memref<16384x128xf32, #tpu.memory_space<hbm>> -> memref<64x40xf32, #tpu.memory_space<hbm>>
    %dma_start3A_131 = arith.constant 0 : i32
    %dma_start3A_132 = tpu.memref_slice %arg13[%add3A_109, %dma_start3A_131] : memref<16384x128xf32, #tpu.memory_space<hbm>> -> memref<64x40xf32, #tpu.memory_space<hbm>>
    %dma_start3A_133 = arith.constant 0 : i32
    %dma_start3A_134 = arith.constant 0 : i32
    %dma_start3A_135 = tpu.memref_slice %arg29[%dma_start3A_133, %dma_start3A_134] : memref<64x48xf32, #tpu.memory_space<vmem>> -> memref<64x40xf32, #tpu.memory_space<vmem>>
    tpu.enqueue_dma source(%dma_start3A_135 : memref<64x40xf32, #tpu.memory_space<vmem>>) target(%dma_start3A_132 : memref<64x40xf32, #tpu.memory_space<hbm>>) target_semaphore(%arg43 : memref<!tpu.dma_semaphore, #tpu.memory_space<semaphore_mem>>)
    %dma_wait3A_136 = arith.constant 0 : i32
    %dma_wait3A_137 = tpu.memref_slice %arg9[%add3A_109, %dma_wait3A_136] : memref<16384x128xf32, #tpu.memory_space<hbm>> -> memref<64x128xf32, #tpu.memory_space<hbm>>
    %dma_wait3A_138 = arith.constant 0 : i32
    %dma_wait3A_139 = tpu.memref_slice %arg9[%add3A_109, %dma_wait3A_138] : memref<16384x128xf32, #tpu.memory_space<hbm>> -> memref<64x128xf32, #tpu.memory_space<hbm>>
    tpu.wait_dma2 semaphore(%arg43 : memref<!tpu.dma_semaphore, #tpu.memory_space<semaphore_mem>>) src(%arg19 : memref<64x128xf32, #tpu.memory_space<vmem>>) dst(%dma_wait3A_139 : memref<64x128xf32, #tpu.memory_space<hbm>>)
    %dma_wait3A_140 = arith.constant 0 : i32
    %dma_wait3A_141 = tpu.memref_slice %arg10[%add3A_109, %dma_wait3A_140] : memref<16384x128xf32, #tpu.memory_space<hbm>> -> memref<64x128xf32, #tpu.memory_space<hbm>>
    %dma_wait3A_142 = arith.constant 0 : i32
    %dma_wait3A_143 = tpu.memref_slice %arg10[%add3A_109, %dma_wait3A_142] : memref<16384x128xf32, #tpu.memory_space<hbm>> -> memref<64x128xf32, #tpu.memory_space<hbm>>
    tpu.wait_dma2 semaphore(%arg43 : memref<!tpu.dma_semaphore, #tpu.memory_space<semaphore_mem>>) src(%arg21 : memref<64x128xf32, #tpu.memory_space<vmem>>) dst(%dma_wait3A_143 : memref<64x128xf32, #tpu.memory_space<hbm>>)
    %dma_wait3A_144 = arith.constant 0 : i32
    %dma_wait3A_145 = tpu.memref_slice %arg11[%add3A_109, %dma_wait3A_144] : memref<16384x128xf32, #tpu.memory_space<hbm>> -> memref<64x128xf32, #tpu.memory_space<hbm>>
    %dma_wait3A_146 = arith.constant 0 : i32
    %dma_wait3A_147 = tpu.memref_slice %arg11[%add3A_109, %dma_wait3A_146] : memref<16384x128xf32, #tpu.memory_space<hbm>> -> memref<64x128xf32, #tpu.memory_space<hbm>>
    tpu.wait_dma2 semaphore(%arg43 : memref<!tpu.dma_semaphore, #tpu.memory_space<semaphore_mem>>) src(%arg25 : memref<64x128xf32, #tpu.memory_space<vmem>>) dst(%dma_wait3A_147 : memref<64x128xf32, #tpu.memory_space<hbm>>)
    %dma_wait3A_148 = arith.constant 0 : i32
    %dma_wait3A_149 = tpu.memref_slice %arg12[%add3A_109, %dma_wait3A_148] : memref<16384x128xf32, #tpu.memory_space<hbm>> -> memref<64x128xf32, #tpu.memory_space<hbm>>
    %dma_wait3A_150 = arith.constant 0 : i32
    %dma_wait3A_151 = tpu.memref_slice %arg12[%add3A_109, %dma_wait3A_150] : memref<16384x128xf32, #tpu.memory_space<hbm>> -> memref<64x128xf32, #tpu.memory_space<hbm>>
    tpu.wait_dma2 semaphore(%arg43 : memref<!tpu.dma_semaphore, #tpu.memory_space<semaphore_mem>>) src(%arg27 : memref<64x128xf32, #tpu.memory_space<vmem>>) dst(%dma_wait3A_151 : memref<64x128xf32, #tpu.memory_space<hbm>>)
    %dma_wait3A_152 = arith.constant 0 : i32
    %dma_wait3A_153 = arith.constant 0 : i32
    %dma_wait3A_154 = tpu.memref_slice %arg29[%dma_wait3A_152, %dma_wait3A_153] : memref<64x48xf32, #tpu.memory_space<vmem>> -> memref<64x40xf32, #tpu.memory_space<vmem>>
    %dma_wait3A_155 = arith.constant 0 : i32
    %dma_wait3A_156 = tpu.memref_slice %arg13[%add3A_109, %dma_wait3A_155] : memref<16384x128xf32, #tpu.memory_space<hbm>> -> memref<64x40xf32, #tpu.memory_space<hbm>>
    %dma_wait3A_157 = arith.constant 0 : i32
    %dma_wait3A_158 = tpu.memref_slice %arg13[%add3A_109, %dma_wait3A_157] : memref<16384x128xf32, #tpu.memory_space<hbm>> -> memref<64x40xf32, #tpu.memory_space<hbm>>
    %dma_wait3A_159 = arith.constant 0 : i32
    %dma_wait3A_160 = arith.constant 0 : i32
    %dma_wait3A_161 = tpu.memref_slice %arg29[%dma_wait3A_159, %dma_wait3A_160] : memref<64x48xf32, #tpu.memory_space<vmem>> -> memref<64x40xf32, #tpu.memory_space<vmem>>
    tpu.wait_dma2 semaphore(%arg43 : memref<!tpu.dma_semaphore, #tpu.memory_space<semaphore_mem>>) src(%dma_wait3A_161 : memref<64x40xf32, #tpu.memory_space<vmem>>) dst(%dma_wait3A_158 : memref<64x40xf32, #tpu.memory_space<hbm>>)
    %dma_start3A_162 = arith.constant 128 : i32
    %dma_start3A_163 = tpu.memref_slice %arg17[%dma_start3A_162] : memref<512xi32, #tpu.memory_space<vmem>> -> memref<64xi32, #tpu.memory_space<vmem>>
    %dma_start3A_164 = arith.constant 0 : i32
    %dma_start3A_165 = arith.constant 0 : i32
    %dma_start3A_166 = tpu.memref_slice %arg3[%dma_start3A_164, %dma_start3A_165] : memref<1024x128xf32, #tpu.memory_space<hbm>> -> memref<1024x128xf32, #tpu.memory_space<hbm>>
    tpu.enqueue_indirect_dma source(%dma_start3A_166 : memref<1024x128xf32, #tpu.memory_space<hbm>>) target(%arg19 : memref<64x128xf32, #tpu.memory_space<vmem>>) offsets(%dma_start3A_163 : memref<64xi32, #tpu.memory_space<vmem>>) semaphore(%arg31 : memref<!tpu.dma_semaphore, #tpu.memory_space<semaphore_mem>>)
    %dma_start3A_167 = arith.constant 128 : i32
    %dma_start3A_168 = tpu.memref_slice %arg17[%dma_start3A_167] : memref<512xi32, #tpu.memory_space<vmem>> -> memref<64xi32, #tpu.memory_space<vmem>>
    %dma_start3A_169 = arith.constant 0 : i32
    %dma_start3A_170 = arith.constant 0 : i32
    %dma_start3A_171 = tpu.memref_slice %arg4[%dma_start3A_169, %dma_start3A_170] : memref<1024x128xf32, #tpu.memory_space<hbm>> -> memref<1024x128xf32, #tpu.memory_space<hbm>>
    tpu.enqueue_indirect_dma source(%dma_start3A_171 : memref<1024x128xf32, #tpu.memory_space<hbm>>) target(%arg21 : memref<64x128xf32, #tpu.memory_space<vmem>>) offsets(%dma_start3A_168 : memref<64xi32, #tpu.memory_space<vmem>>) semaphore(%arg33 : memref<!tpu.dma_semaphore, #tpu.memory_space<semaphore_mem>>)
    %dma_start3A_172 = arith.constant 128 : i32
    %dma_start3A_173 = tpu.memref_slice %arg17[%dma_start3A_172] : memref<512xi32, #tpu.memory_space<vmem>> -> memref<64xi32, #tpu.memory_space<vmem>>
    %dma_start3A_174 = arith.constant 0 : i32
    %dma_start3A_175 = arith.constant 0 : i32
    %dma_start3A_176 = tpu.memref_slice %arg5[%dma_start3A_174, %dma_start3A_175] : memref<1024x32xf32, #tpu.memory_space<hbm>> -> memref<1024x32xf32, #tpu.memory_space<hbm>>
    tpu.enqueue_indirect_dma source(%dma_start3A_176 : memref<1024x32xf32, #tpu.memory_space<hbm>>) target(%arg23 : memref<64x32xf32, #tpu.memory_space<vmem>>) offsets(%dma_start3A_173 : memref<64xi32, #tpu.memory_space<vmem>>) semaphore(%arg35 : memref<!tpu.dma_semaphore, #tpu.memory_space<semaphore_mem>>)
    %dma_start3A_177 = arith.constant 128 : i32
    %dma_start3A_178 = tpu.memref_slice %arg18[%dma_start3A_177] : memref<512xi32, #tpu.memory_space<vmem>> -> memref<64xi32, #tpu.memory_space<vmem>>
    %dma_start3A_179 = arith.constant 0 : i32
    %dma_start3A_180 = arith.constant 0 : i32
    %dma_start3A_181 = tpu.memref_slice %arg6[%dma_start3A_179, %dma_start3A_180] : memref<1024x128xf32, #tpu.memory_space<hbm>> -> memref<1024x128xf32, #tpu.memory_space<hbm>>
    tpu.enqueue_indirect_dma source(%dma_start3A_181 : memref<1024x128xf32, #tpu.memory_space<hbm>>) target(%arg25 : memref<64x128xf32, #tpu.memory_space<vmem>>) offsets(%dma_start3A_178 : memref<64xi32, #tpu.memory_space<vmem>>) semaphore(%arg37 : memref<!tpu.dma_semaphore, #tpu.memory_space<semaphore_mem>>)
    %dma_start3A_182 = arith.constant 128 : i32
    %dma_start3A_183 = tpu.memref_slice %arg18[%dma_start3A_182] : memref<512xi32, #tpu.memory_space<vmem>> -> memref<64xi32, #tpu.memory_space<vmem>>
    %dma_start3A_184 = arith.constant 0 : i32
    %dma_start3A_185 = arith.constant 0 : i32
    %dma_start3A_186 = tpu.memref_slice %arg7[%dma_start3A_184, %dma_start3A_185] : memref<1024x128xf32, #tpu.memory_space<hbm>> -> memref<1024x128xf32, #tpu.memory_space<hbm>>
    tpu.enqueue_indirect_dma source(%dma_start3A_186 : memref<1024x128xf32, #tpu.memory_space<hbm>>) target(%arg27 : memref<64x128xf32, #tpu.memory_space<vmem>>) offsets(%dma_start3A_183 : memref<64xi32, #tpu.memory_space<vmem>>) semaphore(%arg39 : memref<!tpu.dma_semaphore, #tpu.memory_space<semaphore_mem>>)
    %dma_start3A_187 = arith.constant 128 : i32
    %dma_start3A_188 = tpu.memref_slice %arg18[%dma_start3A_187] : memref<512xi32, #tpu.memory_space<vmem>> -> memref<64xi32, #tpu.memory_space<vmem>>
    %dma_start3A_189 = arith.constant 0 : i32
    %dma_start3A_190 = arith.constant 0 : i32
    %dma_start3A_191 = tpu.memref_slice %arg8[%dma_start3A_189, %dma_start3A_190] : memref<1024x48xf32, #tpu.memory_space<hbm>> -> memref<1024x48xf32, #tpu.memory_space<hbm>>
    tpu.enqueue_indirect_dma source(%dma_start3A_191 : memref<1024x48xf32, #tpu.memory_space<hbm>>) target(%arg29 : memref<64x48xf32, #tpu.memory_space<vmem>>) offsets(%dma_start3A_188 : memref<64xi32, #tpu.memory_space<vmem>>) semaphore(%arg41 : memref<!tpu.dma_semaphore, #tpu.memory_space<semaphore_mem>>)
    %dma_wait3A_192 = arith.constant 64 : i32
    %dma_wait3A_193 = tpu.memref_slice %arg17[%dma_wait3A_192] : memref<512xi32, #tpu.memory_space<vmem>> -> memref<64xi32, #tpu.memory_space<vmem>>
    %dma_wait3A_194 = arith.constant 0 : i32
    %dma_wait3A_195 = arith.constant 0 : i32
    %dma_wait3A_196 = tpu.memref_slice %arg3[%dma_wait3A_194, %dma_wait3A_195] : memref<1024x128xf32, #tpu.memory_space<hbm>> -> memref<1024x128xf32, #tpu.memory_space<hbm>>
    tpu.wait_indirect_dma semaphore(%arg32 : memref<!tpu.dma_semaphore, #tpu.memory_space<semaphore_mem>>) src(%dma_wait3A_196 : memref<1024x128xf32, #tpu.memory_space<hbm>>) dst(%arg20 : memref<64x128xf32, #tpu.memory_space<vmem>>)
    %dma_wait3A_197 = arith.constant 64 : i32
    %dma_wait3A_198 = tpu.memref_slice %arg17[%dma_wait3A_197] : memref<512xi32, #tpu.memory_space<vmem>> -> memref<64xi32, #tpu.memory_space<vmem>>
    %dma_wait3A_199 = arith.constant 0 : i32
    %dma_wait3A_200 = arith.constant 0 : i32
    %dma_wait3A_201 = tpu.memref_slice %arg4[%dma_wait3A_199, %dma_wait3A_200] : memref<1024x128xf32, #tpu.memory_space<hbm>> -> memref<1024x128xf32, #tpu.memory_space<hbm>>
    tpu.wait_indirect_dma semaphore(%arg34 : memref<!tpu.dma_semaphore, #tpu.memory_space<semaphore_mem>>) src(%dma_wait3A_201 : memref<1024x128xf32, #tpu.memory_space<hbm>>) dst(%arg22 : memref<64x128xf32, #tpu.memory_space<vmem>>)
    %dma_wait3A_202 = arith.constant 64 : i32
    %dma_wait3A_203 = tpu.memref_slice %arg17[%dma_wait3A_202] : memref<512xi32, #tpu.memory_space<vmem>> -> memref<64xi32, #tpu.memory_space<vmem>>
    %dma_wait3A_204 = arith.constant 0 : i32
    %dma_wait3A_205 = arith.constant 0 : i32
    %dma_wait3A_206 = tpu.memref_slice %arg5[%dma_wait3A_204, %dma_wait3A_205] : memref<1024x32xf32, #tpu.memory_space<hbm>> -> memref<1024x32xf32, #tpu.memory_space<hbm>>
    tpu.wait_indirect_dma semaphore(%arg36 : memref<!tpu.dma_semaphore, #tpu.memory_space<semaphore_mem>>) src(%dma_wait3A_206 : memref<1024x32xf32, #tpu.memory_space<hbm>>) dst(%arg24 : memref<64x32xf32, #tpu.memory_space<vmem>>)
    %dma_wait3A_207 = arith.constant 64 : i32
    %dma_wait3A_208 = tpu.memref_slice %arg18[%dma_wait3A_207] : memref<512xi32, #tpu.memory_space<vmem>> -> memref<64xi32, #tpu.memory_space<vmem>>
    %dma_wait3A_209 = arith.constant 0 : i32
    %dma_wait3A_210 = arith.constant 0 : i32
    %dma_wait3A_211 = tpu.memref_slice %arg6[%dma_wait3A_209, %dma_wait3A_210] : memref<1024x128xf32, #tpu.memory_space<hbm>> -> memref<1024x128xf32, #tpu.memory_space<hbm>>
    tpu.wait_indirect_dma semaphore(%arg38 : memref<!tpu.dma_semaphore, #tpu.memory_space<semaphore_mem>>) src(%dma_wait3A_211 : memref<1024x128xf32, #tpu.memory_space<hbm>>) dst(%arg26 : memref<64x128xf32, #tpu.memory_space<vmem>>)
    %dma_wait3A_212 = arith.constant 64 : i32
    %dma_wait3A_213 = tpu.memref_slice %arg18[%dma_wait3A_212] : memref<512xi32, #tpu.memory_space<vmem>> -> memref<64xi32, #tpu.memory_space<vmem>>
    %dma_wait3A_214 = arith.constant 0 : i32
    %dma_wait3A_215 = arith.constant 0 : i32
    %dma_wait3A_216 = tpu.memref_slice %arg7[%dma_wait3A_214, %dma_wait3A_215] : memref<1024x128xf32, #tpu.memory_space<hbm>> -> memref<1024x128xf32, #tpu.memory_space<hbm>>
    tpu.wait_indirect_dma semaphore(%arg40 : memref<!tpu.dma_semaphore, #tpu.memory_space<semaphore_mem>>) src(%dma_wait3A_216 : memref<1024x128xf32, #tpu.memory_space<hbm>>) dst(%arg28 : memref<64x128xf32, #tpu.memory_space<vmem>>)
    %dma_wait3A_217 = arith.constant 64 : i32
    %dma_wait3A_218 = tpu.memref_slice %arg18[%dma_wait3A_217] : memref<512xi32, #tpu.memory_space<vmem>> -> memref<64xi32, #tpu.memory_space<vmem>>
    %dma_wait3A_219 = arith.constant 0 : i32
    %dma_wait3A_220 = arith.constant 0 : i32
    %dma_wait3A_221 = tpu.memref_slice %arg8[%dma_wait3A_219, %dma_wait3A_220] : memref<1024x48xf32, #tpu.memory_space<hbm>> -> memref<1024x48xf32, #tpu.memory_space<hbm>>
    tpu.wait_indirect_dma semaphore(%arg42 : memref<!tpu.dma_semaphore, #tpu.memory_space<semaphore_mem>>) src(%dma_wait3A_221 : memref<1024x48xf32, #tpu.memory_space<hbm>>) dst(%arg30 : memref<64x48xf32, #tpu.memory_space<vmem>>)
    %scan3A_222 = arith.constant 0 : i32
    %scan3A_223 = arith.constant 0 : i32
    %scan3A_224 = arith.constant 64 : i32
    %scan3A_225 = arith.addi %scan3A_223, %scan3A_224 : i32
    %scan3A_226 = arith.constant 1 : i32
    scf.for %scan3A_972 = %scan3A_223 to %scan3A_225 step %scan3A_226  : i32 {
      %get3A = arith.index_cast %scan3A_972 : i32 to index
      %get3A_973 = arith.constant 0 : index
      %get3A_974 = tpu.vector_load %arg24[%get3A, %get3A_973] {strides = array<i32>} : memref<64x32xf32, #tpu.memory_space<vmem>>, vector<1x16xf32>,
      %get3A_975 = vector.shape_cast %get3A_974 : vector<1x16xf32> to vector<16xf32>
      %swap3A = arith.index_cast %scan3A_972 : i32 to index
      %swap3A_976 = arith.constant 0 : index
      %swap3A_977 = tpu.vector_load %arg26[%swap3A, %swap3A_976] {strides = array<i32>} : memref<64x128xf32, #tpu.memory_space<vmem>>, vector<1x16xf32>,
      %swap3A_978 = vector.shape_cast %swap3A_977 : vector<1x16xf32> to vector<16xf32>
      %swap3A_979 = vector.shape_cast %get3A_975 : vector<16xf32> to vector<1x16xf32>
      tpu.vector_store %arg26[%swap3A, %swap3A_976], %swap3A_979 {strides = array<i32>} : memref<64x128xf32, #tpu.memory_space<vmem>>, vector<1x16xf32>,
      %get3A_980 = arith.index_cast %scan3A_972 : i32 to index
      %get3A_981 = arith.constant 16 : index
      %get3A_982 = tpu.vector_load %arg24[%get3A_980, %get3A_981] {strides = array<i32>} : memref<64x32xf32, #tpu.memory_space<vmem>>, vector<1x16xf32>,
      %get3A_983 = vector.shape_cast %get3A_982 : vector<1x16xf32> to vector<16xf32>
      %get3A_984 = arith.index_cast %scan3A_972 : i32 to index
      %get3A_985 = arith.constant 16 : index
      %get3A_986 = tpu.vector_load %arg26[%get3A_984, %get3A_985] {strides = array<i32>} : memref<64x128xf32, #tpu.memory_space<vmem>>, vector<1x16xf32>,
      %get3A_987 = vector.shape_cast %get3A_986 : vector<1x16xf32> to vector<16xf32>
      %select_n3A = arith.select %lt3A_13, %get3A_983, %get3A_987 : vector<16xi1>, vector<16xf32>
      %swap3A_988 = arith.index_cast %scan3A_972 : i32 to index
      %swap3A_989 = arith.constant 16 : index
      %swap3A_990 = tpu.vector_load %arg26[%swap3A_988, %swap3A_989] {strides = array<i32>} : memref<64x128xf32, #tpu.memory_space<vmem>>, vector<1x16xf32>,
      %swap3A_991 = vector.shape_cast %swap3A_990 : vector<1x16xf32> to vector<16xf32>
      %swap3A_992 = vector.shape_cast %select_n3A : vector<16xf32> to vector<1x16xf32>
      tpu.vector_store %arg26[%swap3A_988, %swap3A_989], %swap3A_992 {strides = array<i32>} : memref<64x128xf32, #tpu.memory_space<vmem>>, vector<1x16xf32>,
    }
    %scan3A_227 = arith.constant 64 : i32
    %add3A_228 = arith.constant 64 : i32
    %add3A_229 = arith.addi %mul3A_2, %add3A_228 : i32
    %dma_start3A_230 = arith.constant 0 : i32
    %dma_start3A_231 = tpu.memref_slice %arg9[%add3A_229, %dma_start3A_230] : memref<16384x128xf32, #tpu.memory_space<hbm>> -> memref<64x128xf32, #tpu.memory_space<hbm>>
    %dma_start3A_232 = arith.constant 0 : i32
    %dma_start3A_233 = tpu.memref_slice %arg9[%add3A_229, %dma_start3A_232] : memref<16384x128xf32, #tpu.memory_space<hbm>> -> memref<64x128xf32, #tpu.memory_space<hbm>>
    tpu.enqueue_dma source(%arg20 : memref<64x128xf32, #tpu.memory_space<vmem>>) target(%dma_start3A_233 : memref<64x128xf32, #tpu.memory_space<hbm>>) target_semaphore(%arg44 : memref<!tpu.dma_semaphore, #tpu.memory_space<semaphore_mem>>)
    %dma_start3A_234 = arith.constant 0 : i32
    %dma_start3A_235 = tpu.memref_slice %arg10[%add3A_229, %dma_start3A_234] : memref<16384x128xf32, #tpu.memory_space<hbm>> -> memref<64x128xf32, #tpu.memory_space<hbm>>
    %dma_start3A_236 = arith.constant 0 : i32
    %dma_start3A_237 = tpu.memref_slice %arg10[%add3A_229, %dma_start3A_236] : memref<16384x128xf32, #tpu.memory_space<hbm>> -> memref<64x128xf32, #tpu.memory_space<hbm>>
    tpu.enqueue_dma source(%arg22 : memref<64x128xf32, #tpu.memory_space<vmem>>) target(%dma_start3A_237 : memref<64x128xf32, #tpu.memory_space<hbm>>) target_semaphore(%arg44 : memref<!tpu.dma_semaphore, #tpu.memory_space<semaphore_mem>>)
    %dma_start3A_238 = arith.constant 0 : i32
    %dma_start3A_239 = tpu.memref_slice %arg11[%add3A_229, %dma_start3A_238] : memref<16384x128xf32, #tpu.memory_space<hbm>> -> memref<64x128xf32, #tpu.memory_space<hbm>>
    %dma_start3A_240 = arith.constant 0 : i32
    %dma_start3A_241 = tpu.memref_slice %arg11[%add3A_229, %dma_start3A_240] : memref<16384x128xf32, #tpu.memory_space<hbm>> -> memref<64x128xf32, #tpu.memory_space<hbm>>
    tpu.enqueue_dma source(%arg26 : memref<64x128xf32, #tpu.memory_space<vmem>>) target(%dma_start3A_241 : memref<64x128xf32, #tpu.memory_space<hbm>>) target_semaphore(%arg44 : memref<!tpu.dma_semaphore, #tpu.memory_space<semaphore_mem>>)
    %dma_start3A_242 = arith.constant 0 : i32
    %dma_start3A_243 = tpu.memref_slice %arg12[%add3A_229, %dma_start3A_242] : memref<16384x128xf32, #tpu.memory_space<hbm>> -> memref<64x128xf32, #tpu.memory_space<hbm>>
    %dma_start3A_244 = arith.constant 0 : i32
    %dma_start3A_245 = tpu.memref_slice %arg12[%add3A_229, %dma_start3A_244] : memref<16384x128xf32, #tpu.memory_space<hbm>> -> memref<64x128xf32, #tpu.memory_space<hbm>>
    tpu.enqueue_dma source(%arg28 : memref<64x128xf32, #tpu.memory_space<vmem>>) target(%dma_start3A_245 : memref<64x128xf32, #tpu.memory_space<hbm>>) target_semaphore(%arg44 : memref<!tpu.dma_semaphore, #tpu.memory_space<semaphore_mem>>)
    %dma_start3A_246 = arith.constant 0 : i32
    %dma_start3A_247 = arith.constant 0 : i32
    %dma_start3A_248 = tpu.memref_slice %arg30[%dma_start3A_246, %dma_start3A_247] : memref<64x48xf32, #tpu.memory_space<vmem>> -> memref<64x40xf32, #tpu.memory_space<vmem>>
    %dma_start3A_249 = arith.constant 0 : i32
    %dma_start3A_250 = tpu.memref_slice %arg13[%add3A_229, %dma_start3A_249] : memref<16384x128xf32, #tpu.memory_space<hbm>> -> memref<64x40xf32, #tpu.memory_space<hbm>>
    %dma_start3A_251 = arith.constant 0 : i32
    %dma_start3A_252 = tpu.memref_slice %arg13[%add3A_229, %dma_start3A_251] : memref<16384x128xf32, #tpu.memory_space<hbm>> -> memref<64x40xf32, #tpu.memory_space<hbm>>
    %dma_start3A_253 = arith.constant 0 : i32
    %dma_start3A_254 = arith.constant 0 : i32
    %dma_start3A_255 = tpu.memref_slice %arg30[%dma_start3A_253, %dma_start3A_254] : memref<64x48xf32, #tpu.memory_space<vmem>> -> memref<64x40xf32, #tpu.memory_space<vmem>>
    tpu.enqueue_dma source(%dma_start3A_255 : memref<64x40xf32, #tpu.memory_space<vmem>>) target(%dma_start3A_252 : memref<64x40xf32, #tpu.memory_space<hbm>>) target_semaphore(%arg44 : memref<!tpu.dma_semaphore, #tpu.memory_space<semaphore_mem>>)
    %dma_wait3A_256 = arith.constant 0 : i32
    %dma_wait3A_257 = tpu.memref_slice %arg9[%add3A_229, %dma_wait3A_256] : memref<16384x128xf32, #tpu.memory_space<hbm>> -> memref<64x128xf32, #tpu.memory_space<hbm>>
    %dma_wait3A_258 = arith.constant 0 : i32
    %dma_wait3A_259 = tpu.memref_slice %arg9[%add3A_229, %dma_wait3A_258] : memref<16384x128xf32, #tpu.memory_space<hbm>> -> memref<64x128xf32, #tpu.memory_space<hbm>>
    tpu.wait_dma2 semaphore(%arg44 : memref<!tpu.dma_semaphore, #tpu.memory_space<semaphore_mem>>) src(%arg20 : memref<64x128xf32, #tpu.memory_space<vmem>>) dst(%dma_wait3A_259 : memref<64x128xf32, #tpu.memory_space<hbm>>)
    %dma_wait3A_260 = arith.constant 0 : i32
    %dma_wait3A_261 = tpu.memref_slice %arg10[%add3A_229, %dma_wait3A_260] : memref<16384x128xf32, #tpu.memory_space<hbm>> -> memref<64x128xf32, #tpu.memory_space<hbm>>
    %dma_wait3A_262 = arith.constant 0 : i32
    %dma_wait3A_263 = tpu.memref_slice %arg10[%add3A_229, %dma_wait3A_262] : memref<16384x128xf32, #tpu.memory_space<hbm>> -> memref<64x128xf32, #tpu.memory_space<hbm>>
    tpu.wait_dma2 semaphore(%arg44 : memref<!tpu.dma_semaphore, #tpu.memory_space<semaphore_mem>>) src(%arg22 : memref<64x128xf32, #tpu.memory_space<vmem>>) dst(%dma_wait3A_263 : memref<64x128xf32, #tpu.memory_space<hbm>>)
    %dma_wait3A_264 = arith.constant 0 : i32
    %dma_wait3A_265 = tpu.memref_slice %arg11[%add3A_229, %dma_wait3A_264] : memref<16384x128xf32, #tpu.memory_space<hbm>> -> memref<64x128xf32, #tpu.memory_space<hbm>>
    %dma_wait3A_266 = arith.constant 0 : i32
    %dma_wait3A_267 = tpu.memref_slice %arg11[%add3A_229, %dma_wait3A_266] : memref<16384x128xf32, #tpu.memory_space<hbm>> -> memref<64x128xf32, #tpu.memory_space<hbm>>
    tpu.wait_dma2 semaphore(%arg44 : memref<!tpu.dma_semaphore, #tpu.memory_space<semaphore_mem>>) src(%arg26 : memref<64x128xf32, #tpu.memory_space<vmem>>) dst(%dma_wait3A_267 : memref<64x128xf32, #tpu.memory_space<hbm>>)
    %dma_wait3A_268 = arith.constant 0 : i32
    %dma_wait3A_269 = tpu.memref_slice %arg12[%add3A_229, %dma_wait3A_268] : memref<16384x128xf32, #tpu.memory_space<hbm>> -> memref<64x128xf32, #tpu.memory_space<hbm>>
    %dma_wait3A_270 = arith.constant 0 : i32
    %dma_wait3A_271 = tpu.memref_slice %arg12[%add3A_229, %dma_wait3A_270] : memref<16384x128xf32, #tpu.memory_space<hbm>> -> memref<64x128xf32, #tpu.memory_space<hbm>>
    tpu.wait_dma2 semaphore(%arg44 : memref<!tpu.dma_semaphore, #tpu.memory_space<semaphore_mem>>) src(%arg28 : memref<64x128xf32, #tpu.memory_space<vmem>>) dst(%dma_wait3A_271 : memref<64x128xf32, #tpu.memory_space<hbm>>)
    %dma_wait3A_272 = arith.constant 0 : i32
    %dma_wait3A_273 = arith.constant 0 : i32
    %dma_wait3A_274 = tpu.memref_slice %arg30[%dma_wait3A_272, %dma_wait3A_273] : memref<64x48xf32, #tpu.memory_space<vmem>> -> memref<64x40xf32, #tpu.memory_space<vmem>>
    %dma_wait3A_275 = arith.constant 0 : i32
    %dma_wait3A_276 = tpu.memref_slice %arg13[%add3A_229, %dma_wait3A_275] : memref<16384x128xf32, #tpu.memory_space<hbm>> -> memref<64x40xf32, #tpu.memory_space<hbm>>
    %dma_wait3A_277 = arith.constant 0 : i32
    %dma_wait3A_278 = tpu.memref_slice %arg13[%add3A_229, %dma_wait3A_277] : memref<16384x128xf32, #tpu.memory_space<hbm>> -> memref<64x40xf32, #tpu.memory_space<hbm>>
    %dma_wait3A_279 = arith.constant 0 : i32
    %dma_wait3A_280 = arith.constant 0 : i32
    %dma_wait3A_281 = tpu.memref_slice %arg30[%dma_wait3A_279, %dma_wait3A_280] : memref<64x48xf32, #tpu.memory_space<vmem>> -> memref<64x40xf32, #tpu.memory_space<vmem>>
    tpu.wait_dma2 semaphore(%arg44 : memref<!tpu.dma_semaphore, #tpu.memory_space<semaphore_mem>>) src(%dma_wait3A_281 : memref<64x40xf32, #tpu.memory_space<vmem>>) dst(%dma_wait3A_278 : memref<64x40xf32, #tpu.memory_space<hbm>>)
    %dma_start3A_282 = arith.constant 192 : i32
    %dma_start3A_283 = tpu.memref_slice %arg17[%dma_start3A_282] : memref<512xi32, #tpu.memory_space<vmem>> -> memref<64xi32, #tpu.memory_space<vmem>>
    %dma_start3A_284 = arith.constant 0 : i32
    %dma_start3A_285 = arith.constant 0 : i32
    %dma_start3A_286 = tpu.memref_slice %arg3[%dma_start3A_284, %dma_start3A_285] : memref<1024x128xf32, #tpu.memory_space<hbm>> -> memref<1024x128xf32, #tpu.memory_space<hbm>>
    tpu.enqueue_indirect_dma source(%dma_start3A_286 : memref<1024x128xf32, #tpu.memory_space<hbm>>) target(%arg20 : memref<64x128xf32, #tpu.memory_space<vmem>>) offsets(%dma_start3A_283 : memref<64xi32, #tpu.memory_space<vmem>>) semaphore(%arg32 : memref<!tpu.dma_semaphore, #tpu.memory_space<semaphore_mem>>)
    %dma_start3A_287 = arith.constant 192 : i32
    %dma_start3A_288 = tpu.memref_slice %arg17[%dma_start3A_287] : memref<512xi32, #tpu.memory_space<vmem>> -> memref<64xi32, #tpu.memory_space<vmem>>
    %dma_start3A_289 = arith.constant 0 : i32
    %dma_start3A_290 = arith.constant 0 : i32
    %dma_start3A_291 = tpu.memref_slice %arg4[%dma_start3A_289, %dma_start3A_290] : memref<1024x128xf32, #tpu.memory_space<hbm>> -> memref<1024x128xf32, #tpu.memory_space<hbm>>
    tpu.enqueue_indirect_dma source(%dma_start3A_291 : memref<1024x128xf32, #tpu.memory_space<hbm>>) target(%arg22 : memref<64x128xf32, #tpu.memory_space<vmem>>) offsets(%dma_start3A_288 : memref<64xi32, #tpu.memory_space<vmem>>) semaphore(%arg34 : memref<!tpu.dma_semaphore, #tpu.memory_space<semaphore_mem>>)
    %dma_start3A_292 = arith.constant 192 : i32
    %dma_start3A_293 = tpu.memref_slice %arg17[%dma_start3A_292] : memref<512xi32, #tpu.memory_space<vmem>> -> memref<64xi32, #tpu.memory_space<vmem>>
    %dma_start3A_294 = arith.constant 0 : i32
    %dma_start3A_295 = arith.constant 0 : i32
    %dma_start3A_296 = tpu.memref_slice %arg5[%dma_start3A_294, %dma_start3A_295] : memref<1024x32xf32, #tpu.memory_space<hbm>> -> memref<1024x32xf32, #tpu.memory_space<hbm>>
    tpu.enqueue_indirect_dma source(%dma_start3A_296 : memref<1024x32xf32, #tpu.memory_space<hbm>>) target(%arg24 : memref<64x32xf32, #tpu.memory_space<vmem>>) offsets(%dma_start3A_293 : memref<64xi32, #tpu.memory_space<vmem>>) semaphore(%arg36 : memref<!tpu.dma_semaphore, #tpu.memory_space<semaphore_mem>>)
    %dma_start3A_297 = arith.constant 192 : i32
    %dma_start3A_298 = tpu.memref_slice %arg18[%dma_start3A_297] : memref<512xi32, #tpu.memory_space<vmem>> -> memref<64xi32, #tpu.memory_space<vmem>>
    %dma_start3A_299 = arith.constant 0 : i32
    %dma_start3A_300 = arith.constant 0 : i32
    %dma_start3A_301 = tpu.memref_slice %arg6[%dma_start3A_299, %dma_start3A_300] : memref<1024x128xf32, #tpu.memory_space<hbm>> -> memref<1024x128xf32, #tpu.memory_space<hbm>>
    tpu.enqueue_indirect_dma source(%dma_start3A_301 : memref<1024x128xf32, #tpu.memory_space<hbm>>) target(%arg26 : memref<64x128xf32, #tpu.memory_space<vmem>>) offsets(%dma_start3A_298 : memref<64xi32, #tpu.memory_space<vmem>>) semaphore(%arg38 : memref<!tpu.dma_semaphore, #tpu.memory_space<semaphore_mem>>)
    %dma_start3A_302 = arith.constant 192 : i32
    %dma_start3A_303 = tpu.memref_slice %arg18[%dma_start3A_302] : memref<512xi32, #tpu.memory_space<vmem>> -> memref<64xi32, #tpu.memory_space<vmem>>
    %dma_start3A_304 = arith.constant 0 : i32
    %dma_start3A_305 = arith.constant 0 : i32
    %dma_start3A_306 = tpu.memref_slice %arg7[%dma_start3A_304, %dma_start3A_305] : memref<1024x128xf32, #tpu.memory_space<hbm>> -> memref<1024x128xf32, #tpu.memory_space<hbm>>
    tpu.enqueue_indirect_dma source(%dma_start3A_306 : memref<1024x128xf32, #tpu.memory_space<hbm>>) target(%arg28 : memref<64x128xf32, #tpu.memory_space<vmem>>) offsets(%dma_start3A_303 : memref<64xi32, #tpu.memory_space<vmem>>) semaphore(%arg40 : memref<!tpu.dma_semaphore, #tpu.memory_space<semaphore_mem>>)
    %dma_start3A_307 = arith.constant 192 : i32
    %dma_start3A_308 = tpu.memref_slice %arg18[%dma_start3A_307] : memref<512xi32, #tpu.memory_space<vmem>> -> memref<64xi32, #tpu.memory_space<vmem>>
    %dma_start3A_309 = arith.constant 0 : i32
    %dma_start3A_310 = arith.constant 0 : i32
    %dma_start3A_311 = tpu.memref_slice %arg8[%dma_start3A_309, %dma_start3A_310] : memref<1024x48xf32, #tpu.memory_space<hbm>> -> memref<1024x48xf32, #tpu.memory_space<hbm>>
    tpu.enqueue_indirect_dma source(%dma_start3A_311 : memref<1024x48xf32, #tpu.memory_space<hbm>>) target(%arg30 : memref<64x48xf32, #tpu.memory_space<vmem>>) offsets(%dma_start3A_308 : memref<64xi32, #tpu.memory_space<vmem>>) semaphore(%arg42 : memref<!tpu.dma_semaphore, #tpu.memory_space<semaphore_mem>>)
    %dma_wait3A_312 = arith.constant 128 : i32
    %dma_wait3A_313 = tpu.memref_slice %arg17[%dma_wait3A_312] : memref<512xi32, #tpu.memory_space<vmem>> -> memref<64xi32, #tpu.memory_space<vmem>>
    %dma_wait3A_314 = arith.constant 0 : i32
    %dma_wait3A_315 = arith.constant 0 : i32
    %dma_wait3A_316 = tpu.memref_slice %arg3[%dma_wait3A_314, %dma_wait3A_315] : memref<1024x128xf32, #tpu.memory_space<hbm>> -> memref<1024x128xf32, #tpu.memory_space<hbm>>
    tpu.wait_indirect_dma semaphore(%arg31 : memref<!tpu.dma_semaphore, #tpu.memory_space<semaphore_mem>>) src(%dma_wait3A_316 : memref<1024x128xf32, #tpu.memory_space<hbm>>) dst(%arg19 : memref<64x128xf32, #tpu.memory_space<vmem>>)
    %dma_wait3A_317 = arith.constant 128 : i32
    %dma_wait3A_318 = tpu.memref_slice %arg17[%dma_wait3A_317] : memref<512xi32, #tpu.memory_space<vmem>> -> memref<64xi32, #tpu.memory_space<vmem>>
    %dma_wait3A_319 = arith.constant 0 : i32
    %dma_wait3A_320 = arith.constant 0 : i32
    %dma_wait3A_321 = tpu.memref_slice %arg4[%dma_wait3A_319, %dma_wait3A_320] : memref<1024x128xf32, #tpu.memory_space<hbm>> -> memref<1024x128xf32, #tpu.memory_space<hbm>>
    tpu.wait_indirect_dma semaphore(%arg33 : memref<!tpu.dma_semaphore, #tpu.memory_space<semaphore_mem>>) src(%dma_wait3A_321 : memref<1024x128xf32, #tpu.memory_space<hbm>>) dst(%arg21 : memref<64x128xf32, #tpu.memory_space<vmem>>)
    %dma_wait3A_322 = arith.constant 128 : i32
    %dma_wait3A_323 = tpu.memref_slice %arg17[%dma_wait3A_322] : memref<512xi32, #tpu.memory_space<vmem>> -> memref<64xi32, #tpu.memory_space<vmem>>
    %dma_wait3A_324 = arith.constant 0 : i32
    %dma_wait3A_325 = arith.constant 0 : i32
    %dma_wait3A_326 = tpu.memref_slice %arg5[%dma_wait3A_324, %dma_wait3A_325] : memref<1024x32xf32, #tpu.memory_space<hbm>> -> memref<1024x32xf32, #tpu.memory_space<hbm>>
    tpu.wait_indirect_dma semaphore(%arg35 : memref<!tpu.dma_semaphore, #tpu.memory_space<semaphore_mem>>) src(%dma_wait3A_326 : memref<1024x32xf32, #tpu.memory_space<hbm>>) dst(%arg23 : memref<64x32xf32, #tpu.memory_space<vmem>>)
    %dma_wait3A_327 = arith.constant 128 : i32
    %dma_wait3A_328 = tpu.memref_slice %arg18[%dma_wait3A_327] : memref<512xi32, #tpu.memory_space<vmem>> -> memref<64xi32, #tpu.memory_space<vmem>>
    %dma_wait3A_329 = arith.constant 0 : i32
    %dma_wait3A_330 = arith.constant 0 : i32
    %dma_wait3A_331 = tpu.memref_slice %arg6[%dma_wait3A_329, %dma_wait3A_330] : memref<1024x128xf32, #tpu.memory_space<hbm>> -> memref<1024x128xf32, #tpu.memory_space<hbm>>
    tpu.wait_indirect_dma semaphore(%arg37 : memref<!tpu.dma_semaphore, #tpu.memory_space<semaphore_mem>>) src(%dma_wait3A_331 : memref<1024x128xf32, #tpu.memory_space<hbm>>) dst(%arg25 : memref<64x128xf32, #tpu.memory_space<vmem>>)
    %dma_wait3A_332 = arith.constant 128 : i32
    %dma_wait3A_333 = tpu.memref_slice %arg18[%dma_wait3A_332] : memref<512xi32, #tpu.memory_space<vmem>> -> memref<64xi32, #tpu.memory_space<vmem>>
    %dma_wait3A_334 = arith.constant 0 : i32
    %dma_wait3A_335 = arith.constant 0 : i32
    %dma_wait3A_336 = tpu.memref_slice %arg7[%dma_wait3A_334, %dma_wait3A_335] : memref<1024x128xf32, #tpu.memory_space<hbm>> -> memref<1024x128xf32, #tpu.memory_space<hbm>>
    tpu.wait_indirect_dma semaphore(%arg39 : memref<!tpu.dma_semaphore, #tpu.memory_space<semaphore_mem>>) src(%dma_wait3A_336 : memref<1024x128xf32, #tpu.memory_space<hbm>>) dst(%arg27 : memref<64x128xf32, #tpu.memory_space<vmem>>)
    %dma_wait3A_337 = arith.constant 128 : i32
    %dma_wait3A_338 = tpu.memref_slice %arg18[%dma_wait3A_337] : memref<512xi32, #tpu.memory_space<vmem>> -> memref<64xi32, #tpu.memory_space<vmem>>
    %dma_wait3A_339 = arith.constant 0 : i32
    %dma_wait3A_340 = arith.constant 0 : i32
    %dma_wait3A_341 = tpu.memref_slice %arg8[%dma_wait3A_339, %dma_wait3A_340] : memref<1024x48xf32, #tpu.memory_space<hbm>> -> memref<1024x48xf32, #tpu.memory_space<hbm>>
    tpu.wait_indirect_dma semaphore(%arg41 : memref<!tpu.dma_semaphore, #tpu.memory_space<semaphore_mem>>) src(%dma_wait3A_341 : memref<1024x48xf32, #tpu.memory_space<hbm>>) dst(%arg29 : memref<64x48xf32, #tpu.memory_space<vmem>>)
    %scan3A_342 = arith.constant 0 : i32
    %scan3A_343 = arith.constant 0 : i32
    %scan3A_344 = arith.constant 64 : i32
    %scan3A_345 = arith.addi %scan3A_343, %scan3A_344 : i32
    %scan3A_346 = arith.constant 1 : i32
    scf.for %scan3A_972 = %scan3A_343 to %scan3A_345 step %scan3A_346  : i32 {
      %get3A = arith.index_cast %scan3A_972 : i32 to index
      %get3A_973 = arith.constant 0 : index
      %get3A_974 = tpu.vector_load %arg23[%get3A, %get3A_973] {strides = array<i32>} : memref<64x32xf32, #tpu.memory_space<vmem>>, vector<1x16xf32>,
      %get3A_975 = vector.shape_cast %get3A_974 : vector<1x16xf32> to vector<16xf32>
      %swap3A = arith.index_cast %scan3A_972 : i32 to index
      %swap3A_976 = arith.constant 0 : index
      %swap3A_977 = tpu.vector_load %arg25[%swap3A, %swap3A_976] {strides = array<i32>} : memref<64x128xf32, #tpu.memory_space<vmem>>, vector<1x16xf32>,
      %swap3A_978 = vector.shape_cast %swap3A_977 : vector<1x16xf32> to vector<16xf32>
      %swap3A_979 = vector.shape_cast %get3A_975 : vector<16xf32> to vector<1x16xf32>
      tpu.vector_store %arg25[%swap3A, %swap3A_976], %swap3A_979 {strides = array<i32>} : memref<64x128xf32, #tpu.memory_space<vmem>>, vector<1x16xf32>,
      %get3A_980 = arith.index_cast %scan3A_972 : i32 to index
      %get3A_981 = arith.constant 16 : index
      %get3A_982 = tpu.vector_load %arg23[%get3A_980, %get3A_981] {strides = array<i32>} : memref<64x32xf32, #tpu.memory_space<vmem>>, vector<1x16xf32>,
      %get3A_983 = vector.shape_cast %get3A_982 : vector<1x16xf32> to vector<16xf32>
      %get3A_984 = arith.index_cast %scan3A_972 : i32 to index
      %get3A_985 = arith.constant 16 : index
      %get3A_986 = tpu.vector_load %arg25[%get3A_984, %get3A_985] {strides = array<i32>} : memref<64x128xf32, #tpu.memory_space<vmem>>, vector<1x16xf32>,
      %get3A_987 = vector.shape_cast %get3A_986 : vector<1x16xf32> to vector<16xf32>
      %select_n3A = arith.select %lt3A_13, %get3A_983, %get3A_987 : vector<16xi1>, vector<16xf32>
      %swap3A_988 = arith.index_cast %scan3A_972 : i32 to index
      %swap3A_989 = arith.constant 16 : index
      %swap3A_990 = tpu.vector_load %arg25[%swap3A_988, %swap3A_989] {strides = array<i32>} : memref<64x128xf32, #tpu.memory_space<vmem>>, vector<1x16xf32>,
      %swap3A_991 = vector.shape_cast %swap3A_990 : vector<1x16xf32> to vector<16xf32>
      %swap3A_992 = vector.shape_cast %select_n3A : vector<16xf32> to vector<1x16xf32>
      tpu.vector_store %arg25[%swap3A_988, %swap3A_989], %swap3A_992 {strides = array<i32>} : memref<64x128xf32, #tpu.memory_space<vmem>>, vector<1x16xf32>,
    }
    %scan3A_347 = arith.constant 64 : i32
    %add3A_348 = arith.constant 128 : i32
    %add3A_349 = arith.addi %mul3A_2, %add3A_348 : i32
    %dma_start3A_350 = arith.constant 0 : i32
    %dma_start3A_351 = tpu.memref_slice %arg9[%add3A_349, %dma_start3A_350] : memref<16384x128xf32, #tpu.memory_space<hbm>> -> memref<64x128xf32, #tpu.memory_space<hbm>>
    %dma_start3A_352 = arith.constant 0 : i32
    %dma_start3A_353 = tpu.memref_slice %arg9[%add3A_349, %dma_start3A_352] : memref<16384x128xf32, #tpu.memory_space<hbm>> -> memref<64x128xf32, #tpu.memory_space<hbm>>
    tpu.enqueue_dma source(%arg19 : memref<64x128xf32, #tpu.memory_space<vmem>>) target(%dma_start3A_353 : memref<64x128xf32, #tpu.memory_space<hbm>>) target_semaphore(%arg43 : memref<!tpu.dma_semaphore, #tpu.memory_space<semaphore_mem>>)
    %dma_start3A_354 = arith.constant 0 : i32
    %dma_start3A_355 = tpu.memref_slice %arg10[%add3A_349, %dma_start3A_354] : memref<16384x128xf32, #tpu.memory_space<hbm>> -> memref<64x128xf32, #tpu.memory_space<hbm>>
    %dma_start3A_356 = arith.constant 0 : i32
    %dma_start3A_357 = tpu.memref_slice %arg10[%add3A_349, %dma_start3A_356] : memref<16384x128xf32, #tpu.memory_space<hbm>> -> memref<64x128xf32, #tpu.memory_space<hbm>>
    tpu.enqueue_dma source(%arg21 : memref<64x128xf32, #tpu.memory_space<vmem>>) target(%dma_start3A_357 : memref<64x128xf32, #tpu.memory_space<hbm>>) target_semaphore(%arg43 : memref<!tpu.dma_semaphore, #tpu.memory_space<semaphore_mem>>)
    %dma_start3A_358 = arith.constant 0 : i32
    %dma_start3A_359 = tpu.memref_slice %arg11[%add3A_349, %dma_start3A_358] : memref<16384x128xf32, #tpu.memory_space<hbm>> -> memref<64x128xf32, #tpu.memory_space<hbm>>
    %dma_start3A_360 = arith.constant 0 : i32
    %dma_start3A_361 = tpu.memref_slice %arg11[%add3A_349, %dma_start3A_360] : memref<16384x128xf32, #tpu.memory_space<hbm>> -> memref<64x128xf32, #tpu.memory_space<hbm>>
    tpu.enqueue_dma source(%arg25 : memref<64x128xf32, #tpu.memory_space<vmem>>) target(%dma_start3A_361 : memref<64x128xf32, #tpu.memory_space<hbm>>) target_semaphore(%arg43 : memref<!tpu.dma_semaphore, #tpu.memory_space<semaphore_mem>>)
    %dma_start3A_362 = arith.constant 0 : i32
    %dma_start3A_363 = tpu.memref_slice %arg12[%add3A_349, %dma_start3A_362] : memref<16384x128xf32, #tpu.memory_space<hbm>> -> memref<64x128xf32, #tpu.memory_space<hbm>>
    %dma_start3A_364 = arith.constant 0 : i32
    %dma_start3A_365 = tpu.memref_slice %arg12[%add3A_349, %dma_start3A_364] : memref<16384x128xf32, #tpu.memory_space<hbm>> -> memref<64x128xf32, #tpu.memory_space<hbm>>
    tpu.enqueue_dma source(%arg27 : memref<64x128xf32, #tpu.memory_space<vmem>>) target(%dma_start3A_365 : memref<64x128xf32, #tpu.memory_space<hbm>>) target_semaphore(%arg43 : memref<!tpu.dma_semaphore, #tpu.memory_space<semaphore_mem>>)
    %dma_start3A_366 = arith.constant 0 : i32
    %dma_start3A_367 = arith.constant 0 : i32
    %dma_start3A_368 = tpu.memref_slice %arg29[%dma_start3A_366, %dma_start3A_367] : memref<64x48xf32, #tpu.memory_space<vmem>> -> memref<64x40xf32, #tpu.memory_space<vmem>>
    %dma_start3A_369 = arith.constant 0 : i32
    %dma_start3A_370 = tpu.memref_slice %arg13[%add3A_349, %dma_start3A_369] : memref<16384x128xf32, #tpu.memory_space<hbm>> -> memref<64x40xf32, #tpu.memory_space<hbm>>
    %dma_start3A_371 = arith.constant 0 : i32
    %dma_start3A_372 = tpu.memref_slice %arg13[%add3A_349, %dma_start3A_371] : memref<16384x128xf32, #tpu.memory_space<hbm>> -> memref<64x40xf32, #tpu.memory_space<hbm>>
    %dma_start3A_373 = arith.constant 0 : i32
    %dma_start3A_374 = arith.constant 0 : i32
    %dma_start3A_375 = tpu.memref_slice %arg29[%dma_start3A_373, %dma_start3A_374] : memref<64x48xf32, #tpu.memory_space<vmem>> -> memref<64x40xf32, #tpu.memory_space<vmem>>
    tpu.enqueue_dma source(%dma_start3A_375 : memref<64x40xf32, #tpu.memory_space<vmem>>) target(%dma_start3A_372 : memref<64x40xf32, #tpu.memory_space<hbm>>) target_semaphore(%arg43 : memref<!tpu.dma_semaphore, #tpu.memory_space<semaphore_mem>>)
    %dma_wait3A_376 = arith.constant 0 : i32
    %dma_wait3A_377 = tpu.memref_slice %arg9[%add3A_349, %dma_wait3A_376] : memref<16384x128xf32, #tpu.memory_space<hbm>> -> memref<64x128xf32, #tpu.memory_space<hbm>>
    %dma_wait3A_378 = arith.constant 0 : i32
    %dma_wait3A_379 = tpu.memref_slice %arg9[%add3A_349, %dma_wait3A_378] : memref<16384x128xf32, #tpu.memory_space<hbm>> -> memref<64x128xf32, #tpu.memory_space<hbm>>
    tpu.wait_dma2 semaphore(%arg43 : memref<!tpu.dma_semaphore, #tpu.memory_space<semaphore_mem>>) src(%arg19 : memref<64x128xf32, #tpu.memory_space<vmem>>) dst(%dma_wait3A_379 : memref<64x128xf32, #tpu.memory_space<hbm>>)
    %dma_wait3A_380 = arith.constant 0 : i32
    %dma_wait3A_381 = tpu.memref_slice %arg10[%add3A_349, %dma_wait3A_380] : memref<16384x128xf32, #tpu.memory_space<hbm>> -> memref<64x128xf32, #tpu.memory_space<hbm>>
    %dma_wait3A_382 = arith.constant 0 : i32
    %dma_wait3A_383 = tpu.memref_slice %arg10[%add3A_349, %dma_wait3A_382] : memref<16384x128xf32, #tpu.memory_space<hbm>> -> memref<64x128xf32, #tpu.memory_space<hbm>>
    tpu.wait_dma2 semaphore(%arg43 : memref<!tpu.dma_semaphore, #tpu.memory_space<semaphore_mem>>) src(%arg21 : memref<64x128xf32, #tpu.memory_space<vmem>>) dst(%dma_wait3A_383 : memref<64x128xf32, #tpu.memory_space<hbm>>)
    %dma_wait3A_384 = arith.constant 0 : i32
    %dma_wait3A_385 = tpu.memref_slice %arg11[%add3A_349, %dma_wait3A_384] : memref<16384x128xf32, #tpu.memory_space<hbm>> -> memref<64x128xf32, #tpu.memory_space<hbm>>
    %dma_wait3A_386 = arith.constant 0 : i32
    %dma_wait3A_387 = tpu.memref_slice %arg11[%add3A_349, %dma_wait3A_386] : memref<16384x128xf32, #tpu.memory_space<hbm>> -> memref<64x128xf32, #tpu.memory_space<hbm>>
    tpu.wait_dma2 semaphore(%arg43 : memref<!tpu.dma_semaphore, #tpu.memory_space<semaphore_mem>>) src(%arg25 : memref<64x128xf32, #tpu.memory_space<vmem>>) dst(%dma_wait3A_387 : memref<64x128xf32, #tpu.memory_space<hbm>>)
    %dma_wait3A_388 = arith.constant 0 : i32
    %dma_wait3A_389 = tpu.memref_slice %arg12[%add3A_349, %dma_wait3A_388] : memref<16384x128xf32, #tpu.memory_space<hbm>> -> memref<64x128xf32, #tpu.memory_space<hbm>>
    %dma_wait3A_390 = arith.constant 0 : i32
    %dma_wait3A_391 = tpu.memref_slice %arg12[%add3A_349, %dma_wait3A_390] : memref<16384x128xf32, #tpu.memory_space<hbm>> -> memref<64x128xf32, #tpu.memory_space<hbm>>
    tpu.wait_dma2 semaphore(%arg43 : memref<!tpu.dma_semaphore, #tpu.memory_space<semaphore_mem>>) src(%arg27 : memref<64x128xf32, #tpu.memory_space<vmem>>) dst(%dma_wait3A_391 : memref<64x128xf32, #tpu.memory_space<hbm>>)
    %dma_wait3A_392 = arith.constant 0 : i32
    %dma_wait3A_393 = arith.constant 0 : i32
    %dma_wait3A_394 = tpu.memref_slice %arg29[%dma_wait3A_392, %dma_wait3A_393] : memref<64x48xf32, #tpu.memory_space<vmem>> -> memref<64x40xf32, #tpu.memory_space<vmem>>
    %dma_wait3A_395 = arith.constant 0 : i32
    %dma_wait3A_396 = tpu.memref_slice %arg13[%add3A_349, %dma_wait3A_395] : memref<16384x128xf32, #tpu.memory_space<hbm>> -> memref<64x40xf32, #tpu.memory_space<hbm>>
    %dma_wait3A_397 = arith.constant 0 : i32
    %dma_wait3A_398 = tpu.memref_slice %arg13[%add3A_349, %dma_wait3A_397] : memref<16384x128xf32, #tpu.memory_space<hbm>> -> memref<64x40xf32, #tpu.memory_space<hbm>>
    %dma_wait3A_399 = arith.constant 0 : i32
    %dma_wait3A_400 = arith.constant 0 : i32
    %dma_wait3A_401 = tpu.memref_slice %arg29[%dma_wait3A_399, %dma_wait3A_400] : memref<64x48xf32, #tpu.memory_space<vmem>> -> memref<64x40xf32, #tpu.memory_space<vmem>>
    tpu.wait_dma2 semaphore(%arg43 : memref<!tpu.dma_semaphore, #tpu.memory_space<semaphore_mem>>) src(%dma_wait3A_401 : memref<64x40xf32, #tpu.memory_space<vmem>>) dst(%dma_wait3A_398 : memref<64x40xf32, #tpu.memory_space<hbm>>)
    %dma_start3A_402 = arith.constant 256 : i32
    %dma_start3A_403 = tpu.memref_slice %arg17[%dma_start3A_402] : memref<512xi32, #tpu.memory_space<vmem>> -> memref<64xi32, #tpu.memory_space<vmem>>
    %dma_start3A_404 = arith.constant 0 : i32
    %dma_start3A_405 = arith.constant 0 : i32
    %dma_start3A_406 = tpu.memref_slice %arg3[%dma_start3A_404, %dma_start3A_405] : memref<1024x128xf32, #tpu.memory_space<hbm>> -> memref<1024x128xf32, #tpu.memory_space<hbm>>
    tpu.enqueue_indirect_dma source(%dma_start3A_406 : memref<1024x128xf32, #tpu.memory_space<hbm>>) target(%arg19 : memref<64x128xf32, #tpu.memory_space<vmem>>) offsets(%dma_start3A_403 : memref<64xi32, #tpu.memory_space<vmem>>) semaphore(%arg31 : memref<!tpu.dma_semaphore, #tpu.memory_space<semaphore_mem>>)
    %dma_start3A_407 = arith.constant 256 : i32
    %dma_start3A_408 = tpu.memref_slice %arg17[%dma_start3A_407] : memref<512xi32, #tpu.memory_space<vmem>> -> memref<64xi32, #tpu.memory_space<vmem>>
    %dma_start3A_409 = arith.constant 0 : i32
    %dma_start3A_410 = arith.constant 0 : i32
    %dma_start3A_411 = tpu.memref_slice %arg4[%dma_start3A_409, %dma_start3A_410] : memref<1024x128xf32, #tpu.memory_space<hbm>> -> memref<1024x128xf32, #tpu.memory_space<hbm>>
    tpu.enqueue_indirect_dma source(%dma_start3A_411 : memref<1024x128xf32, #tpu.memory_space<hbm>>) target(%arg21 : memref<64x128xf32, #tpu.memory_space<vmem>>) offsets(%dma_start3A_408 : memref<64xi32, #tpu.memory_space<vmem>>) semaphore(%arg33 : memref<!tpu.dma_semaphore, #tpu.memory_space<semaphore_mem>>)
    %dma_start3A_412 = arith.constant 256 : i32
    %dma_start3A_413 = tpu.memref_slice %arg17[%dma_start3A_412] : memref<512xi32, #tpu.memory_space<vmem>> -> memref<64xi32, #tpu.memory_space<vmem>>
    %dma_start3A_414 = arith.constant 0 : i32
    %dma_start3A_415 = arith.constant 0 : i32
    %dma_start3A_416 = tpu.memref_slice %arg5[%dma_start3A_414, %dma_start3A_415] : memref<1024x32xf32, #tpu.memory_space<hbm>> -> memref<1024x32xf32, #tpu.memory_space<hbm>>
    tpu.enqueue_indirect_dma source(%dma_start3A_416 : memref<1024x32xf32, #tpu.memory_space<hbm>>) target(%arg23 : memref<64x32xf32, #tpu.memory_space<vmem>>) offsets(%dma_start3A_413 : memref<64xi32, #tpu.memory_space<vmem>>) semaphore(%arg35 : memref<!tpu.dma_semaphore, #tpu.memory_space<semaphore_mem>>)
    %dma_start3A_417 = arith.constant 256 : i32
    %dma_start3A_418 = tpu.memref_slice %arg18[%dma_start3A_417] : memref<512xi32, #tpu.memory_space<vmem>> -> memref<64xi32, #tpu.memory_space<vmem>>
    %dma_start3A_419 = arith.constant 0 : i32
    %dma_start3A_420 = arith.constant 0 : i32
    %dma_start3A_421 = tpu.memref_slice %arg6[%dma_start3A_419, %dma_start3A_420] : memref<1024x128xf32, #tpu.memory_space<hbm>> -> memref<1024x128xf32, #tpu.memory_space<hbm>>
    tpu.enqueue_indirect_dma source(%dma_start3A_421 : memref<1024x128xf32, #tpu.memory_space<hbm>>) target(%arg25 : memref<64x128xf32, #tpu.memory_space<vmem>>) offsets(%dma_start3A_418 : memref<64xi32, #tpu.memory_space<vmem>>) semaphore(%arg37 : memref<!tpu.dma_semaphore, #tpu.memory_space<semaphore_mem>>)
    %dma_start3A_422 = arith.constant 256 : i32
    %dma_start3A_423 = tpu.memref_slice %arg18[%dma_start3A_422] : memref<512xi32, #tpu.memory_space<vmem>> -> memref<64xi32, #tpu.memory_space<vmem>>
    %dma_start3A_424 = arith.constant 0 : i32
    %dma_start3A_425 = arith.constant 0 : i32
    %dma_start3A_426 = tpu.memref_slice %arg7[%dma_start3A_424, %dma_start3A_425] : memref<1024x128xf32, #tpu.memory_space<hbm>> -> memref<1024x128xf32, #tpu.memory_space<hbm>>
    tpu.enqueue_indirect_dma source(%dma_start3A_426 : memref<1024x128xf32, #tpu.memory_space<hbm>>) target(%arg27 : memref<64x128xf32, #tpu.memory_space<vmem>>) offsets(%dma_start3A_423 : memref<64xi32, #tpu.memory_space<vmem>>) semaphore(%arg39 : memref<!tpu.dma_semaphore, #tpu.memory_space<semaphore_mem>>)
    %dma_start3A_427 = arith.constant 256 : i32
    %dma_start3A_428 = tpu.memref_slice %arg18[%dma_start3A_427] : memref<512xi32, #tpu.memory_space<vmem>> -> memref<64xi32, #tpu.memory_space<vmem>>
    %dma_start3A_429 = arith.constant 0 : i32
    %dma_start3A_430 = arith.constant 0 : i32
    %dma_start3A_431 = tpu.memref_slice %arg8[%dma_start3A_429, %dma_start3A_430] : memref<1024x48xf32, #tpu.memory_space<hbm>> -> memref<1024x48xf32, #tpu.memory_space<hbm>>
    tpu.enqueue_indirect_dma source(%dma_start3A_431 : memref<1024x48xf32, #tpu.memory_space<hbm>>) target(%arg29 : memref<64x48xf32, #tpu.memory_space<vmem>>) offsets(%dma_start3A_428 : memref<64xi32, #tpu.memory_space<vmem>>) semaphore(%arg41 : memref<!tpu.dma_semaphore, #tpu.memory_space<semaphore_mem>>)
    %dma_wait3A_432 = arith.constant 192 : i32
    %dma_wait3A_433 = tpu.memref_slice %arg17[%dma_wait3A_432] : memref<512xi32, #tpu.memory_space<vmem>> -> memref<64xi32, #tpu.memory_space<vmem>>
    %dma_wait3A_434 = arith.constant 0 : i32
    %dma_wait3A_435 = arith.constant 0 : i32
    %dma_wait3A_436 = tpu.memref_slice %arg3[%dma_wait3A_434, %dma_wait3A_435] : memref<1024x128xf32, #tpu.memory_space<hbm>> -> memref<1024x128xf32, #tpu.memory_space<hbm>>
    tpu.wait_indirect_dma semaphore(%arg32 : memref<!tpu.dma_semaphore, #tpu.memory_space<semaphore_mem>>) src(%dma_wait3A_436 : memref<1024x128xf32, #tpu.memory_space<hbm>>) dst(%arg20 : memref<64x128xf32, #tpu.memory_space<vmem>>)
    %dma_wait3A_437 = arith.constant 192 : i32
    %dma_wait3A_438 = tpu.memref_slice %arg17[%dma_wait3A_437] : memref<512xi32, #tpu.memory_space<vmem>> -> memref<64xi32, #tpu.memory_space<vmem>>
    %dma_wait3A_439 = arith.constant 0 : i32
    %dma_wait3A_440 = arith.constant 0 : i32
    %dma_wait3A_441 = tpu.memref_slice %arg4[%dma_wait3A_439, %dma_wait3A_440] : memref<1024x128xf32, #tpu.memory_space<hbm>> -> memref<1024x128xf32, #tpu.memory_space<hbm>>
    tpu.wait_indirect_dma semaphore(%arg34 : memref<!tpu.dma_semaphore, #tpu.memory_space<semaphore_mem>>) src(%dma_wait3A_441 : memref<1024x128xf32, #tpu.memory_space<hbm>>) dst(%arg22 : memref<64x128xf32, #tpu.memory_space<vmem>>)
    %dma_wait3A_442 = arith.constant 192 : i32
    %dma_wait3A_443 = tpu.memref_slice %arg17[%dma_wait3A_442] : memref<512xi32, #tpu.memory_space<vmem>> -> memref<64xi32, #tpu.memory_space<vmem>>
    %dma_wait3A_444 = arith.constant 0 : i32
    %dma_wait3A_445 = arith.constant 0 : i32
    %dma_wait3A_446 = tpu.memref_slice %arg5[%dma_wait3A_444, %dma_wait3A_445] : memref<1024x32xf32, #tpu.memory_space<hbm>> -> memref<1024x32xf32, #tpu.memory_space<hbm>>
    tpu.wait_indirect_dma semaphore(%arg36 : memref<!tpu.dma_semaphore, #tpu.memory_space<semaphore_mem>>) src(%dma_wait3A_446 : memref<1024x32xf32, #tpu.memory_space<hbm>>) dst(%arg24 : memref<64x32xf32, #tpu.memory_space<vmem>>)
    %dma_wait3A_447 = arith.constant 192 : i32
    %dma_wait3A_448 = tpu.memref_slice %arg18[%dma_wait3A_447] : memref<512xi32, #tpu.memory_space<vmem>> -> memref<64xi32, #tpu.memory_space<vmem>>
    %dma_wait3A_449 = arith.constant 0 : i32
    %dma_wait3A_450 = arith.constant 0 : i32
    %dma_wait3A_451 = tpu.memref_slice %arg6[%dma_wait3A_449, %dma_wait3A_450] : memref<1024x128xf32, #tpu.memory_space<hbm>> -> memref<1024x128xf32, #tpu.memory_space<hbm>>
    tpu.wait_indirect_dma semaphore(%arg38 : memref<!tpu.dma_semaphore, #tpu.memory_space<semaphore_mem>>) src(%dma_wait3A_451 : memref<1024x128xf32, #tpu.memory_space<hbm>>) dst(%arg26 : memref<64x128xf32, #tpu.memory_space<vmem>>)
    %dma_wait3A_452 = arith.constant 192 : i32
    %dma_wait3A_453 = tpu.memref_slice %arg18[%dma_wait3A_452] : memref<512xi32, #tpu.memory_space<vmem>> -> memref<64xi32, #tpu.memory_space<vmem>>
    %dma_wait3A_454 = arith.constant 0 : i32
    %dma_wait3A_455 = arith.constant 0 : i32
    %dma_wait3A_456 = tpu.memref_slice %arg7[%dma_wait3A_454, %dma_wait3A_455] : memref<1024x128xf32, #tpu.memory_space<hbm>> -> memref<1024x128xf32, #tpu.memory_space<hbm>>
    tpu.wait_indirect_dma semaphore(%arg40 : memref<!tpu.dma_semaphore, #tpu.memory_space<semaphore_mem>>) src(%dma_wait3A_456 : memref<1024x128xf32, #tpu.memory_space<hbm>>) dst(%arg28 : memref<64x128xf32, #tpu.memory_space<vmem>>)
    %dma_wait3A_457 = arith.constant 192 : i32
    %dma_wait3A_458 = tpu.memref_slice %arg18[%dma_wait3A_457] : memref<512xi32, #tpu.memory_space<vmem>> -> memref<64xi32, #tpu.memory_space<vmem>>
    %dma_wait3A_459 = arith.constant 0 : i32
    %dma_wait3A_460 = arith.constant 0 : i32
    %dma_wait3A_461 = tpu.memref_slice %arg8[%dma_wait3A_459, %dma_wait3A_460] : memref<1024x48xf32, #tpu.memory_space<hbm>> -> memref<1024x48xf32, #tpu.memory_space<hbm>>
    tpu.wait_indirect_dma semaphore(%arg42 : memref<!tpu.dma_semaphore, #tpu.memory_space<semaphore_mem>>) src(%dma_wait3A_461 : memref<1024x48xf32, #tpu.memory_space<hbm>>) dst(%arg30 : memref<64x48xf32, #tpu.memory_space<vmem>>)
    %scan3A_462 = arith.constant 0 : i32
    %scan3A_463 = arith.constant 0 : i32
    %scan3A_464 = arith.constant 64 : i32
    %scan3A_465 = arith.addi %scan3A_463, %scan3A_464 : i32
    %scan3A_466 = arith.constant 1 : i32
    scf.for %scan3A_972 = %scan3A_463 to %scan3A_465 step %scan3A_466  : i32 {
      %get3A = arith.index_cast %scan3A_972 : i32 to index
      %get3A_973 = arith.constant 0 : index
      %get3A_974 = tpu.vector_load %arg24[%get3A, %get3A_973] {strides = array<i32>} : memref<64x32xf32, #tpu.memory_space<vmem>>, vector<1x16xf32>,
      %get3A_975 = vector.shape_cast %get3A_974 : vector<1x16xf32> to vector<16xf32>
      %swap3A = arith.index_cast %scan3A_972 : i32 to index
      %swap3A_976 = arith.constant 0 : index
      %swap3A_977 = tpu.vector_load %arg26[%swap3A, %swap3A_976] {strides = array<i32>} : memref<64x128xf32, #tpu.memory_space<vmem>>, vector<1x16xf32>,
      %swap3A_978 = vector.shape_cast %swap3A_977 : vector<1x16xf32> to vector<16xf32>
      %swap3A_979 = vector.shape_cast %get3A_975 : vector<16xf32> to vector<1x16xf32>
      tpu.vector_store %arg26[%swap3A, %swap3A_976], %swap3A_979 {strides = array<i32>} : memref<64x128xf32, #tpu.memory_space<vmem>>, vector<1x16xf32>,
      %get3A_980 = arith.index_cast %scan3A_972 : i32 to index
      %get3A_981 = arith.constant 16 : index
      %get3A_982 = tpu.vector_load %arg24[%get3A_980, %get3A_981] {strides = array<i32>} : memref<64x32xf32, #tpu.memory_space<vmem>>, vector<1x16xf32>,
      %get3A_983 = vector.shape_cast %get3A_982 : vector<1x16xf32> to vector<16xf32>
      %get3A_984 = arith.index_cast %scan3A_972 : i32 to index
      %get3A_985 = arith.constant 16 : index
      %get3A_986 = tpu.vector_load %arg26[%get3A_984, %get3A_985] {strides = array<i32>} : memref<64x128xf32, #tpu.memory_space<vmem>>, vector<1x16xf32>,
      %get3A_987 = vector.shape_cast %get3A_986 : vector<1x16xf32> to vector<16xf32>
      %select_n3A = arith.select %lt3A_13, %get3A_983, %get3A_987 : vector<16xi1>, vector<16xf32>
      %swap3A_988 = arith.index_cast %scan3A_972 : i32 to index
      %swap3A_989 = arith.constant 16 : index
      %swap3A_990 = tpu.vector_load %arg26[%swap3A_988, %swap3A_989] {strides = array<i32>} : memref<64x128xf32, #tpu.memory_space<vmem>>, vector<1x16xf32>,
      %swap3A_991 = vector.shape_cast %swap3A_990 : vector<1x16xf32> to vector<16xf32>
      %swap3A_992 = vector.shape_cast %select_n3A : vector<16xf32> to vector<1x16xf32>
      tpu.vector_store %arg26[%swap3A_988, %swap3A_989], %swap3A_992 {strides = array<i32>} : memref<64x128xf32, #tpu.memory_space<vmem>>, vector<1x16xf32>,
    }
    %scan3A_467 = arith.constant 64 : i32
    %add3A_468 = arith.constant 192 : i32
    %add3A_469 = arith.addi %mul3A_2, %add3A_468 : i32
    %dma_start3A_470 = arith.constant 0 : i32
    %dma_start3A_471 = tpu.memref_slice %arg9[%add3A_469, %dma_start3A_470] : memref<16384x128xf32, #tpu.memory_space<hbm>> -> memref<64x128xf32, #tpu.memory_space<hbm>>
    %dma_start3A_472 = arith.constant 0 : i32
    %dma_start3A_473 = tpu.memref_slice %arg9[%add3A_469, %dma_start3A_472] : memref<16384x128xf32, #tpu.memory_space<hbm>> -> memref<64x128xf32, #tpu.memory_space<hbm>>
    tpu.enqueue_dma source(%arg20 : memref<64x128xf32, #tpu.memory_space<vmem>>) target(%dma_start3A_473 : memref<64x128xf32, #tpu.memory_space<hbm>>) target_semaphore(%arg44 : memref<!tpu.dma_semaphore, #tpu.memory_space<semaphore_mem>>)
    %dma_start3A_474 = arith.constant 0 : i32
    %dma_start3A_475 = tpu.memref_slice %arg10[%add3A_469, %dma_start3A_474] : memref<16384x128xf32, #tpu.memory_space<hbm>> -> memref<64x128xf32, #tpu.memory_space<hbm>>
    %dma_start3A_476 = arith.constant 0 : i32
    %dma_start3A_477 = tpu.memref_slice %arg10[%add3A_469, %dma_start3A_476] : memref<16384x128xf32, #tpu.memory_space<hbm>> -> memref<64x128xf32, #tpu.memory_space<hbm>>
    tpu.enqueue_dma source(%arg22 : memref<64x128xf32, #tpu.memory_space<vmem>>) target(%dma_start3A_477 : memref<64x128xf32, #tpu.memory_space<hbm>>) target_semaphore(%arg44 : memref<!tpu.dma_semaphore, #tpu.memory_space<semaphore_mem>>)
    %dma_start3A_478 = arith.constant 0 : i32
    %dma_start3A_479 = tpu.memref_slice %arg11[%add3A_469, %dma_start3A_478] : memref<16384x128xf32, #tpu.memory_space<hbm>> -> memref<64x128xf32, #tpu.memory_space<hbm>>
    %dma_start3A_480 = arith.constant 0 : i32
    %dma_start3A_481 = tpu.memref_slice %arg11[%add3A_469, %dma_start3A_480] : memref<16384x128xf32, #tpu.memory_space<hbm>> -> memref<64x128xf32, #tpu.memory_space<hbm>>
    tpu.enqueue_dma source(%arg26 : memref<64x128xf32, #tpu.memory_space<vmem>>) target(%dma_start3A_481 : memref<64x128xf32, #tpu.memory_space<hbm>>) target_semaphore(%arg44 : memref<!tpu.dma_semaphore, #tpu.memory_space<semaphore_mem>>)
    %dma_start3A_482 = arith.constant 0 : i32
    %dma_start3A_483 = tpu.memref_slice %arg12[%add3A_469, %dma_start3A_482] : memref<16384x128xf32, #tpu.memory_space<hbm>> -> memref<64x128xf32, #tpu.memory_space<hbm>>
    %dma_start3A_484 = arith.constant 0 : i32
    %dma_start3A_485 = tpu.memref_slice %arg12[%add3A_469, %dma_start3A_484] : memref<16384x128xf32, #tpu.memory_space<hbm>> -> memref<64x128xf32, #tpu.memory_space<hbm>>
    tpu.enqueue_dma source(%arg28 : memref<64x128xf32, #tpu.memory_space<vmem>>) target(%dma_start3A_485 : memref<64x128xf32, #tpu.memory_space<hbm>>) target_semaphore(%arg44 : memref<!tpu.dma_semaphore, #tpu.memory_space<semaphore_mem>>)
    %dma_start3A_486 = arith.constant 0 : i32
    %dma_start3A_487 = arith.constant 0 : i32
    %dma_start3A_488 = tpu.memref_slice %arg30[%dma_start3A_486, %dma_start3A_487] : memref<64x48xf32, #tpu.memory_space<vmem>> -> memref<64x40xf32, #tpu.memory_space<vmem>>
    %dma_start3A_489 = arith.constant 0 : i32
    %dma_start3A_490 = tpu.memref_slice %arg13[%add3A_469, %dma_start3A_489] : memref<16384x128xf32, #tpu.memory_space<hbm>> -> memref<64x40xf32, #tpu.memory_space<hbm>>
    %dma_start3A_491 = arith.constant 0 : i32
    %dma_start3A_492 = tpu.memref_slice %arg13[%add3A_469, %dma_start3A_491] : memref<16384x128xf32, #tpu.memory_space<hbm>> -> memref<64x40xf32, #tpu.memory_space<hbm>>
    %dma_start3A_493 = arith.constant 0 : i32
    %dma_start3A_494 = arith.constant 0 : i32
    %dma_start3A_495 = tpu.memref_slice %arg30[%dma_start3A_493, %dma_start3A_494] : memref<64x48xf32, #tpu.memory_space<vmem>> -> memref<64x40xf32, #tpu.memory_space<vmem>>
    tpu.enqueue_dma source(%dma_start3A_495 : memref<64x40xf32, #tpu.memory_space<vmem>>) target(%dma_start3A_492 : memref<64x40xf32, #tpu.memory_space<hbm>>) target_semaphore(%arg44 : memref<!tpu.dma_semaphore, #tpu.memory_space<semaphore_mem>>)
    %dma_wait3A_496 = arith.constant 0 : i32
    %dma_wait3A_497 = tpu.memref_slice %arg9[%add3A_469, %dma_wait3A_496] : memref<16384x128xf32, #tpu.memory_space<hbm>> -> memref<64x128xf32, #tpu.memory_space<hbm>>
    %dma_wait3A_498 = arith.constant 0 : i32
    %dma_wait3A_499 = tpu.memref_slice %arg9[%add3A_469, %dma_wait3A_498] : memref<16384x128xf32, #tpu.memory_space<hbm>> -> memref<64x128xf32, #tpu.memory_space<hbm>>
    tpu.wait_dma2 semaphore(%arg44 : memref<!tpu.dma_semaphore, #tpu.memory_space<semaphore_mem>>) src(%arg20 : memref<64x128xf32, #tpu.memory_space<vmem>>) dst(%dma_wait3A_499 : memref<64x128xf32, #tpu.memory_space<hbm>>)
    %dma_wait3A_500 = arith.constant 0 : i32
    %dma_wait3A_501 = tpu.memref_slice %arg10[%add3A_469, %dma_wait3A_500] : memref<16384x128xf32, #tpu.memory_space<hbm>> -> memref<64x128xf32, #tpu.memory_space<hbm>>
    %dma_wait3A_502 = arith.constant 0 : i32
    %dma_wait3A_503 = tpu.memref_slice %arg10[%add3A_469, %dma_wait3A_502] : memref<16384x128xf32, #tpu.memory_space<hbm>> -> memref<64x128xf32, #tpu.memory_space<hbm>>
    tpu.wait_dma2 semaphore(%arg44 : memref<!tpu.dma_semaphore, #tpu.memory_space<semaphore_mem>>) src(%arg22 : memref<64x128xf32, #tpu.memory_space<vmem>>) dst(%dma_wait3A_503 : memref<64x128xf32, #tpu.memory_space<hbm>>)
    %dma_wait3A_504 = arith.constant 0 : i32
    %dma_wait3A_505 = tpu.memref_slice %arg11[%add3A_469, %dma_wait3A_504] : memref<16384x128xf32, #tpu.memory_space<hbm>> -> memref<64x128xf32, #tpu.memory_space<hbm>>
    %dma_wait3A_506 = arith.constant 0 : i32
    %dma_wait3A_507 = tpu.memref_slice %arg11[%add3A_469, %dma_wait3A_506] : memref<16384x128xf32, #tpu.memory_space<hbm>> -> memref<64x128xf32, #tpu.memory_space<hbm>>
    tpu.wait_dma2 semaphore(%arg44 : memref<!tpu.dma_semaphore, #tpu.memory_space<semaphore_mem>>) src(%arg26 : memref<64x128xf32, #tpu.memory_space<vmem>>) dst(%dma_wait3A_507 : memref<64x128xf32, #tpu.memory_space<hbm>>)
    %dma_wait3A_508 = arith.constant 0 : i32
    %dma_wait3A_509 = tpu.memref_slice %arg12[%add3A_469, %dma_wait3A_508] : memref<16384x128xf32, #tpu.memory_space<hbm>> -> memref<64x128xf32, #tpu.memory_space<hbm>>
    %dma_wait3A_510 = arith.constant 0 : i32
    %dma_wait3A_511 = tpu.memref_slice %arg12[%add3A_469, %dma_wait3A_510] : memref<16384x128xf32, #tpu.memory_space<hbm>> -> memref<64x128xf32, #tpu.memory_space<hbm>>
    tpu.wait_dma2 semaphore(%arg44 : memref<!tpu.dma_semaphore, #tpu.memory_space<semaphore_mem>>) src(%arg28 : memref<64x128xf32, #tpu.memory_space<vmem>>) dst(%dma_wait3A_511 : memref<64x128xf32, #tpu.memory_space<hbm>>)
    %dma_wait3A_512 = arith.constant 0 : i32
    %dma_wait3A_513 = arith.constant 0 : i32
    %dma_wait3A_514 = tpu.memref_slice %arg30[%dma_wait3A_512, %dma_wait3A_513] : memref<64x48xf32, #tpu.memory_space<vmem>> -> memref<64x40xf32, #tpu.memory_space<vmem>>
    %dma_wait3A_515 = arith.constant 0 : i32
    %dma_wait3A_516 = tpu.memref_slice %arg13[%add3A_469, %dma_wait3A_515] : memref<16384x128xf32, #tpu.memory_space<hbm>> -> memref<64x40xf32, #tpu.memory_space<hbm>>
    %dma_wait3A_517 = arith.constant 0 : i32
    %dma_wait3A_518 = tpu.memref_slice %arg13[%add3A_469, %dma_wait3A_517] : memref<16384x128xf32, #tpu.memory_space<hbm>> -> memref<64x40xf32, #tpu.memory_space<hbm>>
    %dma_wait3A_519 = arith.constant 0 : i32
    %dma_wait3A_520 = arith.constant 0 : i32
    %dma_wait3A_521 = tpu.memref_slice %arg30[%dma_wait3A_519, %dma_wait3A_520] : memref<64x48xf32, #tpu.memory_space<vmem>> -> memref<64x40xf32, #tpu.memory_space<vmem>>
    tpu.wait_dma2 semaphore(%arg44 : memref<!tpu.dma_semaphore, #tpu.memory_space<semaphore_mem>>) src(%dma_wait3A_521 : memref<64x40xf32, #tpu.memory_space<vmem>>) dst(%dma_wait3A_518 : memref<64x40xf32, #tpu.memory_space<hbm>>)
    %dma_start3A_522 = arith.constant 320 : i32
    %dma_start3A_523 = tpu.memref_slice %arg17[%dma_start3A_522] : memref<512xi32, #tpu.memory_space<vmem>> -> memref<64xi32, #tpu.memory_space<vmem>>
    %dma_start3A_524 = arith.constant 0 : i32
    %dma_start3A_525 = arith.constant 0 : i32
    %dma_start3A_526 = tpu.memref_slice %arg3[%dma_start3A_524, %dma_start3A_525] : memref<1024x128xf32, #tpu.memory_space<hbm>> -> memref<1024x128xf32, #tpu.memory_space<hbm>>
    tpu.enqueue_indirect_dma source(%dma_start3A_526 : memref<1024x128xf32, #tpu.memory_space<hbm>>) target(%arg20 : memref<64x128xf32, #tpu.memory_space<vmem>>) offsets(%dma_start3A_523 : memref<64xi32, #tpu.memory_space<vmem>>) semaphore(%arg32 : memref<!tpu.dma_semaphore, #tpu.memory_space<semaphore_mem>>)
    %dma_start3A_527 = arith.constant 320 : i32
    %dma_start3A_528 = tpu.memref_slice %arg17[%dma_start3A_527] : memref<512xi32, #tpu.memory_space<vmem>> -> memref<64xi32, #tpu.memory_space<vmem>>
    %dma_start3A_529 = arith.constant 0 : i32
    %dma_start3A_530 = arith.constant 0 : i32
    %dma_start3A_531 = tpu.memref_slice %arg4[%dma_start3A_529, %dma_start3A_530] : memref<1024x128xf32, #tpu.memory_space<hbm>> -> memref<1024x128xf32, #tpu.memory_space<hbm>>
    tpu.enqueue_indirect_dma source(%dma_start3A_531 : memref<1024x128xf32, #tpu.memory_space<hbm>>) target(%arg22 : memref<64x128xf32, #tpu.memory_space<vmem>>) offsets(%dma_start3A_528 : memref<64xi32, #tpu.memory_space<vmem>>) semaphore(%arg34 : memref<!tpu.dma_semaphore, #tpu.memory_space<semaphore_mem>>)
    %dma_start3A_532 = arith.constant 320 : i32
    %dma_start3A_533 = tpu.memref_slice %arg17[%dma_start3A_532] : memref<512xi32, #tpu.memory_space<vmem>> -> memref<64xi32, #tpu.memory_space<vmem>>
    %dma_start3A_534 = arith.constant 0 : i32
    %dma_start3A_535 = arith.constant 0 : i32
    %dma_start3A_536 = tpu.memref_slice %arg5[%dma_start3A_534, %dma_start3A_535] : memref<1024x32xf32, #tpu.memory_space<hbm>> -> memref<1024x32xf32, #tpu.memory_space<hbm>>
    tpu.enqueue_indirect_dma source(%dma_start3A_536 : memref<1024x32xf32, #tpu.memory_space<hbm>>) target(%arg24 : memref<64x32xf32, #tpu.memory_space<vmem>>) offsets(%dma_start3A_533 : memref<64xi32, #tpu.memory_space<vmem>>) semaphore(%arg36 : memref<!tpu.dma_semaphore, #tpu.memory_space<semaphore_mem>>)
    %dma_start3A_537 = arith.constant 320 : i32
    %dma_start3A_538 = tpu.memref_slice %arg18[%dma_start3A_537] : memref<512xi32, #tpu.memory_space<vmem>> -> memref<64xi32, #tpu.memory_space<vmem>>
    %dma_start3A_539 = arith.constant 0 : i32
    %dma_start3A_540 = arith.constant 0 : i32
    %dma_start3A_541 = tpu.memref_slice %arg6[%dma_start3A_539, %dma_start3A_540] : memref<1024x128xf32, #tpu.memory_space<hbm>> -> memref<1024x128xf32, #tpu.memory_space<hbm>>
    tpu.enqueue_indirect_dma source(%dma_start3A_541 : memref<1024x128xf32, #tpu.memory_space<hbm>>) target(%arg26 : memref<64x128xf32, #tpu.memory_space<vmem>>) offsets(%dma_start3A_538 : memref<64xi32, #tpu.memory_space<vmem>>) semaphore(%arg38 : memref<!tpu.dma_semaphore, #tpu.memory_space<semaphore_mem>>)
    %dma_start3A_542 = arith.constant 320 : i32
    %dma_start3A_543 = tpu.memref_slice %arg18[%dma_start3A_542] : memref<512xi32, #tpu.memory_space<vmem>> -> memref<64xi32, #tpu.memory_space<vmem>>
    %dma_start3A_544 = arith.constant 0 : i32
    %dma_start3A_545 = arith.constant 0 : i32
    %dma_start3A_546 = tpu.memref_slice %arg7[%dma_start3A_544, %dma_start3A_545] : memref<1024x128xf32, #tpu.memory_space<hbm>> -> memref<1024x128xf32, #tpu.memory_space<hbm>>
    tpu.enqueue_indirect_dma source(%dma_start3A_546 : memref<1024x128xf32, #tpu.memory_space<hbm>>) target(%arg28 : memref<64x128xf32, #tpu.memory_space<vmem>>) offsets(%dma_start3A_543 : memref<64xi32, #tpu.memory_space<vmem>>) semaphore(%arg40 : memref<!tpu.dma_semaphore, #tpu.memory_space<semaphore_mem>>)
    %dma_start3A_547 = arith.constant 320 : i32
    %dma_start3A_548 = tpu.memref_slice %arg18[%dma_start3A_547] : memref<512xi32, #tpu.memory_space<vmem>> -> memref<64xi32, #tpu.memory_space<vmem>>
    %dma_start3A_549 = arith.constant 0 : i32
    %dma_start3A_550 = arith.constant 0 : i32
    %dma_start3A_551 = tpu.memref_slice %arg8[%dma_start3A_549, %dma_start3A_550] : memref<1024x48xf32, #tpu.memory_space<hbm>> -> memref<1024x48xf32, #tpu.memory_space<hbm>>
    tpu.enqueue_indirect_dma source(%dma_start3A_551 : memref<1024x48xf32, #tpu.memory_space<hbm>>) target(%arg30 : memref<64x48xf32, #tpu.memory_space<vmem>>) offsets(%dma_start3A_548 : memref<64xi32, #tpu.memory_space<vmem>>) semaphore(%arg42 : memref<!tpu.dma_semaphore, #tpu.memory_space<semaphore_mem>>)
    %dma_wait3A_552 = arith.constant 256 : i32
    %dma_wait3A_553 = tpu.memref_slice %arg17[%dma_wait3A_552] : memref<512xi32, #tpu.memory_space<vmem>> -> memref<64xi32, #tpu.memory_space<vmem>>
    %dma_wait3A_554 = arith.constant 0 : i32
    %dma_wait3A_555 = arith.constant 0 : i32
    %dma_wait3A_556 = tpu.memref_slice %arg3[%dma_wait3A_554, %dma_wait3A_555] : memref<1024x128xf32, #tpu.memory_space<hbm>> -> memref<1024x128xf32, #tpu.memory_space<hbm>>
    tpu.wait_indirect_dma semaphore(%arg31 : memref<!tpu.dma_semaphore, #tpu.memory_space<semaphore_mem>>) src(%dma_wait3A_556 : memref<1024x128xf32, #tpu.memory_space<hbm>>) dst(%arg19 : memref<64x128xf32, #tpu.memory_space<vmem>>)
    %dma_wait3A_557 = arith.constant 256 : i32
    %dma_wait3A_558 = tpu.memref_slice %arg17[%dma_wait3A_557] : memref<512xi32, #tpu.memory_space<vmem>> -> memref<64xi32, #tpu.memory_space<vmem>>
    %dma_wait3A_559 = arith.constant 0 : i32
    %dma_wait3A_560 = arith.constant 0 : i32
    %dma_wait3A_561 = tpu.memref_slice %arg4[%dma_wait3A_559, %dma_wait3A_560] : memref<1024x128xf32, #tpu.memory_space<hbm>> -> memref<1024x128xf32, #tpu.memory_space<hbm>>
    tpu.wait_indirect_dma semaphore(%arg33 : memref<!tpu.dma_semaphore, #tpu.memory_space<semaphore_mem>>) src(%dma_wait3A_561 : memref<1024x128xf32, #tpu.memory_space<hbm>>) dst(%arg21 : memref<64x128xf32, #tpu.memory_space<vmem>>)
    %dma_wait3A_562 = arith.constant 256 : i32
    %dma_wait3A_563 = tpu.memref_slice %arg17[%dma_wait3A_562] : memref<512xi32, #tpu.memory_space<vmem>> -> memref<64xi32, #tpu.memory_space<vmem>>
    %dma_wait3A_564 = arith.constant 0 : i32
    %dma_wait3A_565 = arith.constant 0 : i32
    %dma_wait3A_566 = tpu.memref_slice %arg5[%dma_wait3A_564, %dma_wait3A_565] : memref<1024x32xf32, #tpu.memory_space<hbm>> -> memref<1024x32xf32, #tpu.memory_space<hbm>>
    tpu.wait_indirect_dma semaphore(%arg35 : memref<!tpu.dma_semaphore, #tpu.memory_space<semaphore_mem>>) src(%dma_wait3A_566 : memref<1024x32xf32, #tpu.memory_space<hbm>>) dst(%arg23 : memref<64x32xf32, #tpu.memory_space<vmem>>)
    %dma_wait3A_567 = arith.constant 256 : i32
    %dma_wait3A_568 = tpu.memref_slice %arg18[%dma_wait3A_567] : memref<512xi32, #tpu.memory_space<vmem>> -> memref<64xi32, #tpu.memory_space<vmem>>
    %dma_wait3A_569 = arith.constant 0 : i32
    %dma_wait3A_570 = arith.constant 0 : i32
    %dma_wait3A_571 = tpu.memref_slice %arg6[%dma_wait3A_569, %dma_wait3A_570] : memref<1024x128xf32, #tpu.memory_space<hbm>> -> memref<1024x128xf32, #tpu.memory_space<hbm>>
    tpu.wait_indirect_dma semaphore(%arg37 : memref<!tpu.dma_semaphore, #tpu.memory_space<semaphore_mem>>) src(%dma_wait3A_571 : memref<1024x128xf32, #tpu.memory_space<hbm>>) dst(%arg25 : memref<64x128xf32, #tpu.memory_space<vmem>>)
    %dma_wait3A_572 = arith.constant 256 : i32
    %dma_wait3A_573 = tpu.memref_slice %arg18[%dma_wait3A_572] : memref<512xi32, #tpu.memory_space<vmem>> -> memref<64xi32, #tpu.memory_space<vmem>>
    %dma_wait3A_574 = arith.constant 0 : i32
    %dma_wait3A_575 = arith.constant 0 : i32
    %dma_wait3A_576 = tpu.memref_slice %arg7[%dma_wait3A_574, %dma_wait3A_575] : memref<1024x128xf32, #tpu.memory_space<hbm>> -> memref<1024x128xf32, #tpu.memory_space<hbm>>
    tpu.wait_indirect_dma semaphore(%arg39 : memref<!tpu.dma_semaphore, #tpu.memory_space<semaphore_mem>>) src(%dma_wait3A_576 : memref<1024x128xf32, #tpu.memory_space<hbm>>) dst(%arg27 : memref<64x128xf32, #tpu.memory_space<vmem>>)
    %dma_wait3A_577 = arith.constant 256 : i32
    %dma_wait3A_578 = tpu.memref_slice %arg18[%dma_wait3A_577] : memref<512xi32, #tpu.memory_space<vmem>> -> memref<64xi32, #tpu.memory_space<vmem>>
    %dma_wait3A_579 = arith.constant 0 : i32
    %dma_wait3A_580 = arith.constant 0 : i32
    %dma_wait3A_581 = tpu.memref_slice %arg8[%dma_wait3A_579, %dma_wait3A_580] : memref<1024x48xf32, #tpu.memory_space<hbm>> -> memref<1024x48xf32, #tpu.memory_space<hbm>>
    tpu.wait_indirect_dma semaphore(%arg41 : memref<!tpu.dma_semaphore, #tpu.memory_space<semaphore_mem>>) src(%dma_wait3A_581 : memref<1024x48xf32, #tpu.memory_space<hbm>>) dst(%arg29 : memref<64x48xf32, #tpu.memory_space<vmem>>)
    %scan3A_582 = arith.constant 0 : i32
    %scan3A_583 = arith.constant 0 : i32
    %scan3A_584 = arith.constant 64 : i32
    %scan3A_585 = arith.addi %scan3A_583, %scan3A_584 : i32
    %scan3A_586 = arith.constant 1 : i32
    scf.for %scan3A_972 = %scan3A_583 to %scan3A_585 step %scan3A_586  : i32 {
      %get3A = arith.index_cast %scan3A_972 : i32 to index
      %get3A_973 = arith.constant 0 : index
      %get3A_974 = tpu.vector_load %arg23[%get3A, %get3A_973] {strides = array<i32>} : memref<64x32xf32, #tpu.memory_space<vmem>>, vector<1x16xf32>,
      %get3A_975 = vector.shape_cast %get3A_974 : vector<1x16xf32> to vector<16xf32>
      %swap3A = arith.index_cast %scan3A_972 : i32 to index
      %swap3A_976 = arith.constant 0 : index
      %swap3A_977 = tpu.vector_load %arg25[%swap3A, %swap3A_976] {strides = array<i32>} : memref<64x128xf32, #tpu.memory_space<vmem>>, vector<1x16xf32>,
      %swap3A_978 = vector.shape_cast %swap3A_977 : vector<1x16xf32> to vector<16xf32>
      %swap3A_979 = vector.shape_cast %get3A_975 : vector<16xf32> to vector<1x16xf32>
      tpu.vector_store %arg25[%swap3A, %swap3A_976], %swap3A_979 {strides = array<i32>} : memref<64x128xf32, #tpu.memory_space<vmem>>, vector<1x16xf32>,
      %get3A_980 = arith.index_cast %scan3A_972 : i32 to index
      %get3A_981 = arith.constant 16 : index
      %get3A_982 = tpu.vector_load %arg23[%get3A_980, %get3A_981] {strides = array<i32>} : memref<64x32xf32, #tpu.memory_space<vmem>>, vector<1x16xf32>,
      %get3A_983 = vector.shape_cast %get3A_982 : vector<1x16xf32> to vector<16xf32>
      %get3A_984 = arith.index_cast %scan3A_972 : i32 to index
      %get3A_985 = arith.constant 16 : index
      %get3A_986 = tpu.vector_load %arg25[%get3A_984, %get3A_985] {strides = array<i32>} : memref<64x128xf32, #tpu.memory_space<vmem>>, vector<1x16xf32>,
      %get3A_987 = vector.shape_cast %get3A_986 : vector<1x16xf32> to vector<16xf32>
      %select_n3A = arith.select %lt3A_13, %get3A_983, %get3A_987 : vector<16xi1>, vector<16xf32>
      %swap3A_988 = arith.index_cast %scan3A_972 : i32 to index
      %swap3A_989 = arith.constant 16 : index
      %swap3A_990 = tpu.vector_load %arg25[%swap3A_988, %swap3A_989] {strides = array<i32>} : memref<64x128xf32, #tpu.memory_space<vmem>>, vector<1x16xf32>,
      %swap3A_991 = vector.shape_cast %swap3A_990 : vector<1x16xf32> to vector<16xf32>
      %swap3A_992 = vector.shape_cast %select_n3A : vector<16xf32> to vector<1x16xf32>
      tpu.vector_store %arg25[%swap3A_988, %swap3A_989], %swap3A_992 {strides = array<i32>} : memref<64x128xf32, #tpu.memory_space<vmem>>, vector<1x16xf32>,
    }
    %scan3A_587 = arith.constant 64 : i32
    %add3A_588 = arith.constant 256 : i32
    %add3A_589 = arith.addi %mul3A_2, %add3A_588 : i32
    %dma_start3A_590 = arith.constant 0 : i32
    %dma_start3A_591 = tpu.memref_slice %arg9[%add3A_589, %dma_start3A_590] : memref<16384x128xf32, #tpu.memory_space<hbm>> -> memref<64x128xf32, #tpu.memory_space<hbm>>
    %dma_start3A_592 = arith.constant 0 : i32
    %dma_start3A_593 = tpu.memref_slice %arg9[%add3A_589, %dma_start3A_592] : memref<16384x128xf32, #tpu.memory_space<hbm>> -> memref<64x128xf32, #tpu.memory_space<hbm>>
    tpu.enqueue_dma source(%arg19 : memref<64x128xf32, #tpu.memory_space<vmem>>) target(%dma_start3A_593 : memref<64x128xf32, #tpu.memory_space<hbm>>) target_semaphore(%arg43 : memref<!tpu.dma_semaphore, #tpu.memory_space<semaphore_mem>>)
    %dma_start3A_594 = arith.constant 0 : i32
    %dma_start3A_595 = tpu.memref_slice %arg10[%add3A_589, %dma_start3A_594] : memref<16384x128xf32, #tpu.memory_space<hbm>> -> memref<64x128xf32, #tpu.memory_space<hbm>>
    %dma_start3A_596 = arith.constant 0 : i32
    %dma_start3A_597 = tpu.memref_slice %arg10[%add3A_589, %dma_start3A_596] : memref<16384x128xf32, #tpu.memory_space<hbm>> -> memref<64x128xf32, #tpu.memory_space<hbm>>
    tpu.enqueue_dma source(%arg21 : memref<64x128xf32, #tpu.memory_space<vmem>>) target(%dma_start3A_597 : memref<64x128xf32, #tpu.memory_space<hbm>>) target_semaphore(%arg43 : memref<!tpu.dma_semaphore, #tpu.memory_space<semaphore_mem>>)
    %dma_start3A_598 = arith.constant 0 : i32
    %dma_start3A_599 = tpu.memref_slice %arg11[%add3A_589, %dma_start3A_598] : memref<16384x128xf32, #tpu.memory_space<hbm>> -> memref<64x128xf32, #tpu.memory_space<hbm>>
    %dma_start3A_600 = arith.constant 0 : i32
    %dma_start3A_601 = tpu.memref_slice %arg11[%add3A_589, %dma_start3A_600] : memref<16384x128xf32, #tpu.memory_space<hbm>> -> memref<64x128xf32, #tpu.memory_space<hbm>>
    tpu.enqueue_dma source(%arg25 : memref<64x128xf32, #tpu.memory_space<vmem>>) target(%dma_start3A_601 : memref<64x128xf32, #tpu.memory_space<hbm>>) target_semaphore(%arg43 : memref<!tpu.dma_semaphore, #tpu.memory_space<semaphore_mem>>)
    %dma_start3A_602 = arith.constant 0 : i32
    %dma_start3A_603 = tpu.memref_slice %arg12[%add3A_589, %dma_start3A_602] : memref<16384x128xf32, #tpu.memory_space<hbm>> -> memref<64x128xf32, #tpu.memory_space<hbm>>
    %dma_start3A_604 = arith.constant 0 : i32
    %dma_start3A_605 = tpu.memref_slice %arg12[%add3A_589, %dma_start3A_604] : memref<16384x128xf32, #tpu.memory_space<hbm>> -> memref<64x128xf32, #tpu.memory_space<hbm>>
    tpu.enqueue_dma source(%arg27 : memref<64x128xf32, #tpu.memory_space<vmem>>) target(%dma_start3A_605 : memref<64x128xf32, #tpu.memory_space<hbm>>) target_semaphore(%arg43 : memref<!tpu.dma_semaphore, #tpu.memory_space<semaphore_mem>>)
    %dma_start3A_606 = arith.constant 0 : i32
    %dma_start3A_607 = arith.constant 0 : i32
    %dma_start3A_608 = tpu.memref_slice %arg29[%dma_start3A_606, %dma_start3A_607] : memref<64x48xf32, #tpu.memory_space<vmem>> -> memref<64x40xf32, #tpu.memory_space<vmem>>
    %dma_start3A_609 = arith.constant 0 : i32
    %dma_start3A_610 = tpu.memref_slice %arg13[%add3A_589, %dma_start3A_609] : memref<16384x128xf32, #tpu.memory_space<hbm>> -> memref<64x40xf32, #tpu.memory_space<hbm>>
    %dma_start3A_611 = arith.constant 0 : i32
    %dma_start3A_612 = tpu.memref_slice %arg13[%add3A_589, %dma_start3A_611] : memref<16384x128xf32, #tpu.memory_space<hbm>> -> memref<64x40xf32, #tpu.memory_space<hbm>>
    %dma_start3A_613 = arith.constant 0 : i32
    %dma_start3A_614 = arith.constant 0 : i32
    %dma_start3A_615 = tpu.memref_slice %arg29[%dma_start3A_613, %dma_start3A_614] : memref<64x48xf32, #tpu.memory_space<vmem>> -> memref<64x40xf32, #tpu.memory_space<vmem>>
    tpu.enqueue_dma source(%dma_start3A_615 : memref<64x40xf32, #tpu.memory_space<vmem>>) target(%dma_start3A_612 : memref<64x40xf32, #tpu.memory_space<hbm>>) target_semaphore(%arg43 : memref<!tpu.dma_semaphore, #tpu.memory_space<semaphore_mem>>)
    %dma_wait3A_616 = arith.constant 0 : i32
    %dma_wait3A_617 = tpu.memref_slice %arg9[%add3A_589, %dma_wait3A_616] : memref<16384x128xf32, #tpu.memory_space<hbm>> -> memref<64x128xf32, #tpu.memory_space<hbm>>
    %dma_wait3A_618 = arith.constant 0 : i32
    %dma_wait3A_619 = tpu.memref_slice %arg9[%add3A_589, %dma_wait3A_618] : memref<16384x128xf32, #tpu.memory_space<hbm>> -> memref<64x128xf32, #tpu.memory_space<hbm>>
    tpu.wait_dma2 semaphore(%arg43 : memref<!tpu.dma_semaphore, #tpu.memory_space<semaphore_mem>>) src(%arg19 : memref<64x128xf32, #tpu.memory_space<vmem>>) dst(%dma_wait3A_619 : memref<64x128xf32, #tpu.memory_space<hbm>>)
    %dma_wait3A_620 = arith.constant 0 : i32
    %dma_wait3A_621 = tpu.memref_slice %arg10[%add3A_589, %dma_wait3A_620] : memref<16384x128xf32, #tpu.memory_space<hbm>> -> memref<64x128xf32, #tpu.memory_space<hbm>>
    %dma_wait3A_622 = arith.constant 0 : i32
    %dma_wait3A_623 = tpu.memref_slice %arg10[%add3A_589, %dma_wait3A_622] : memref<16384x128xf32, #tpu.memory_space<hbm>> -> memref<64x128xf32, #tpu.memory_space<hbm>>
    tpu.wait_dma2 semaphore(%arg43 : memref<!tpu.dma_semaphore, #tpu.memory_space<semaphore_mem>>) src(%arg21 : memref<64x128xf32, #tpu.memory_space<vmem>>) dst(%dma_wait3A_623 : memref<64x128xf32, #tpu.memory_space<hbm>>)
    %dma_wait3A_624 = arith.constant 0 : i32
    %dma_wait3A_625 = tpu.memref_slice %arg11[%add3A_589, %dma_wait3A_624] : memref<16384x128xf32, #tpu.memory_space<hbm>> -> memref<64x128xf32, #tpu.memory_space<hbm>>
    %dma_wait3A_626 = arith.constant 0 : i32
    %dma_wait3A_627 = tpu.memref_slice %arg11[%add3A_589, %dma_wait3A_626] : memref<16384x128xf32, #tpu.memory_space<hbm>> -> memref<64x128xf32, #tpu.memory_space<hbm>>
    tpu.wait_dma2 semaphore(%arg43 : memref<!tpu.dma_semaphore, #tpu.memory_space<semaphore_mem>>) src(%arg25 : memref<64x128xf32, #tpu.memory_space<vmem>>) dst(%dma_wait3A_627 : memref<64x128xf32, #tpu.memory_space<hbm>>)
    %dma_wait3A_628 = arith.constant 0 : i32
    %dma_wait3A_629 = tpu.memref_slice %arg12[%add3A_589, %dma_wait3A_628] : memref<16384x128xf32, #tpu.memory_space<hbm>> -> memref<64x128xf32, #tpu.memory_space<hbm>>
    %dma_wait3A_630 = arith.constant 0 : i32
    %dma_wait3A_631 = tpu.memref_slice %arg12[%add3A_589, %dma_wait3A_630] : memref<16384x128xf32, #tpu.memory_space<hbm>> -> memref<64x128xf32, #tpu.memory_space<hbm>>
    tpu.wait_dma2 semaphore(%arg43 : memref<!tpu.dma_semaphore, #tpu.memory_space<semaphore_mem>>) src(%arg27 : memref<64x128xf32, #tpu.memory_space<vmem>>) dst(%dma_wait3A_631 : memref<64x128xf32, #tpu.memory_space<hbm>>)
    %dma_wait3A_632 = arith.constant 0 : i32
    %dma_wait3A_633 = arith.constant 0 : i32
    %dma_wait3A_634 = tpu.memref_slice %arg29[%dma_wait3A_632, %dma_wait3A_633] : memref<64x48xf32, #tpu.memory_space<vmem>> -> memref<64x40xf32, #tpu.memory_space<vmem>>
    %dma_wait3A_635 = arith.constant 0 : i32
    %dma_wait3A_636 = tpu.memref_slice %arg13[%add3A_589, %dma_wait3A_635] : memref<16384x128xf32, #tpu.memory_space<hbm>> -> memref<64x40xf32, #tpu.memory_space<hbm>>
    %dma_wait3A_637 = arith.constant 0 : i32
    %dma_wait3A_638 = tpu.memref_slice %arg13[%add3A_589, %dma_wait3A_637] : memref<16384x128xf32, #tpu.memory_space<hbm>> -> memref<64x40xf32, #tpu.memory_space<hbm>>
    %dma_wait3A_639 = arith.constant 0 : i32
    %dma_wait3A_640 = arith.constant 0 : i32
    %dma_wait3A_641 = tpu.memref_slice %arg29[%dma_wait3A_639, %dma_wait3A_640] : memref<64x48xf32, #tpu.memory_space<vmem>> -> memref<64x40xf32, #tpu.memory_space<vmem>>
    tpu.wait_dma2 semaphore(%arg43 : memref<!tpu.dma_semaphore, #tpu.memory_space<semaphore_mem>>) src(%dma_wait3A_641 : memref<64x40xf32, #tpu.memory_space<vmem>>) dst(%dma_wait3A_638 : memref<64x40xf32, #tpu.memory_space<hbm>>)
    %dma_start3A_642 = arith.constant 384 : i32
    %dma_start3A_643 = tpu.memref_slice %arg17[%dma_start3A_642] : memref<512xi32, #tpu.memory_space<vmem>> -> memref<64xi32, #tpu.memory_space<vmem>>
    %dma_start3A_644 = arith.constant 0 : i32
    %dma_start3A_645 = arith.constant 0 : i32
    %dma_start3A_646 = tpu.memref_slice %arg3[%dma_start3A_644, %dma_start3A_645] : memref<1024x128xf32, #tpu.memory_space<hbm>> -> memref<1024x128xf32, #tpu.memory_space<hbm>>
    tpu.enqueue_indirect_dma source(%dma_start3A_646 : memref<1024x128xf32, #tpu.memory_space<hbm>>) target(%arg19 : memref<64x128xf32, #tpu.memory_space<vmem>>) offsets(%dma_start3A_643 : memref<64xi32, #tpu.memory_space<vmem>>) semaphore(%arg31 : memref<!tpu.dma_semaphore, #tpu.memory_space<semaphore_mem>>)
    %dma_start3A_647 = arith.constant 384 : i32
    %dma_start3A_648 = tpu.memref_slice %arg17[%dma_start3A_647] : memref<512xi32, #tpu.memory_space<vmem>> -> memref<64xi32, #tpu.memory_space<vmem>>
    %dma_start3A_649 = arith.constant 0 : i32
    %dma_start3A_650 = arith.constant 0 : i32
    %dma_start3A_651 = tpu.memref_slice %arg4[%dma_start3A_649, %dma_start3A_650] : memref<1024x128xf32, #tpu.memory_space<hbm>> -> memref<1024x128xf32, #tpu.memory_space<hbm>>
    tpu.enqueue_indirect_dma source(%dma_start3A_651 : memref<1024x128xf32, #tpu.memory_space<hbm>>) target(%arg21 : memref<64x128xf32, #tpu.memory_space<vmem>>) offsets(%dma_start3A_648 : memref<64xi32, #tpu.memory_space<vmem>>) semaphore(%arg33 : memref<!tpu.dma_semaphore, #tpu.memory_space<semaphore_mem>>)
    %dma_start3A_652 = arith.constant 384 : i32
    %dma_start3A_653 = tpu.memref_slice %arg17[%dma_start3A_652] : memref<512xi32, #tpu.memory_space<vmem>> -> memref<64xi32, #tpu.memory_space<vmem>>
    %dma_start3A_654 = arith.constant 0 : i32
    %dma_start3A_655 = arith.constant 0 : i32
    %dma_start3A_656 = tpu.memref_slice %arg5[%dma_start3A_654, %dma_start3A_655] : memref<1024x32xf32, #tpu.memory_space<hbm>> -> memref<1024x32xf32, #tpu.memory_space<hbm>>
    tpu.enqueue_indirect_dma source(%dma_start3A_656 : memref<1024x32xf32, #tpu.memory_space<hbm>>) target(%arg23 : memref<64x32xf32, #tpu.memory_space<vmem>>) offsets(%dma_start3A_653 : memref<64xi32, #tpu.memory_space<vmem>>) semaphore(%arg35 : memref<!tpu.dma_semaphore, #tpu.memory_space<semaphore_mem>>)
    %dma_start3A_657 = arith.constant 384 : i32
    %dma_start3A_658 = tpu.memref_slice %arg18[%dma_start3A_657] : memref<512xi32, #tpu.memory_space<vmem>> -> memref<64xi32, #tpu.memory_space<vmem>>
    %dma_start3A_659 = arith.constant 0 : i32
    %dma_start3A_660 = arith.constant 0 : i32
    %dma_start3A_661 = tpu.memref_slice %arg6[%dma_start3A_659, %dma_start3A_660] : memref<1024x128xf32, #tpu.memory_space<hbm>> -> memref<1024x128xf32, #tpu.memory_space<hbm>>
    tpu.enqueue_indirect_dma source(%dma_start3A_661 : memref<1024x128xf32, #tpu.memory_space<hbm>>) target(%arg25 : memref<64x128xf32, #tpu.memory_space<vmem>>) offsets(%dma_start3A_658 : memref<64xi32, #tpu.memory_space<vmem>>) semaphore(%arg37 : memref<!tpu.dma_semaphore, #tpu.memory_space<semaphore_mem>>)
    %dma_start3A_662 = arith.constant 384 : i32
    %dma_start3A_663 = tpu.memref_slice %arg18[%dma_start3A_662] : memref<512xi32, #tpu.memory_space<vmem>> -> memref<64xi32, #tpu.memory_space<vmem>>
    %dma_start3A_664 = arith.constant 0 : i32
    %dma_start3A_665 = arith.constant 0 : i32
    %dma_start3A_666 = tpu.memref_slice %arg7[%dma_start3A_664, %dma_start3A_665] : memref<1024x128xf32, #tpu.memory_space<hbm>> -> memref<1024x128xf32, #tpu.memory_space<hbm>>
    tpu.enqueue_indirect_dma source(%dma_start3A_666 : memref<1024x128xf32, #tpu.memory_space<hbm>>) target(%arg27 : memref<64x128xf32, #tpu.memory_space<vmem>>) offsets(%dma_start3A_663 : memref<64xi32, #tpu.memory_space<vmem>>) semaphore(%arg39 : memref<!tpu.dma_semaphore, #tpu.memory_space<semaphore_mem>>)
    %dma_start3A_667 = arith.constant 384 : i32
    %dma_start3A_668 = tpu.memref_slice %arg18[%dma_start3A_667] : memref<512xi32, #tpu.memory_space<vmem>> -> memref<64xi32, #tpu.memory_space<vmem>>
    %dma_start3A_669 = arith.constant 0 : i32
    %dma_start3A_670 = arith.constant 0 : i32
    %dma_start3A_671 = tpu.memref_slice %arg8[%dma_start3A_669, %dma_start3A_670] : memref<1024x48xf32, #tpu.memory_space<hbm>> -> memref<1024x48xf32, #tpu.memory_space<hbm>>
    tpu.enqueue_indirect_dma source(%dma_start3A_671 : memref<1024x48xf32, #tpu.memory_space<hbm>>) target(%arg29 : memref<64x48xf32, #tpu.memory_space<vmem>>) offsets(%dma_start3A_668 : memref<64xi32, #tpu.memory_space<vmem>>) semaphore(%arg41 : memref<!tpu.dma_semaphore, #tpu.memory_space<semaphore_mem>>)
    %dma_wait3A_672 = arith.constant 320 : i32
    %dma_wait3A_673 = tpu.memref_slice %arg17[%dma_wait3A_672] : memref<512xi32, #tpu.memory_space<vmem>> -> memref<64xi32, #tpu.memory_space<vmem>>
    %dma_wait3A_674 = arith.constant 0 : i32
    %dma_wait3A_675 = arith.constant 0 : i32
    %dma_wait3A_676 = tpu.memref_slice %arg3[%dma_wait3A_674, %dma_wait3A_675] : memref<1024x128xf32, #tpu.memory_space<hbm>> -> memref<1024x128xf32, #tpu.memory_space<hbm>>
    tpu.wait_indirect_dma semaphore(%arg32 : memref<!tpu.dma_semaphore, #tpu.memory_space<semaphore_mem>>) src(%dma_wait3A_676 : memref<1024x128xf32, #tpu.memory_space<hbm>>) dst(%arg20 : memref<64x128xf32, #tpu.memory_space<vmem>>)
    %dma_wait3A_677 = arith.constant 320 : i32
    %dma_wait3A_678 = tpu.memref_slice %arg17[%dma_wait3A_677] : memref<512xi32, #tpu.memory_space<vmem>> -> memref<64xi32, #tpu.memory_space<vmem>>
    %dma_wait3A_679 = arith.constant 0 : i32
    %dma_wait3A_680 = arith.constant 0 : i32
    %dma_wait3A_681 = tpu.memref_slice %arg4[%dma_wait3A_679, %dma_wait3A_680] : memref<1024x128xf32, #tpu.memory_space<hbm>> -> memref<1024x128xf32, #tpu.memory_space<hbm>>
    tpu.wait_indirect_dma semaphore(%arg34 : memref<!tpu.dma_semaphore, #tpu.memory_space<semaphore_mem>>) src(%dma_wait3A_681 : memref<1024x128xf32, #tpu.memory_space<hbm>>) dst(%arg22 : memref<64x128xf32, #tpu.memory_space<vmem>>)
    %dma_wait3A_682 = arith.constant 320 : i32
    %dma_wait3A_683 = tpu.memref_slice %arg17[%dma_wait3A_682] : memref<512xi32, #tpu.memory_space<vmem>> -> memref<64xi32, #tpu.memory_space<vmem>>
    %dma_wait3A_684 = arith.constant 0 : i32
    %dma_wait3A_685 = arith.constant 0 : i32
    %dma_wait3A_686 = tpu.memref_slice %arg5[%dma_wait3A_684, %dma_wait3A_685] : memref<1024x32xf32, #tpu.memory_space<hbm>> -> memref<1024x32xf32, #tpu.memory_space<hbm>>
    tpu.wait_indirect_dma semaphore(%arg36 : memref<!tpu.dma_semaphore, #tpu.memory_space<semaphore_mem>>) src(%dma_wait3A_686 : memref<1024x32xf32, #tpu.memory_space<hbm>>) dst(%arg24 : memref<64x32xf32, #tpu.memory_space<vmem>>)
    %dma_wait3A_687 = arith.constant 320 : i32
    %dma_wait3A_688 = tpu.memref_slice %arg18[%dma_wait3A_687] : memref<512xi32, #tpu.memory_space<vmem>> -> memref<64xi32, #tpu.memory_space<vmem>>
    %dma_wait3A_689 = arith.constant 0 : i32
    %dma_wait3A_690 = arith.constant 0 : i32
    %dma_wait3A_691 = tpu.memref_slice %arg6[%dma_wait3A_689, %dma_wait3A_690] : memref<1024x128xf32, #tpu.memory_space<hbm>> -> memref<1024x128xf32, #tpu.memory_space<hbm>>
    tpu.wait_indirect_dma semaphore(%arg38 : memref<!tpu.dma_semaphore, #tpu.memory_space<semaphore_mem>>) src(%dma_wait3A_691 : memref<1024x128xf32, #tpu.memory_space<hbm>>) dst(%arg26 : memref<64x128xf32, #tpu.memory_space<vmem>>)
    %dma_wait3A_692 = arith.constant 320 : i32
    %dma_wait3A_693 = tpu.memref_slice %arg18[%dma_wait3A_692] : memref<512xi32, #tpu.memory_space<vmem>> -> memref<64xi32, #tpu.memory_space<vmem>>
    %dma_wait3A_694 = arith.constant 0 : i32
    %dma_wait3A_695 = arith.constant 0 : i32
    %dma_wait3A_696 = tpu.memref_slice %arg7[%dma_wait3A_694, %dma_wait3A_695] : memref<1024x128xf32, #tpu.memory_space<hbm>> -> memref<1024x128xf32, #tpu.memory_space<hbm>>
    tpu.wait_indirect_dma semaphore(%arg40 : memref<!tpu.dma_semaphore, #tpu.memory_space<semaphore_mem>>) src(%dma_wait3A_696 : memref<1024x128xf32, #tpu.memory_space<hbm>>) dst(%arg28 : memref<64x128xf32, #tpu.memory_space<vmem>>)
    %dma_wait3A_697 = arith.constant 320 : i32
    %dma_wait3A_698 = tpu.memref_slice %arg18[%dma_wait3A_697] : memref<512xi32, #tpu.memory_space<vmem>> -> memref<64xi32, #tpu.memory_space<vmem>>
    %dma_wait3A_699 = arith.constant 0 : i32
    %dma_wait3A_700 = arith.constant 0 : i32
    %dma_wait3A_701 = tpu.memref_slice %arg8[%dma_wait3A_699, %dma_wait3A_700] : memref<1024x48xf32, #tpu.memory_space<hbm>> -> memref<1024x48xf32, #tpu.memory_space<hbm>>
    tpu.wait_indirect_dma semaphore(%arg42 : memref<!tpu.dma_semaphore, #tpu.memory_space<semaphore_mem>>) src(%dma_wait3A_701 : memref<1024x48xf32, #tpu.memory_space<hbm>>) dst(%arg30 : memref<64x48xf32, #tpu.memory_space<vmem>>)
    %scan3A_702 = arith.constant 0 : i32
    %scan3A_703 = arith.constant 0 : i32
    %scan3A_704 = arith.constant 64 : i32
    %scan3A_705 = arith.addi %scan3A_703, %scan3A_704 : i32
    %scan3A_706 = arith.constant 1 : i32
    scf.for %scan3A_972 = %scan3A_703 to %scan3A_705 step %scan3A_706  : i32 {
      %get3A = arith.index_cast %scan3A_972 : i32 to index
      %get3A_973 = arith.constant 0 : index
      %get3A_974 = tpu.vector_load %arg24[%get3A, %get3A_973] {strides = array<i32>} : memref<64x32xf32, #tpu.memory_space<vmem>>, vector<1x16xf32>,
      %get3A_975 = vector.shape_cast %get3A_974 : vector<1x16xf32> to vector<16xf32>
      %swap3A = arith.index_cast %scan3A_972 : i32 to index
      %swap3A_976 = arith.constant 0 : index
      %swap3A_977 = tpu.vector_load %arg26[%swap3A, %swap3A_976] {strides = array<i32>} : memref<64x128xf32, #tpu.memory_space<vmem>>, vector<1x16xf32>,
      %swap3A_978 = vector.shape_cast %swap3A_977 : vector<1x16xf32> to vector<16xf32>
      %swap3A_979 = vector.shape_cast %get3A_975 : vector<16xf32> to vector<1x16xf32>
      tpu.vector_store %arg26[%swap3A, %swap3A_976], %swap3A_979 {strides = array<i32>} : memref<64x128xf32, #tpu.memory_space<vmem>>, vector<1x16xf32>,
      %get3A_980 = arith.index_cast %scan3A_972 : i32 to index
      %get3A_981 = arith.constant 16 : index
      %get3A_982 = tpu.vector_load %arg24[%get3A_980, %get3A_981] {strides = array<i32>} : memref<64x32xf32, #tpu.memory_space<vmem>>, vector<1x16xf32>,
      %get3A_983 = vector.shape_cast %get3A_982 : vector<1x16xf32> to vector<16xf32>
      %get3A_984 = arith.index_cast %scan3A_972 : i32 to index
      %get3A_985 = arith.constant 16 : index
      %get3A_986 = tpu.vector_load %arg26[%get3A_984, %get3A_985] {strides = array<i32>} : memref<64x128xf32, #tpu.memory_space<vmem>>, vector<1x16xf32>,
      %get3A_987 = vector.shape_cast %get3A_986 : vector<1x16xf32> to vector<16xf32>
      %select_n3A = arith.select %lt3A_13, %get3A_983, %get3A_987 : vector<16xi1>, vector<16xf32>
      %swap3A_988 = arith.index_cast %scan3A_972 : i32 to index
      %swap3A_989 = arith.constant 16 : index
      %swap3A_990 = tpu.vector_load %arg26[%swap3A_988, %swap3A_989] {strides = array<i32>} : memref<64x128xf32, #tpu.memory_space<vmem>>, vector<1x16xf32>,
      %swap3A_991 = vector.shape_cast %swap3A_990 : vector<1x16xf32> to vector<16xf32>
      %swap3A_992 = vector.shape_cast %select_n3A : vector<16xf32> to vector<1x16xf32>
      tpu.vector_store %arg26[%swap3A_988, %swap3A_989], %swap3A_992 {strides = array<i32>} : memref<64x128xf32, #tpu.memory_space<vmem>>, vector<1x16xf32>,
    }
    %scan3A_707 = arith.constant 64 : i32
    %add3A_708 = arith.constant 320 : i32
    %add3A_709 = arith.addi %mul3A_2, %add3A_708 : i32
    %dma_start3A_710 = arith.constant 0 : i32
    %dma_start3A_711 = tpu.memref_slice %arg9[%add3A_709, %dma_start3A_710] : memref<16384x128xf32, #tpu.memory_space<hbm>> -> memref<64x128xf32, #tpu.memory_space<hbm>>
    %dma_start3A_712 = arith.constant 0 : i32
    %dma_start3A_713 = tpu.memref_slice %arg9[%add3A_709, %dma_start3A_712] : memref<16384x128xf32, #tpu.memory_space<hbm>> -> memref<64x128xf32, #tpu.memory_space<hbm>>
    tpu.enqueue_dma source(%arg20 : memref<64x128xf32, #tpu.memory_space<vmem>>) target(%dma_start3A_713 : memref<64x128xf32, #tpu.memory_space<hbm>>) target_semaphore(%arg44 : memref<!tpu.dma_semaphore, #tpu.memory_space<semaphore_mem>>)
    %dma_start3A_714 = arith.constant 0 : i32
    %dma_start3A_715 = tpu.memref_slice %arg10[%add3A_709, %dma_start3A_714] : memref<16384x128xf32, #tpu.memory_space<hbm>> -> memref<64x128xf32, #tpu.memory_space<hbm>>
    %dma_start3A_716 = arith.constant 0 : i32
    %dma_start3A_717 = tpu.memref_slice %arg10[%add3A_709, %dma_start3A_716] : memref<16384x128xf32, #tpu.memory_space<hbm>> -> memref<64x128xf32, #tpu.memory_space<hbm>>
    tpu.enqueue_dma source(%arg22 : memref<64x128xf32, #tpu.memory_space<vmem>>) target(%dma_start3A_717 : memref<64x128xf32, #tpu.memory_space<hbm>>) target_semaphore(%arg44 : memref<!tpu.dma_semaphore, #tpu.memory_space<semaphore_mem>>)
    %dma_start3A_718 = arith.constant 0 : i32
    %dma_start3A_719 = tpu.memref_slice %arg11[%add3A_709, %dma_start3A_718] : memref<16384x128xf32, #tpu.memory_space<hbm>> -> memref<64x128xf32, #tpu.memory_space<hbm>>
    %dma_start3A_720 = arith.constant 0 : i32
    %dma_start3A_721 = tpu.memref_slice %arg11[%add3A_709, %dma_start3A_720] : memref<16384x128xf32, #tpu.memory_space<hbm>> -> memref<64x128xf32, #tpu.memory_space<hbm>>
    tpu.enqueue_dma source(%arg26 : memref<64x128xf32, #tpu.memory_space<vmem>>) target(%dma_start3A_721 : memref<64x128xf32, #tpu.memory_space<hbm>>) target_semaphore(%arg44 : memref<!tpu.dma_semaphore, #tpu.memory_space<semaphore_mem>>)
    %dma_start3A_722 = arith.constant 0 : i32
    %dma_start3A_723 = tpu.memref_slice %arg12[%add3A_709, %dma_start3A_722] : memref<16384x128xf32, #tpu.memory_space<hbm>> -> memref<64x128xf32, #tpu.memory_space<hbm>>
    %dma_start3A_724 = arith.constant 0 : i32
    %dma_start3A_725 = tpu.memref_slice %arg12[%add3A_709, %dma_start3A_724] : memref<16384x128xf32, #tpu.memory_space<hbm>> -> memref<64x128xf32, #tpu.memory_space<hbm>>
    tpu.enqueue_dma source(%arg28 : memref<64x128xf32, #tpu.memory_space<vmem>>) target(%dma_start3A_725 : memref<64x128xf32, #tpu.memory_space<hbm>>) target_semaphore(%arg44 : memref<!tpu.dma_semaphore, #tpu.memory_space<semaphore_mem>>)
    %dma_start3A_726 = arith.constant 0 : i32
    %dma_start3A_727 = arith.constant 0 : i32
    %dma_start3A_728 = tpu.memref_slice %arg30[%dma_start3A_726, %dma_start3A_727] : memref<64x48xf32, #tpu.memory_space<vmem>> -> memref<64x40xf32, #tpu.memory_space<vmem>>
    %dma_start3A_729 = arith.constant 0 : i32
    %dma_start3A_730 = tpu.memref_slice %arg13[%add3A_709, %dma_start3A_729] : memref<16384x128xf32, #tpu.memory_space<hbm>> -> memref<64x40xf32, #tpu.memory_space<hbm>>
    %dma_start3A_731 = arith.constant 0 : i32
    %dma_start3A_732 = tpu.memref_slice %arg13[%add3A_709, %dma_start3A_731] : memref<16384x128xf32, #tpu.memory_space<hbm>> -> memref<64x40xf32, #tpu.memory_space<hbm>>
    %dma_start3A_733 = arith.constant 0 : i32
    %dma_start3A_734 = arith.constant 0 : i32
    %dma_start3A_735 = tpu.memref_slice %arg30[%dma_start3A_733, %dma_start3A_734] : memref<64x48xf32, #tpu.memory_space<vmem>> -> memref<64x40xf32, #tpu.memory_space<vmem>>
    tpu.enqueue_dma source(%dma_start3A_735 : memref<64x40xf32, #tpu.memory_space<vmem>>) target(%dma_start3A_732 : memref<64x40xf32, #tpu.memory_space<hbm>>) target_semaphore(%arg44 : memref<!tpu.dma_semaphore, #tpu.memory_space<semaphore_mem>>)
    %dma_wait3A_736 = arith.constant 0 : i32
    %dma_wait3A_737 = tpu.memref_slice %arg9[%add3A_709, %dma_wait3A_736] : memref<16384x128xf32, #tpu.memory_space<hbm>> -> memref<64x128xf32, #tpu.memory_space<hbm>>
    %dma_wait3A_738 = arith.constant 0 : i32
    %dma_wait3A_739 = tpu.memref_slice %arg9[%add3A_709, %dma_wait3A_738] : memref<16384x128xf32, #tpu.memory_space<hbm>> -> memref<64x128xf32, #tpu.memory_space<hbm>>
    tpu.wait_dma2 semaphore(%arg44 : memref<!tpu.dma_semaphore, #tpu.memory_space<semaphore_mem>>) src(%arg20 : memref<64x128xf32, #tpu.memory_space<vmem>>) dst(%dma_wait3A_739 : memref<64x128xf32, #tpu.memory_space<hbm>>)
    %dma_wait3A_740 = arith.constant 0 : i32
    %dma_wait3A_741 = tpu.memref_slice %arg10[%add3A_709, %dma_wait3A_740] : memref<16384x128xf32, #tpu.memory_space<hbm>> -> memref<64x128xf32, #tpu.memory_space<hbm>>
    %dma_wait3A_742 = arith.constant 0 : i32
    %dma_wait3A_743 = tpu.memref_slice %arg10[%add3A_709, %dma_wait3A_742] : memref<16384x128xf32, #tpu.memory_space<hbm>> -> memref<64x128xf32, #tpu.memory_space<hbm>>
    tpu.wait_dma2 semaphore(%arg44 : memref<!tpu.dma_semaphore, #tpu.memory_space<semaphore_mem>>) src(%arg22 : memref<64x128xf32, #tpu.memory_space<vmem>>) dst(%dma_wait3A_743 : memref<64x128xf32, #tpu.memory_space<hbm>>)
    %dma_wait3A_744 = arith.constant 0 : i32
    %dma_wait3A_745 = tpu.memref_slice %arg11[%add3A_709, %dma_wait3A_744] : memref<16384x128xf32, #tpu.memory_space<hbm>> -> memref<64x128xf32, #tpu.memory_space<hbm>>
    %dma_wait3A_746 = arith.constant 0 : i32
    %dma_wait3A_747 = tpu.memref_slice %arg11[%add3A_709, %dma_wait3A_746] : memref<16384x128xf32, #tpu.memory_space<hbm>> -> memref<64x128xf32, #tpu.memory_space<hbm>>
    tpu.wait_dma2 semaphore(%arg44 : memref<!tpu.dma_semaphore, #tpu.memory_space<semaphore_mem>>) src(%arg26 : memref<64x128xf32, #tpu.memory_space<vmem>>) dst(%dma_wait3A_747 : memref<64x128xf32, #tpu.memory_space<hbm>>)
    %dma_wait3A_748 = arith.constant 0 : i32
    %dma_wait3A_749 = tpu.memref_slice %arg12[%add3A_709, %dma_wait3A_748] : memref<16384x128xf32, #tpu.memory_space<hbm>> -> memref<64x128xf32, #tpu.memory_space<hbm>>
    %dma_wait3A_750 = arith.constant 0 : i32
    %dma_wait3A_751 = tpu.memref_slice %arg12[%add3A_709, %dma_wait3A_750] : memref<16384x128xf32, #tpu.memory_space<hbm>> -> memref<64x128xf32, #tpu.memory_space<hbm>>
    tpu.wait_dma2 semaphore(%arg44 : memref<!tpu.dma_semaphore, #tpu.memory_space<semaphore_mem>>) src(%arg28 : memref<64x128xf32, #tpu.memory_space<vmem>>) dst(%dma_wait3A_751 : memref<64x128xf32, #tpu.memory_space<hbm>>)
    %dma_wait3A_752 = arith.constant 0 : i32
    %dma_wait3A_753 = arith.constant 0 : i32
    %dma_wait3A_754 = tpu.memref_slice %arg30[%dma_wait3A_752, %dma_wait3A_753] : memref<64x48xf32, #tpu.memory_space<vmem>> -> memref<64x40xf32, #tpu.memory_space<vmem>>
    %dma_wait3A_755 = arith.constant 0 : i32
    %dma_wait3A_756 = tpu.memref_slice %arg13[%add3A_709, %dma_wait3A_755] : memref<16384x128xf32, #tpu.memory_space<hbm>> -> memref<64x40xf32, #tpu.memory_space<hbm>>
    %dma_wait3A_757 = arith.constant 0 : i32
    %dma_wait3A_758 = tpu.memref_slice %arg13[%add3A_709, %dma_wait3A_757] : memref<16384x128xf32, #tpu.memory_space<hbm>> -> memref<64x40xf32, #tpu.memory_space<hbm>>
    %dma_wait3A_759 = arith.constant 0 : i32
    %dma_wait3A_760 = arith.constant 0 : i32
    %dma_wait3A_761 = tpu.memref_slice %arg30[%dma_wait3A_759, %dma_wait3A_760] : memref<64x48xf32, #tpu.memory_space<vmem>> -> memref<64x40xf32, #tpu.memory_space<vmem>>
    tpu.wait_dma2 semaphore(%arg44 : memref<!tpu.dma_semaphore, #tpu.memory_space<semaphore_mem>>) src(%dma_wait3A_761 : memref<64x40xf32, #tpu.memory_space<vmem>>) dst(%dma_wait3A_758 : memref<64x40xf32, #tpu.memory_space<hbm>>)
    %dma_start3A_762 = arith.constant 448 : i32
    %dma_start3A_763 = tpu.memref_slice %arg17[%dma_start3A_762] : memref<512xi32, #tpu.memory_space<vmem>> -> memref<64xi32, #tpu.memory_space<vmem>>
    %dma_start3A_764 = arith.constant 0 : i32
    %dma_start3A_765 = arith.constant 0 : i32
    %dma_start3A_766 = tpu.memref_slice %arg3[%dma_start3A_764, %dma_start3A_765] : memref<1024x128xf32, #tpu.memory_space<hbm>> -> memref<1024x128xf32, #tpu.memory_space<hbm>>
    tpu.enqueue_indirect_dma source(%dma_start3A_766 : memref<1024x128xf32, #tpu.memory_space<hbm>>) target(%arg20 : memref<64x128xf32, #tpu.memory_space<vmem>>) offsets(%dma_start3A_763 : memref<64xi32, #tpu.memory_space<vmem>>) semaphore(%arg32 : memref<!tpu.dma_semaphore, #tpu.memory_space<semaphore_mem>>)
    %dma_start3A_767 = arith.constant 448 : i32
    %dma_start3A_768 = tpu.memref_slice %arg17[%dma_start3A_767] : memref<512xi32, #tpu.memory_space<vmem>> -> memref<64xi32, #tpu.memory_space<vmem>>
    %dma_start3A_769 = arith.constant 0 : i32
    %dma_start3A_770 = arith.constant 0 : i32
    %dma_start3A_771 = tpu.memref_slice %arg4[%dma_start3A_769, %dma_start3A_770] : memref<1024x128xf32, #tpu.memory_space<hbm>> -> memref<1024x128xf32, #tpu.memory_space<hbm>>
    tpu.enqueue_indirect_dma source(%dma_start3A_771 : memref<1024x128xf32, #tpu.memory_space<hbm>>) target(%arg22 : memref<64x128xf32, #tpu.memory_space<vmem>>) offsets(%dma_start3A_768 : memref<64xi32, #tpu.memory_space<vmem>>) semaphore(%arg34 : memref<!tpu.dma_semaphore, #tpu.memory_space<semaphore_mem>>)
    %dma_start3A_772 = arith.constant 448 : i32
    %dma_start3A_773 = tpu.memref_slice %arg17[%dma_start3A_772] : memref<512xi32, #tpu.memory_space<vmem>> -> memref<64xi32, #tpu.memory_space<vmem>>
    %dma_start3A_774 = arith.constant 0 : i32
    %dma_start3A_775 = arith.constant 0 : i32
    %dma_start3A_776 = tpu.memref_slice %arg5[%dma_start3A_774, %dma_start3A_775] : memref<1024x32xf32, #tpu.memory_space<hbm>> -> memref<1024x32xf32, #tpu.memory_space<hbm>>
    tpu.enqueue_indirect_dma source(%dma_start3A_776 : memref<1024x32xf32, #tpu.memory_space<hbm>>) target(%arg24 : memref<64x32xf32, #tpu.memory_space<vmem>>) offsets(%dma_start3A_773 : memref<64xi32, #tpu.memory_space<vmem>>) semaphore(%arg36 : memref<!tpu.dma_semaphore, #tpu.memory_space<semaphore_mem>>)
    %dma_start3A_777 = arith.constant 448 : i32
    %dma_start3A_778 = tpu.memref_slice %arg18[%dma_start3A_777] : memref<512xi32, #tpu.memory_space<vmem>> -> memref<64xi32, #tpu.memory_space<vmem>>
    %dma_start3A_779 = arith.constant 0 : i32
    %dma_start3A_780 = arith.constant 0 : i32
    %dma_start3A_781 = tpu.memref_slice %arg6[%dma_start3A_779, %dma_start3A_780] : memref<1024x128xf32, #tpu.memory_space<hbm>> -> memref<1024x128xf32, #tpu.memory_space<hbm>>
    tpu.enqueue_indirect_dma source(%dma_start3A_781 : memref<1024x128xf32, #tpu.memory_space<hbm>>) target(%arg26 : memref<64x128xf32, #tpu.memory_space<vmem>>) offsets(%dma_start3A_778 : memref<64xi32, #tpu.memory_space<vmem>>) semaphore(%arg38 : memref<!tpu.dma_semaphore, #tpu.memory_space<semaphore_mem>>)
    %dma_start3A_782 = arith.constant 448 : i32
    %dma_start3A_783 = tpu.memref_slice %arg18[%dma_start3A_782] : memref<512xi32, #tpu.memory_space<vmem>> -> memref<64xi32, #tpu.memory_space<vmem>>
    %dma_start3A_784 = arith.constant 0 : i32
    %dma_start3A_785 = arith.constant 0 : i32
    %dma_start3A_786 = tpu.memref_slice %arg7[%dma_start3A_784, %dma_start3A_785] : memref<1024x128xf32, #tpu.memory_space<hbm>> -> memref<1024x128xf32, #tpu.memory_space<hbm>>
    tpu.enqueue_indirect_dma source(%dma_start3A_786 : memref<1024x128xf32, #tpu.memory_space<hbm>>) target(%arg28 : memref<64x128xf32, #tpu.memory_space<vmem>>) offsets(%dma_start3A_783 : memref<64xi32, #tpu.memory_space<vmem>>) semaphore(%arg40 : memref<!tpu.dma_semaphore, #tpu.memory_space<semaphore_mem>>)
    %dma_start3A_787 = arith.constant 448 : i32
    %dma_start3A_788 = tpu.memref_slice %arg18[%dma_start3A_787] : memref<512xi32, #tpu.memory_space<vmem>> -> memref<64xi32, #tpu.memory_space<vmem>>
    %dma_start3A_789 = arith.constant 0 : i32
    %dma_start3A_790 = arith.constant 0 : i32
    %dma_start3A_791 = tpu.memref_slice %arg8[%dma_start3A_789, %dma_start3A_790] : memref<1024x48xf32, #tpu.memory_space<hbm>> -> memref<1024x48xf32, #tpu.memory_space<hbm>>
    tpu.enqueue_indirect_dma source(%dma_start3A_791 : memref<1024x48xf32, #tpu.memory_space<hbm>>) target(%arg30 : memref<64x48xf32, #tpu.memory_space<vmem>>) offsets(%dma_start3A_788 : memref<64xi32, #tpu.memory_space<vmem>>) semaphore(%arg42 : memref<!tpu.dma_semaphore, #tpu.memory_space<semaphore_mem>>)
    %dma_wait3A_792 = arith.constant 384 : i32
    %dma_wait3A_793 = tpu.memref_slice %arg17[%dma_wait3A_792] : memref<512xi32, #tpu.memory_space<vmem>> -> memref<64xi32, #tpu.memory_space<vmem>>
    %dma_wait3A_794 = arith.constant 0 : i32
    %dma_wait3A_795 = arith.constant 0 : i32
    %dma_wait3A_796 = tpu.memref_slice %arg3[%dma_wait3A_794, %dma_wait3A_795] : memref<1024x128xf32, #tpu.memory_space<hbm>> -> memref<1024x128xf32, #tpu.memory_space<hbm>>
    tpu.wait_indirect_dma semaphore(%arg31 : memref<!tpu.dma_semaphore, #tpu.memory_space<semaphore_mem>>) src(%dma_wait3A_796 : memref<1024x128xf32, #tpu.memory_space<hbm>>) dst(%arg19 : memref<64x128xf32, #tpu.memory_space<vmem>>)
    %dma_wait3A_797 = arith.constant 384 : i32
    %dma_wait3A_798 = tpu.memref_slice %arg17[%dma_wait3A_797] : memref<512xi32, #tpu.memory_space<vmem>> -> memref<64xi32, #tpu.memory_space<vmem>>
    %dma_wait3A_799 = arith.constant 0 : i32
    %dma_wait3A_800 = arith.constant 0 : i32
    %dma_wait3A_801 = tpu.memref_slice %arg4[%dma_wait3A_799, %dma_wait3A_800] : memref<1024x128xf32, #tpu.memory_space<hbm>> -> memref<1024x128xf32, #tpu.memory_space<hbm>>
    tpu.wait_indirect_dma semaphore(%arg33 : memref<!tpu.dma_semaphore, #tpu.memory_space<semaphore_mem>>) src(%dma_wait3A_801 : memref<1024x128xf32, #tpu.memory_space<hbm>>) dst(%arg21 : memref<64x128xf32, #tpu.memory_space<vmem>>)
    %dma_wait3A_802 = arith.constant 384 : i32
    %dma_wait3A_803 = tpu.memref_slice %arg17[%dma_wait3A_802] : memref<512xi32, #tpu.memory_space<vmem>> -> memref<64xi32, #tpu.memory_space<vmem>>
    %dma_wait3A_804 = arith.constant 0 : i32
    %dma_wait3A_805 = arith.constant 0 : i32
    %dma_wait3A_806 = tpu.memref_slice %arg5[%dma_wait3A_804, %dma_wait3A_805] : memref<1024x32xf32, #tpu.memory_space<hbm>> -> memref<1024x32xf32, #tpu.memory_space<hbm>>
    tpu.wait_indirect_dma semaphore(%arg35 : memref<!tpu.dma_semaphore, #tpu.memory_space<semaphore_mem>>) src(%dma_wait3A_806 : memref<1024x32xf32, #tpu.memory_space<hbm>>) dst(%arg23 : memref<64x32xf32, #tpu.memory_space<vmem>>)
    %dma_wait3A_807 = arith.constant 384 : i32
    %dma_wait3A_808 = tpu.memref_slice %arg18[%dma_wait3A_807] : memref<512xi32, #tpu.memory_space<vmem>> -> memref<64xi32, #tpu.memory_space<vmem>>
    %dma_wait3A_809 = arith.constant 0 : i32
    %dma_wait3A_810 = arith.constant 0 : i32
    %dma_wait3A_811 = tpu.memref_slice %arg6[%dma_wait3A_809, %dma_wait3A_810] : memref<1024x128xf32, #tpu.memory_space<hbm>> -> memref<1024x128xf32, #tpu.memory_space<hbm>>
    tpu.wait_indirect_dma semaphore(%arg37 : memref<!tpu.dma_semaphore, #tpu.memory_space<semaphore_mem>>) src(%dma_wait3A_811 : memref<1024x128xf32, #tpu.memory_space<hbm>>) dst(%arg25 : memref<64x128xf32, #tpu.memory_space<vmem>>)
    %dma_wait3A_812 = arith.constant 384 : i32
    %dma_wait3A_813 = tpu.memref_slice %arg18[%dma_wait3A_812] : memref<512xi32, #tpu.memory_space<vmem>> -> memref<64xi32, #tpu.memory_space<vmem>>
    %dma_wait3A_814 = arith.constant 0 : i32
    %dma_wait3A_815 = arith.constant 0 : i32
    %dma_wait3A_816 = tpu.memref_slice %arg7[%dma_wait3A_814, %dma_wait3A_815] : memref<1024x128xf32, #tpu.memory_space<hbm>> -> memref<1024x128xf32, #tpu.memory_space<hbm>>
    tpu.wait_indirect_dma semaphore(%arg39 : memref<!tpu.dma_semaphore, #tpu.memory_space<semaphore_mem>>) src(%dma_wait3A_816 : memref<1024x128xf32, #tpu.memory_space<hbm>>) dst(%arg27 : memref<64x128xf32, #tpu.memory_space<vmem>>)
    %dma_wait3A_817 = arith.constant 384 : i32
    %dma_wait3A_818 = tpu.memref_slice %arg18[%dma_wait3A_817] : memref<512xi32, #tpu.memory_space<vmem>> -> memref<64xi32, #tpu.memory_space<vmem>>
    %dma_wait3A_819 = arith.constant 0 : i32
    %dma_wait3A_820 = arith.constant 0 : i32
    %dma_wait3A_821 = tpu.memref_slice %arg8[%dma_wait3A_819, %dma_wait3A_820] : memref<1024x48xf32, #tpu.memory_space<hbm>> -> memref<1024x48xf32, #tpu.memory_space<hbm>>
    tpu.wait_indirect_dma semaphore(%arg41 : memref<!tpu.dma_semaphore, #tpu.memory_space<semaphore_mem>>) src(%dma_wait3A_821 : memref<1024x48xf32, #tpu.memory_space<hbm>>) dst(%arg29 : memref<64x48xf32, #tpu.memory_space<vmem>>)
    %scan3A_822 = arith.constant 0 : i32
    %scan3A_823 = arith.constant 0 : i32
    %scan3A_824 = arith.constant 64 : i32
    %scan3A_825 = arith.addi %scan3A_823, %scan3A_824 : i32
    %scan3A_826 = arith.constant 1 : i32
    scf.for %scan3A_972 = %scan3A_823 to %scan3A_825 step %scan3A_826  : i32 {
      %get3A = arith.index_cast %scan3A_972 : i32 to index
      %get3A_973 = arith.constant 0 : index
      %get3A_974 = tpu.vector_load %arg23[%get3A, %get3A_973] {strides = array<i32>} : memref<64x32xf32, #tpu.memory_space<vmem>>, vector<1x16xf32>,
      %get3A_975 = vector.shape_cast %get3A_974 : vector<1x16xf32> to vector<16xf32>
      %swap3A = arith.index_cast %scan3A_972 : i32 to index
      %swap3A_976 = arith.constant 0 : index
      %swap3A_977 = tpu.vector_load %arg25[%swap3A, %swap3A_976] {strides = array<i32>} : memref<64x128xf32, #tpu.memory_space<vmem>>, vector<1x16xf32>,
      %swap3A_978 = vector.shape_cast %swap3A_977 : vector<1x16xf32> to vector<16xf32>
      %swap3A_979 = vector.shape_cast %get3A_975 : vector<16xf32> to vector<1x16xf32>
      tpu.vector_store %arg25[%swap3A, %swap3A_976], %swap3A_979 {strides = array<i32>} : memref<64x128xf32, #tpu.memory_space<vmem>>, vector<1x16xf32>,
      %get3A_980 = arith.index_cast %scan3A_972 : i32 to index
      %get3A_981 = arith.constant 16 : index
      %get3A_982 = tpu.vector_load %arg23[%get3A_980, %get3A_981] {strides = array<i32>} : memref<64x32xf32, #tpu.memory_space<vmem>>, vector<1x16xf32>,
      %get3A_983 = vector.shape_cast %get3A_982 : vector<1x16xf32> to vector<16xf32>
      %get3A_984 = arith.index_cast %scan3A_972 : i32 to index
      %get3A_985 = arith.constant 16 : index
      %get3A_986 = tpu.vector_load %arg25[%get3A_984, %get3A_985] {strides = array<i32>} : memref<64x128xf32, #tpu.memory_space<vmem>>, vector<1x16xf32>,
      %get3A_987 = vector.shape_cast %get3A_986 : vector<1x16xf32> to vector<16xf32>
      %select_n3A = arith.select %lt3A_13, %get3A_983, %get3A_987 : vector<16xi1>, vector<16xf32>
      %swap3A_988 = arith.index_cast %scan3A_972 : i32 to index
      %swap3A_989 = arith.constant 16 : index
      %swap3A_990 = tpu.vector_load %arg25[%swap3A_988, %swap3A_989] {strides = array<i32>} : memref<64x128xf32, #tpu.memory_space<vmem>>, vector<1x16xf32>,
      %swap3A_991 = vector.shape_cast %swap3A_990 : vector<1x16xf32> to vector<16xf32>
      %swap3A_992 = vector.shape_cast %select_n3A : vector<16xf32> to vector<1x16xf32>
      tpu.vector_store %arg25[%swap3A_988, %swap3A_989], %swap3A_992 {strides = array<i32>} : memref<64x128xf32, #tpu.memory_space<vmem>>, vector<1x16xf32>,
    }
    %scan3A_827 = arith.constant 64 : i32
    %add3A_828 = arith.constant 384 : i32
    %add3A_829 = arith.addi %mul3A_2, %add3A_828 : i32
    %dma_start3A_830 = arith.constant 0 : i32
    %dma_start3A_831 = tpu.memref_slice %arg9[%add3A_829, %dma_start3A_830] : memref<16384x128xf32, #tpu.memory_space<hbm>> -> memref<64x128xf32, #tpu.memory_space<hbm>>
    %dma_start3A_832 = arith.constant 0 : i32
    %dma_start3A_833 = tpu.memref_slice %arg9[%add3A_829, %dma_start3A_832] : memref<16384x128xf32, #tpu.memory_space<hbm>> -> memref<64x128xf32, #tpu.memory_space<hbm>>
    tpu.enqueue_dma source(%arg19 : memref<64x128xf32, #tpu.memory_space<vmem>>) target(%dma_start3A_833 : memref<64x128xf32, #tpu.memory_space<hbm>>) target_semaphore(%arg43 : memref<!tpu.dma_semaphore, #tpu.memory_space<semaphore_mem>>)
    %dma_start3A_834 = arith.constant 0 : i32
    %dma_start3A_835 = tpu.memref_slice %arg10[%add3A_829, %dma_start3A_834] : memref<16384x128xf32, #tpu.memory_space<hbm>> -> memref<64x128xf32, #tpu.memory_space<hbm>>
    %dma_start3A_836 = arith.constant 0 : i32
    %dma_start3A_837 = tpu.memref_slice %arg10[%add3A_829, %dma_start3A_836] : memref<16384x128xf32, #tpu.memory_space<hbm>> -> memref<64x128xf32, #tpu.memory_space<hbm>>
    tpu.enqueue_dma source(%arg21 : memref<64x128xf32, #tpu.memory_space<vmem>>) target(%dma_start3A_837 : memref<64x128xf32, #tpu.memory_space<hbm>>) target_semaphore(%arg43 : memref<!tpu.dma_semaphore, #tpu.memory_space<semaphore_mem>>)
    %dma_start3A_838 = arith.constant 0 : i32
    %dma_start3A_839 = tpu.memref_slice %arg11[%add3A_829, %dma_start3A_838] : memref<16384x128xf32, #tpu.memory_space<hbm>> -> memref<64x128xf32, #tpu.memory_space<hbm>>
    %dma_start3A_840 = arith.constant 0 : i32
    %dma_start3A_841 = tpu.memref_slice %arg11[%add3A_829, %dma_start3A_840] : memref<16384x128xf32, #tpu.memory_space<hbm>> -> memref<64x128xf32, #tpu.memory_space<hbm>>
    tpu.enqueue_dma source(%arg25 : memref<64x128xf32, #tpu.memory_space<vmem>>) target(%dma_start3A_841 : memref<64x128xf32, #tpu.memory_space<hbm>>) target_semaphore(%arg43 : memref<!tpu.dma_semaphore, #tpu.memory_space<semaphore_mem>>)
    %dma_start3A_842 = arith.constant 0 : i32
    %dma_start3A_843 = tpu.memref_slice %arg12[%add3A_829, %dma_start3A_842] : memref<16384x128xf32, #tpu.memory_space<hbm>> -> memref<64x128xf32, #tpu.memory_space<hbm>>
    %dma_start3A_844 = arith.constant 0 : i32
    %dma_start3A_845 = tpu.memref_slice %arg12[%add3A_829, %dma_start3A_844] : memref<16384x128xf32, #tpu.memory_space<hbm>> -> memref<64x128xf32, #tpu.memory_space<hbm>>
    tpu.enqueue_dma source(%arg27 : memref<64x128xf32, #tpu.memory_space<vmem>>) target(%dma_start3A_845 : memref<64x128xf32, #tpu.memory_space<hbm>>) target_semaphore(%arg43 : memref<!tpu.dma_semaphore, #tpu.memory_space<semaphore_mem>>)
    %dma_start3A_846 = arith.constant 0 : i32
    %dma_start3A_847 = arith.constant 0 : i32
    %dma_start3A_848 = tpu.memref_slice %arg29[%dma_start3A_846, %dma_start3A_847] : memref<64x48xf32, #tpu.memory_space<vmem>> -> memref<64x40xf32, #tpu.memory_space<vmem>>
    %dma_start3A_849 = arith.constant 0 : i32
    %dma_start3A_850 = tpu.memref_slice %arg13[%add3A_829, %dma_start3A_849] : memref<16384x128xf32, #tpu.memory_space<hbm>> -> memref<64x40xf32, #tpu.memory_space<hbm>>
    %dma_start3A_851 = arith.constant 0 : i32
    %dma_start3A_852 = tpu.memref_slice %arg13[%add3A_829, %dma_start3A_851] : memref<16384x128xf32, #tpu.memory_space<hbm>> -> memref<64x40xf32, #tpu.memory_space<hbm>>
    %dma_start3A_853 = arith.constant 0 : i32
    %dma_start3A_854 = arith.constant 0 : i32
    %dma_start3A_855 = tpu.memref_slice %arg29[%dma_start3A_853, %dma_start3A_854] : memref<64x48xf32, #tpu.memory_space<vmem>> -> memref<64x40xf32, #tpu.memory_space<vmem>>
    tpu.enqueue_dma source(%dma_start3A_855 : memref<64x40xf32, #tpu.memory_space<vmem>>) target(%dma_start3A_852 : memref<64x40xf32, #tpu.memory_space<hbm>>) target_semaphore(%arg43 : memref<!tpu.dma_semaphore, #tpu.memory_space<semaphore_mem>>)
    %dma_wait3A_856 = arith.constant 448 : i32
    %dma_wait3A_857 = tpu.memref_slice %arg17[%dma_wait3A_856] : memref<512xi32, #tpu.memory_space<vmem>> -> memref<64xi32, #tpu.memory_space<vmem>>
    %dma_wait3A_858 = arith.constant 0 : i32
    %dma_wait3A_859 = arith.constant 0 : i32
    %dma_wait3A_860 = tpu.memref_slice %arg3[%dma_wait3A_858, %dma_wait3A_859] : memref<1024x128xf32, #tpu.memory_space<hbm>> -> memref<1024x128xf32, #tpu.memory_space<hbm>>
    tpu.wait_indirect_dma semaphore(%arg32 : memref<!tpu.dma_semaphore, #tpu.memory_space<semaphore_mem>>) src(%dma_wait3A_860 : memref<1024x128xf32, #tpu.memory_space<hbm>>) dst(%arg20 : memref<64x128xf32, #tpu.memory_space<vmem>>)
    %dma_wait3A_861 = arith.constant 448 : i32
    %dma_wait3A_862 = tpu.memref_slice %arg17[%dma_wait3A_861] : memref<512xi32, #tpu.memory_space<vmem>> -> memref<64xi32, #tpu.memory_space<vmem>>
    %dma_wait3A_863 = arith.constant 0 : i32
    %dma_wait3A_864 = arith.constant 0 : i32
    %dma_wait3A_865 = tpu.memref_slice %arg4[%dma_wait3A_863, %dma_wait3A_864] : memref<1024x128xf32, #tpu.memory_space<hbm>> -> memref<1024x128xf32, #tpu.memory_space<hbm>>
    tpu.wait_indirect_dma semaphore(%arg34 : memref<!tpu.dma_semaphore, #tpu.memory_space<semaphore_mem>>) src(%dma_wait3A_865 : memref<1024x128xf32, #tpu.memory_space<hbm>>) dst(%arg22 : memref<64x128xf32, #tpu.memory_space<vmem>>)
    %dma_wait3A_866 = arith.constant 448 : i32
    %dma_wait3A_867 = tpu.memref_slice %arg17[%dma_wait3A_866] : memref<512xi32, #tpu.memory_space<vmem>> -> memref<64xi32, #tpu.memory_space<vmem>>
    %dma_wait3A_868 = arith.constant 0 : i32
    %dma_wait3A_869 = arith.constant 0 : i32
    %dma_wait3A_870 = tpu.memref_slice %arg5[%dma_wait3A_868, %dma_wait3A_869] : memref<1024x32xf32, #tpu.memory_space<hbm>> -> memref<1024x32xf32, #tpu.memory_space<hbm>>
    tpu.wait_indirect_dma semaphore(%arg36 : memref<!tpu.dma_semaphore, #tpu.memory_space<semaphore_mem>>) src(%dma_wait3A_870 : memref<1024x32xf32, #tpu.memory_space<hbm>>) dst(%arg24 : memref<64x32xf32, #tpu.memory_space<vmem>>)
    %dma_wait3A_871 = arith.constant 448 : i32
    %dma_wait3A_872 = tpu.memref_slice %arg18[%dma_wait3A_871] : memref<512xi32, #tpu.memory_space<vmem>> -> memref<64xi32, #tpu.memory_space<vmem>>
    %dma_wait3A_873 = arith.constant 0 : i32
    %dma_wait3A_874 = arith.constant 0 : i32
    %dma_wait3A_875 = tpu.memref_slice %arg6[%dma_wait3A_873, %dma_wait3A_874] : memref<1024x128xf32, #tpu.memory_space<hbm>> -> memref<1024x128xf32, #tpu.memory_space<hbm>>
    tpu.wait_indirect_dma semaphore(%arg38 : memref<!tpu.dma_semaphore, #tpu.memory_space<semaphore_mem>>) src(%dma_wait3A_875 : memref<1024x128xf32, #tpu.memory_space<hbm>>) dst(%arg26 : memref<64x128xf32, #tpu.memory_space<vmem>>)
    %dma_wait3A_876 = arith.constant 448 : i32
    %dma_wait3A_877 = tpu.memref_slice %arg18[%dma_wait3A_876] : memref<512xi32, #tpu.memory_space<vmem>> -> memref<64xi32, #tpu.memory_space<vmem>>
    %dma_wait3A_878 = arith.constant 0 : i32
    %dma_wait3A_879 = arith.constant 0 : i32
    %dma_wait3A_880 = tpu.memref_slice %arg7[%dma_wait3A_878, %dma_wait3A_879] : memref<1024x128xf32, #tpu.memory_space<hbm>> -> memref<1024x128xf32, #tpu.memory_space<hbm>>
    tpu.wait_indirect_dma semaphore(%arg40 : memref<!tpu.dma_semaphore, #tpu.memory_space<semaphore_mem>>) src(%dma_wait3A_880 : memref<1024x128xf32, #tpu.memory_space<hbm>>) dst(%arg28 : memref<64x128xf32, #tpu.memory_space<vmem>>)
    %dma_wait3A_881 = arith.constant 448 : i32
    %dma_wait3A_882 = tpu.memref_slice %arg18[%dma_wait3A_881] : memref<512xi32, #tpu.memory_space<vmem>> -> memref<64xi32, #tpu.memory_space<vmem>>
    %dma_wait3A_883 = arith.constant 0 : i32
    %dma_wait3A_884 = arith.constant 0 : i32
    %dma_wait3A_885 = tpu.memref_slice %arg8[%dma_wait3A_883, %dma_wait3A_884] : memref<1024x48xf32, #tpu.memory_space<hbm>> -> memref<1024x48xf32, #tpu.memory_space<hbm>>
    tpu.wait_indirect_dma semaphore(%arg42 : memref<!tpu.dma_semaphore, #tpu.memory_space<semaphore_mem>>) src(%dma_wait3A_885 : memref<1024x48xf32, #tpu.memory_space<hbm>>) dst(%arg30 : memref<64x48xf32, #tpu.memory_space<vmem>>)
    %scan3A_886 = arith.constant 0 : i32
    %scan3A_887 = arith.constant 0 : i32
    %scan3A_888 = arith.constant 64 : i32
    %scan3A_889 = arith.addi %scan3A_887, %scan3A_888 : i32
    %scan3A_890 = arith.constant 1 : i32
    scf.for %scan3A_972 = %scan3A_887 to %scan3A_889 step %scan3A_890  : i32 {
      %get3A = arith.index_cast %scan3A_972 : i32 to index
      %get3A_973 = arith.constant 0 : index
      %get3A_974 = tpu.vector_load %arg24[%get3A, %get3A_973] {strides = array<i32>} : memref<64x32xf32, #tpu.memory_space<vmem>>, vector<1x16xf32>,
      %get3A_975 = vector.shape_cast %get3A_974 : vector<1x16xf32> to vector<16xf32>
      %swap3A = arith.index_cast %scan3A_972 : i32 to index
      %swap3A_976 = arith.constant 0 : index
      %swap3A_977 = tpu.vector_load %arg26[%swap3A, %swap3A_976] {strides = array<i32>} : memref<64x128xf32, #tpu.memory_space<vmem>>, vector<1x16xf32>,
      %swap3A_978 = vector.shape_cast %swap3A_977 : vector<1x16xf32> to vector<16xf32>
      %swap3A_979 = vector.shape_cast %get3A_975 : vector<16xf32> to vector<1x16xf32>
      tpu.vector_store %arg26[%swap3A, %swap3A_976], %swap3A_979 {strides = array<i32>} : memref<64x128xf32, #tpu.memory_space<vmem>>, vector<1x16xf32>,
      %get3A_980 = arith.index_cast %scan3A_972 : i32 to index
      %get3A_981 = arith.constant 16 : index
      %get3A_982 = tpu.vector_load %arg24[%get3A_980, %get3A_981] {strides = array<i32>} : memref<64x32xf32, #tpu.memory_space<vmem>>, vector<1x16xf32>,
      %get3A_983 = vector.shape_cast %get3A_982 : vector<1x16xf32> to vector<16xf32>
      %get3A_984 = arith.index_cast %scan3A_972 : i32 to index
      %get3A_985 = arith.constant 16 : index
      %get3A_986 = tpu.vector_load %arg26[%get3A_984, %get3A_985] {strides = array<i32>} : memref<64x128xf32, #tpu.memory_space<vmem>>, vector<1x16xf32>,
      %get3A_987 = vector.shape_cast %get3A_986 : vector<1x16xf32> to vector<16xf32>
      %select_n3A = arith.select %lt3A_13, %get3A_983, %get3A_987 : vector<16xi1>, vector<16xf32>
      %swap3A_988 = arith.index_cast %scan3A_972 : i32 to index
      %swap3A_989 = arith.constant 16 : index
      %swap3A_990 = tpu.vector_load %arg26[%swap3A_988, %swap3A_989] {strides = array<i32>} : memref<64x128xf32, #tpu.memory_space<vmem>>, vector<1x16xf32>,
      %swap3A_991 = vector.shape_cast %swap3A_990 : vector<1x16xf32> to vector<16xf32>
      %swap3A_992 = vector.shape_cast %select_n3A : vector<16xf32> to vector<1x16xf32>
      tpu.vector_store %arg26[%swap3A_988, %swap3A_989], %swap3A_992 {strides = array<i32>} : memref<64x128xf32, #tpu.memory_space<vmem>>, vector<1x16xf32>,
    }
    %scan3A_891 = arith.constant 64 : i32
    %add3A_892 = arith.constant 448 : i32
    %add3A_893 = arith.addi %mul3A_2, %add3A_892 : i32
    %dma_start3A_894 = arith.constant 0 : i32
    %dma_start3A_895 = tpu.memref_slice %arg9[%add3A_893, %dma_start3A_894] : memref<16384x128xf32, #tpu.memory_space<hbm>> -> memref<64x128xf32, #tpu.memory_space<hbm>>
    %dma_start3A_896 = arith.constant 0 : i32
    %dma_start3A_897 = tpu.memref_slice %arg9[%add3A_893, %dma_start3A_896] : memref<16384x128xf32, #tpu.memory_space<hbm>> -> memref<64x128xf32, #tpu.memory_space<hbm>>
    tpu.enqueue_dma source(%arg20 : memref<64x128xf32, #tpu.memory_space<vmem>>) target(%dma_start3A_897 : memref<64x128xf32, #tpu.memory_space<hbm>>) target_semaphore(%arg44 : memref<!tpu.dma_semaphore, #tpu.memory_space<semaphore_mem>>)
    %dma_start3A_898 = arith.constant 0 : i32
    %dma_start3A_899 = tpu.memref_slice %arg10[%add3A_893, %dma_start3A_898] : memref<16384x128xf32, #tpu.memory_space<hbm>> -> memref<64x128xf32, #tpu.memory_space<hbm>>
    %dma_start3A_900 = arith.constant 0 : i32
    %dma_start3A_901 = tpu.memref_slice %arg10[%add3A_893, %dma_start3A_900] : memref<16384x128xf32, #tpu.memory_space<hbm>> -> memref<64x128xf32, #tpu.memory_space<hbm>>
    tpu.enqueue_dma source(%arg22 : memref<64x128xf32, #tpu.memory_space<vmem>>) target(%dma_start3A_901 : memref<64x128xf32, #tpu.memory_space<hbm>>) target_semaphore(%arg44 : memref<!tpu.dma_semaphore, #tpu.memory_space<semaphore_mem>>)
    %dma_start3A_902 = arith.constant 0 : i32
    %dma_start3A_903 = tpu.memref_slice %arg11[%add3A_893, %dma_start3A_902] : memref<16384x128xf32, #tpu.memory_space<hbm>> -> memref<64x128xf32, #tpu.memory_space<hbm>>
    %dma_start3A_904 = arith.constant 0 : i32
    %dma_start3A_905 = tpu.memref_slice %arg11[%add3A_893, %dma_start3A_904] : memref<16384x128xf32, #tpu.memory_space<hbm>> -> memref<64x128xf32, #tpu.memory_space<hbm>>
    tpu.enqueue_dma source(%arg26 : memref<64x128xf32, #tpu.memory_space<vmem>>) target(%dma_start3A_905 : memref<64x128xf32, #tpu.memory_space<hbm>>) target_semaphore(%arg44 : memref<!tpu.dma_semaphore, #tpu.memory_space<semaphore_mem>>)
    %dma_start3A_906 = arith.constant 0 : i32
    %dma_start3A_907 = tpu.memref_slice %arg12[%add3A_893, %dma_start3A_906] : memref<16384x128xf32, #tpu.memory_space<hbm>> -> memref<64x128xf32, #tpu.memory_space<hbm>>
    %dma_start3A_908 = arith.constant 0 : i32
    %dma_start3A_909 = tpu.memref_slice %arg12[%add3A_893, %dma_start3A_908] : memref<16384x128xf32, #tpu.memory_space<hbm>> -> memref<64x128xf32, #tpu.memory_space<hbm>>
    tpu.enqueue_dma source(%arg28 : memref<64x128xf32, #tpu.memory_space<vmem>>) target(%dma_start3A_909 : memref<64x128xf32, #tpu.memory_space<hbm>>) target_semaphore(%arg44 : memref<!tpu.dma_semaphore, #tpu.memory_space<semaphore_mem>>)
    %dma_start3A_910 = arith.constant 0 : i32
    %dma_start3A_911 = arith.constant 0 : i32
    %dma_start3A_912 = tpu.memref_slice %arg30[%dma_start3A_910, %dma_start3A_911] : memref<64x48xf32, #tpu.memory_space<vmem>> -> memref<64x40xf32, #tpu.memory_space<vmem>>
    %dma_start3A_913 = arith.constant 0 : i32
    %dma_start3A_914 = tpu.memref_slice %arg13[%add3A_893, %dma_start3A_913] : memref<16384x128xf32, #tpu.memory_space<hbm>> -> memref<64x40xf32, #tpu.memory_space<hbm>>
    %dma_start3A_915 = arith.constant 0 : i32
    %dma_start3A_916 = tpu.memref_slice %arg13[%add3A_893, %dma_start3A_915] : memref<16384x128xf32, #tpu.memory_space<hbm>> -> memref<64x40xf32, #tpu.memory_space<hbm>>
    %dma_start3A_917 = arith.constant 0 : i32
    %dma_start3A_918 = arith.constant 0 : i32
    %dma_start3A_919 = tpu.memref_slice %arg30[%dma_start3A_917, %dma_start3A_918] : memref<64x48xf32, #tpu.memory_space<vmem>> -> memref<64x40xf32, #tpu.memory_space<vmem>>
    tpu.enqueue_dma source(%dma_start3A_919 : memref<64x40xf32, #tpu.memory_space<vmem>>) target(%dma_start3A_916 : memref<64x40xf32, #tpu.memory_space<hbm>>) target_semaphore(%arg44 : memref<!tpu.dma_semaphore, #tpu.memory_space<semaphore_mem>>)
    %dma_wait3A_920 = arith.constant 0 : i32
    %dma_wait3A_921 = tpu.memref_slice %arg9[%add3A_829, %dma_wait3A_920] : memref<16384x128xf32, #tpu.memory_space<hbm>> -> memref<64x128xf32, #tpu.memory_space<hbm>>
    %dma_wait3A_922 = arith.constant 0 : i32
    %dma_wait3A_923 = tpu.memref_slice %arg9[%add3A_829, %dma_wait3A_922] : memref<16384x128xf32, #tpu.memory_space<hbm>> -> memref<64x128xf32, #tpu.memory_space<hbm>>
    tpu.wait_dma2 semaphore(%arg43 : memref<!tpu.dma_semaphore, #tpu.memory_space<semaphore_mem>>) src(%arg19 : memref<64x128xf32, #tpu.memory_space<vmem>>) dst(%dma_wait3A_923 : memref<64x128xf32, #tpu.memory_space<hbm>>)
    %dma_wait3A_924 = arith.constant 0 : i32
    %dma_wait3A_925 = tpu.memref_slice %arg10[%add3A_829, %dma_wait3A_924] : memref<16384x128xf32, #tpu.memory_space<hbm>> -> memref<64x128xf32, #tpu.memory_space<hbm>>
    %dma_wait3A_926 = arith.constant 0 : i32
    %dma_wait3A_927 = tpu.memref_slice %arg10[%add3A_829, %dma_wait3A_926] : memref<16384x128xf32, #tpu.memory_space<hbm>> -> memref<64x128xf32, #tpu.memory_space<hbm>>
    tpu.wait_dma2 semaphore(%arg43 : memref<!tpu.dma_semaphore, #tpu.memory_space<semaphore_mem>>) src(%arg21 : memref<64x128xf32, #tpu.memory_space<vmem>>) dst(%dma_wait3A_927 : memref<64x128xf32, #tpu.memory_space<hbm>>)
    %dma_wait3A_928 = arith.constant 0 : i32
    %dma_wait3A_929 = tpu.memref_slice %arg11[%add3A_829, %dma_wait3A_928] : memref<16384x128xf32, #tpu.memory_space<hbm>> -> memref<64x128xf32, #tpu.memory_space<hbm>>
    %dma_wait3A_930 = arith.constant 0 : i32
    %dma_wait3A_931 = tpu.memref_slice %arg11[%add3A_829, %dma_wait3A_930] : memref<16384x128xf32, #tpu.memory_space<hbm>> -> memref<64x128xf32, #tpu.memory_space<hbm>>
    tpu.wait_dma2 semaphore(%arg43 : memref<!tpu.dma_semaphore, #tpu.memory_space<semaphore_mem>>) src(%arg25 : memref<64x128xf32, #tpu.memory_space<vmem>>) dst(%dma_wait3A_931 : memref<64x128xf32, #tpu.memory_space<hbm>>)
    %dma_wait3A_932 = arith.constant 0 : i32
    %dma_wait3A_933 = tpu.memref_slice %arg12[%add3A_829, %dma_wait3A_932] : memref<16384x128xf32, #tpu.memory_space<hbm>> -> memref<64x128xf32, #tpu.memory_space<hbm>>
    %dma_wait3A_934 = arith.constant 0 : i32
    %dma_wait3A_935 = tpu.memref_slice %arg12[%add3A_829, %dma_wait3A_934] : memref<16384x128xf32, #tpu.memory_space<hbm>> -> memref<64x128xf32, #tpu.memory_space<hbm>>
    tpu.wait_dma2 semaphore(%arg43 : memref<!tpu.dma_semaphore, #tpu.memory_space<semaphore_mem>>) src(%arg27 : memref<64x128xf32, #tpu.memory_space<vmem>>) dst(%dma_wait3A_935 : memref<64x128xf32, #tpu.memory_space<hbm>>)
    %dma_wait3A_936 = arith.constant 0 : i32
    %dma_wait3A_937 = arith.constant 0 : i32
    %dma_wait3A_938 = tpu.memref_slice %arg29[%dma_wait3A_936, %dma_wait3A_937] : memref<64x48xf32, #tpu.memory_space<vmem>> -> memref<64x40xf32, #tpu.memory_space<vmem>>
    %dma_wait3A_939 = arith.constant 0 : i32
    %dma_wait3A_940 = tpu.memref_slice %arg13[%add3A_829, %dma_wait3A_939] : memref<16384x128xf32, #tpu.memory_space<hbm>> -> memref<64x40xf32, #tpu.memory_space<hbm>>
    %dma_wait3A_941 = arith.constant 0 : i32
    %dma_wait3A_942 = tpu.memref_slice %arg13[%add3A_829, %dma_wait3A_941] : memref<16384x128xf32, #tpu.memory_space<hbm>> -> memref<64x40xf32, #tpu.memory_space<hbm>>
    %dma_wait3A_943 = arith.constant 0 : i32
    %dma_wait3A_944 = arith.constant 0 : i32
    %dma_wait3A_945 = tpu.memref_slice %arg29[%dma_wait3A_943, %dma_wait3A_944] : memref<64x48xf32, #tpu.memory_space<vmem>> -> memref<64x40xf32, #tpu.memory_space<vmem>>
    tpu.wait_dma2 semaphore(%arg43 : memref<!tpu.dma_semaphore, #tpu.memory_space<semaphore_mem>>) src(%dma_wait3A_945 : memref<64x40xf32, #tpu.memory_space<vmem>>) dst(%dma_wait3A_942 : memref<64x40xf32, #tpu.memory_space<hbm>>)
    %dma_wait3A_946 = arith.constant 0 : i32
    %dma_wait3A_947 = tpu.memref_slice %arg9[%add3A_893, %dma_wait3A_946] : memref<16384x128xf32, #tpu.memory_space<hbm>> -> memref<64x128xf32, #tpu.memory_space<hbm>>
    %dma_wait3A_948 = arith.constant 0 : i32
    %dma_wait3A_949 = tpu.memref_slice %arg9[%add3A_893, %dma_wait3A_948] : memref<16384x128xf32, #tpu.memory_space<hbm>> -> memref<64x128xf32, #tpu.memory_space<hbm>>
    tpu.wait_dma2 semaphore(%arg44 : memref<!tpu.dma_semaphore, #tpu.memory_space<semaphore_mem>>) src(%arg20 : memref<64x128xf32, #tpu.memory_space<vmem>>) dst(%dma_wait3A_949 : memref<64x128xf32, #tpu.memory_space<hbm>>)
    %dma_wait3A_950 = arith.constant 0 : i32
    %dma_wait3A_951 = tpu.memref_slice %arg10[%add3A_893, %dma_wait3A_950] : memref<16384x128xf32, #tpu.memory_space<hbm>> -> memref<64x128xf32, #tpu.memory_space<hbm>>
    %dma_wait3A_952 = arith.constant 0 : i32
    %dma_wait3A_953 = tpu.memref_slice %arg10[%add3A_893, %dma_wait3A_952] : memref<16384x128xf32, #tpu.memory_space<hbm>> -> memref<64x128xf32, #tpu.memory_space<hbm>>
    tpu.wait_dma2 semaphore(%arg44 : memref<!tpu.dma_semaphore, #tpu.memory_space<semaphore_mem>>) src(%arg22 : memref<64x128xf32, #tpu.memory_space<vmem>>) dst(%dma_wait3A_953 : memref<64x128xf32, #tpu.memory_space<hbm>>)
    %dma_wait3A_954 = arith.constant 0 : i32
    %dma_wait3A_955 = tpu.memref_slice %arg11[%add3A_893, %dma_wait3A_954] : memref<16384x128xf32, #tpu.memory_space<hbm>> -> memref<64x128xf32, #tpu.memory_space<hbm>>
    %dma_wait3A_956 = arith.constant 0 : i32
    %dma_wait3A_957 = tpu.memref_slice %arg11[%add3A_893, %dma_wait3A_956] : memref<16384x128xf32, #tpu.memory_space<hbm>> -> memref<64x128xf32, #tpu.memory_space<hbm>>
    tpu.wait_dma2 semaphore(%arg44 : memref<!tpu.dma_semaphore, #tpu.memory_space<semaphore_mem>>) src(%arg26 : memref<64x128xf32, #tpu.memory_space<vmem>>) dst(%dma_wait3A_957 : memref<64x128xf32, #tpu.memory_space<hbm>>)
    %dma_wait3A_958 = arith.constant 0 : i32
    %dma_wait3A_959 = tpu.memref_slice %arg12[%add3A_893, %dma_wait3A_958] : memref<16384x128xf32, #tpu.memory_space<hbm>> -> memref<64x128xf32, #tpu.memory_space<hbm>>
    %dma_wait3A_960 = arith.constant 0 : i32
    %dma_wait3A_961 = tpu.memref_slice %arg12[%add3A_893, %dma_wait3A_960] : memref<16384x128xf32, #tpu.memory_space<hbm>> -> memref<64x128xf32, #tpu.memory_space<hbm>>
    tpu.wait_dma2 semaphore(%arg44 : memref<!tpu.dma_semaphore, #tpu.memory_space<semaphore_mem>>) src(%arg28 : memref<64x128xf32, #tpu.memory_space<vmem>>) dst(%dma_wait3A_961 : memref<64x128xf32, #tpu.memory_space<hbm>>)
    %dma_wait3A_962 = arith.constant 0 : i32
    %dma_wait3A_963 = arith.constant 0 : i32
    %dma_wait3A_964 = tpu.memref_slice %arg30[%dma_wait3A_962, %dma_wait3A_963] : memref<64x48xf32, #tpu.memory_space<vmem>> -> memref<64x40xf32, #tpu.memory_space<vmem>>
    %dma_wait3A_965 = arith.constant 0 : i32
    %dma_wait3A_966 = tpu.memref_slice %arg13[%add3A_893, %dma_wait3A_965] : memref<16384x128xf32, #tpu.memory_space<hbm>> -> memref<64x40xf32, #tpu.memory_space<hbm>>
    %dma_wait3A_967 = arith.constant 0 : i32
    %dma_wait3A_968 = tpu.memref_slice %arg13[%add3A_893, %dma_wait3A_967] : memref<16384x128xf32, #tpu.memory_space<hbm>> -> memref<64x40xf32, #tpu.memory_space<hbm>>
    %dma_wait3A_969 = arith.constant 0 : i32
    %dma_wait3A_970 = arith.constant 0 : i32
    %dma_wait3A_971 = tpu.memref_slice %arg30[%dma_wait3A_969, %dma_wait3A_970] : memref<64x48xf32, #tpu.memory_space<vmem>> -> memref<64x40xf32, #tpu.memory_space<vmem>>
    tpu.wait_dma2 semaphore(%arg44 : memref<!tpu.dma_semaphore, #tpu.memory_space<semaphore_mem>>) src(%dma_wait3A_971 : memref<64x40xf32, #tpu.memory_space<vmem>>) dst(%dma_wait3A_968 : memref<64x40xf32, #tpu.memory_space<hbm>>)
    return
  }
}

</mosaic_0001>

<sc_bundles>
// kernel: kernel.3.cloned.1.call-start
scs
__scs_entry_jumppad:
0x0: {  	(pc) =	sbr.rel $0x88, $3  }
0x1: {  	(tag) =	ssettag $0x0;
	lr =	simm.s32 $0x1  }
0x2: {  	[smem:$0x3F9F] =	sst lr;
	_ =	strace $0xD0000000  }
0x3: {  	_ = 	snop  }
0x4: {  	_ = 	snop  }
0x5: {  	_ = 	snop  }
0x6: {  	_ = 	snop  }
0x7: {  	_ = 	snop  }
__scs_overlays_trampoline_lowered:
0x8: {  	[smem:$0x3FAE] =	sst s0  }
0x9: {  	[smem:$0x3FAF] =	sst s1  }
0xa: {  	[smem:$0x3FB0] =	sst s2  }
0xb: {  	[smem:$0x3FB1] =	sst s3  }
0xc: {  	[smem:$0x3FB2] =	sst s4  }
0xd: {  	[smem:$0x3FB3] =	sst s5  }
0xe: {  	[smem:$0x3FB4] =	sst s6  }
0xf: {  	[smem:$0x3FB5] =	sst s7  }
0x10: {  	[smem:$0x3FB6] =	sst s8  }
0x11: {  	[smem:$0x3FB7] =	sst s9;
	s0 =	simm.s32 @!p0 $0x0  }
0x12: {  	s1 =	sld [smem:$0x3F9D];
	s0 =	simm.s32 @p0 $0x1  }
0x13: {  	[smem:$0x3FB8] =	sst s0;
	s0 =	simm.s32 @!p1 $0x0  }
0x14: {  	s2 =	sld [smem:$0x3F9C];
	s0 =	simm.s32 @p1 $0x1  }
0x15: {  	[smem:$0x3FB9] =	sst s0;
	s0 =	simm.s32 @!p2 $0x0  }
0x16: {  	s3 =	sld [smem:$0x3FDB];
	s0 =	simm.s32 @p2 $0x1  }
0x17: {  	s4 =	simm.s32 $0x1BF5;
	[smem:$0x3FBB] =	sst s0  }
0x18: {  	s0 =	sld [smem:$0x3F9E];
	_ =	swait.ge [sflag:s4], $0x0  }
0x19: {  	s7 =	sld [smem:$0x3F9F]  }
0x1a: {  	s8 =	sadd.s32 $0xFFFFE003, lr  }
0x1b: {  	s9 =	sadd.s32 $0xFFFFFEF7, lr;
	s5 =	simm.s32 $0xFFFFFFFF;
	p2 =	slt.u32 s8, $0xFFFFF086  }
0x1c: {  	p1 =	slt.u32 s9, $0xF7A;
	s5 =	simm.s32 @!p2 $0x0  }
0x1d: {  	s5 =	simm.s32 @p1 $0x1;
	p0 =	seq.s32 s7, s2  }
0x1e: {  	s7 =	smul.u32 @!p0 $0xF7A, s2;
	p2 =	seq.s32 @!p0 s5, $0x0  }
0x1f: {  	s9 =	smul.u32 $0xF7A, s1;
	s8 =	simm.s32 @!p0 $0x1BF5;
	p2 =	por !p2, p0  }
0x20: {  	[sflag:s8] =	ssyncset.s32 @!p0 $0xFFFFF086;
	s6 =	sadd.s32 @!p0 s3, s7;
	s7 =	simm.s32 @!p0 $0x108  }
0x21: {  	s3 =	sadd.s32 s3, s9;
	s6 =	sadd.s32 @!p0 $0x88, s6;
	s7 =	simm.s32 @p2 $0x1082  }
0x22: {  	[simem:s7], [sflag:s8] =	dma.local @!p0 [hbm:s6], $0xF7A  }
0x23: {  	s9 =	sor.u32 $0xD0000000, s2;
	s6 =	simm.s32 $0x108;
	_ =	swait.ge @!p0 [sflag:s8], $0x0  }
0x24: {  	s3 =	sadd.s32 $0x88, s3;
	s6 =	simm.s32 @!p1 $0x1082;
	[sflag:s4] =	ssyncset.s32 $0xFFFFF086  }
0x25: {  	[simem:s6], [sflag:s4] =	dma.local [hbm:s3], $0xF7A  }
0x26: {  	[smem:$0x3F9F] =	sst s1;
	(tag) =	ssettag s2;
	_ =	strace s9  }
0x27: {  	s1 =	sld [smem:$0x3FAF]  }
0x28: {  	s2 =	sld [smem:$0x3FB0]  }
0x29: {  	s4 =	sld [smem:$0x3FB2]  }
0x2a: {  	p0 =	seq.s32 s5, $0x0;
	s5 =	sld [smem:$0x3FB3]  }
0x2b: {  	s6 =	sld [smem:$0x3FB4]  }
0x2c: {  	s7 =	sld [smem:$0x3FB5]  }
0x2d: {  	s3 =	simm.s32 $0x108;
	s8 =	sld [smem:$0x3FB6]  }
0x2e: {  	s3 =	simm.s32 @!p0 $0x1082;
	s9 =	sld [smem:$0x3FB7]  }
0x2f: {  	lr =	sadd.s32 s0, s3;
	s0 =	sld [smem:$0x3FAE]  }
0x30: {  	s3 =	sld [smem:$0x3FB1]  }
0x31: {  	[smem:$0x3FBA] =	sst s10  }
0x32: {  	s10 =	sld [smem:$0x3FB8];
	_ =	sdelay $0x3  }
0x33: {  	p0 =	seq.s32 s10, $0x1;
	s10 =	sld [smem:$0x3FBA];
	_ =	sdelay $0x3  }
0x34: {  	[smem:$0x3FBA] =	sst s10  }
0x35: {  	s10 =	sld [smem:$0x3FB9];
	_ =	sdelay $0x3  }
0x36: {  	p1 =	seq.s32 s10, $0x1;
	s10 =	sld [smem:$0x3FBA];
	_ =	sdelay $0x3  }
0x37: {  	[smem:$0x3FBA] =	sst s10  }
0x38: {  	s10 =	sld [smem:$0x3FBB]  }
0x39: {  	_ = 	snop;
	(pc) =	sbr.ind lr, $3  }
0x3a: {  	_ = 	snop  }
0x3b: {  	_ = 	snop  }
0x3c: {  	p2 =	seq.s32 s10, $0x1;
	s10 =	sld [smem:$0x3FBA]  }
0x3d: {  	_ =	shalt  }
0x3e: {  	_ =	shalt  }
0x3f: {  	_ =	shalt  }
0x40: {  	_ =	shalt  }
0x41: {  	_ =	shalt  }
0x42: {  	_ =	shalt  }
0x43: {  	_ =	shalt  }
0x44: {  	_ =	shalt  }
0x45: {  	_ =	shalt  }
0x46: {  	_ =	shalt  }
0x47: {  	_ =	shalt  }
0x48: {  	_ =	shalt  }
0x49: {  	_ =	shalt  }
0x4a: {  	_ =	shalt  }
0x4b: {  	_ =	shalt  }
0x4c: {  	_ =	shalt  }
0x4d: {  	_ =	shalt  }
0x4e: {  	_ =	shalt  }
0x4f: {  	_ =	shalt  }
0x50: {  	_ =	shalt  }
0x51: {  	_ =	shalt  }
0x52: {  	_ =	shalt  }
0x53: {  	_ =	shalt  }
0x54: {  	_ =	shalt  }
0x55: {  	_ =	shalt  }
0x56: {  	_ =	shalt  }
0x57: {  	_ =	shalt  }
0x58: {  	_ =	shalt  }
0x59: {  	_ =	shalt  }
0x5a: {  	_ =	shalt  }
0x5b: {  	_ =	shalt  }
0x5c: {  	_ =	shalt  }
0x5d: {  	_ =	shalt  }
0x5e: {  	_ =	shalt  }
0x5f: {  	_ =	shalt  }
0x60: {  	_ =	shalt  }
0x61: {  	_ =	shalt  }
0x62: {  	_ =	shalt  }
0x63: {  	_ =	shalt  }
0x64: {  	_ =	shalt  }
0x65: {  	_ =	shalt  }
0x66: {  	_ =	shalt  }
0x67: {  	_ =	shalt  }
0x68: {  	_ =	shalt  }
0x69: {  	_ =	shalt  }
0x6a: {  	_ =	shalt  }
0x6b: {  	_ =	shalt  }
0x6c: {  	_ =	shalt  }
0x6d: {  	_ =	shalt  }
0x6e: {  	_ =	shalt  }
0x6f: {  	_ =	shalt  }
0x70: {  	_ =	shalt  }
0x71: {  	_ =	shalt  }
0x72: {  	_ =	shalt  }
0x73: {  	_ =	shalt  }
0x74: {  	_ =	shalt  }
0x75: {  	_ =	shalt  }
0x76: {  	_ =	shalt  }
0x77: {  	_ =	shalt  }
0x78: {  	_ =	shalt  }
0x79: {  	_ =	shalt  }
0x7a: {  	_ =	shalt  }
0x7b: {  	_ =	shalt  }
0x7c: {  	_ =	shalt  }
0x7d: {  	_ =	shalt  }
0x7e: {  	_ =	shalt  }
0x7f: {  	_ =	shalt  }
0x80: {  	_ =	shalt  }
0x81: {  	_ =	shalt  }
0x82: {  	_ =	shalt  }
0x83: {  	_ =	shalt  }
0x84: {  	_ =	shalt  }
0x85: {  	_ =	shalt  }
0x86: {  	_ =	shalt  }
0x87: {  	_ =	shalt  }
.Lfunc_end0:
.L_simem_size_0:
called_computation.1_lowered:
.L_overlay_start_0:
0x88: {  	s2 =	sld [smem:$0x3FD9]  }
0x89: {  	s3 =	sld [smem:$0x3FFE];
	_ =	sdelay $0x1  }
0x8a: {  	s1 =	srdreg.scid  }
0x8b: {  	s0 =	sand.u32 $0x1, s1  }
0x8c: {  	s17 =	sshll.u32 s0, $0xA;
	s2 =	sadd.s32 s3, s2  }
0x8d: {  	s2 =	sadd.s32 s2, s17  }
0x8e: {  	[smem:$0x3FC6] =	sst s2  }
0x8f: {  	_ = 	snop  }
0x90: {  	s2 =	sld [smem:$0x3FD0];
	(tm) =	ssettm $0x1  }
0x91: {  	s18 =	sld [smem:$0x3FFB];
	_ =	sdelay $0x3  }
0x92: {  	_ =	strace s18  }
0x93: {  	s3 =	sld [smem:$0x3FFC];
	_ =	sdelay $0x3  }
0x94: {  	_ =	strace s3  }
0x95: {  	s3 =	sld [smem:$0x3FFD];
	_ =	sdelay $0x3  }
0x96: {  	_ =	strace s3  }
0x97: {  	_ =	strace $0x8FFFFFFF  }
0x98: {  	s19 =	sld [smem:$0x3FDB];
	_ =	sdelay $0x1  }
0x99: {  	s4 =	simm.s32 $_scs_section_size  }
0x9a: {  	s5 =	simm.s32 $_size__tile_overlayer_lowered;
	s6 =	simm.s32 $_tile_overlayer_lowered  }
0x9b: {  	s22 =	simm.s32 $0x1BFF;
	s21 =	sshll.u32 s6, $0x1;
	s3 =	sadd.s32 s4, s19  }
0x9c: {  	s7 =	simm.s32 $0x0;
	s20 =	sshll.u32 s5, $0x1;
	s5 =	sadd.s32 s21, s3  }
0x9d: {  	[timem:s7], [sflag:s22] =	dma.local [hbm:s5], s20  }
0x9e: {  	_ =	swait.ge [sflag:s22], s20  }
0x9f: {  	s4 =	ssub.s32 $0x0, s20;
	[sflag:s22] =	ssyncset.done $0x0  }
0xa0: {  	[sflag:s22] =	ssyncadd.s32 s4;
	_ =	sdelay $0x1  }
0xa1: {  	s23 =	simm.s32 $0x1B8B  }
0xa2: {  	_ =	swait.ge [sflag:s23], $0x1  }
0xa3: {  	[sflag:s23] =	ssyncset.done $0x0  }
0xa4: {  	s25 =	simm.s32 $0x1B8E;
	s24 =	sld [smem:$0x3FFE];
	[sflag:s23] =	ssyncadd.s32 $0xFFFFFFFF  }
0xa5: {  	s26 =	simm.s32 $execute0_lowered;
	[smem:$0x3FD2] =	sst s25  }
0xa6: {  	s5 =	sshll.u32 s26, $0x1;
	_ =	strace $0x80000046;
	[dreg:$0x1] =	wrdreg $0xFFFFFFFF  }
0xa7: {  	s28 =	simm.s32 $_size_execute0_lowered;
	s3 =	sadd.s32 s3, s5;
	[dreg:$0x0] =	wrdreg $0x0  }
0xa8: {  	s5 =	sshll.u32 s28, $0x1;
	[dreg:$0x2] =	wrdreg s3  }
0xa9: {  	[dreg:$0x3] =	wrdreg s5  }
0xaa: {  	[dreg:$0x4] =	wrdreg $0xC0  }
0xab: {  	_ =	task [dreg:s7], $0x5FFFF  }
0xac: {  	[dreg:$0x1] =	wrdreg $0xFFFFFFFF  }
0xad: {  	[dreg:$0x0] =	wrdreg $0x60  }
0xae: {  	[dreg:$0x2] =	wrdreg s24  }
0xaf: {  	[dreg:$0x3] =	wrdreg s2  }
0xb0: {  	[dreg:$0x4] =	wrdreg $0x9  }
0xb1: {  	_ =	task.clear_ibuf [dreg:s7], $0x5FFFF;
	_ =	strace $0x90000046  }
0xb2: {  	s29 =	simm.s32 $0x9;
	_ =	strace $0x80000048  }
0xb3: {  	_ =	swait.ge [sflag:s29], $0x1  }
0xb4: {  	[sflag:s29] =	ssyncadd.s32 $0xFFFFFFFF  }
0xb5: {  	_ =	strace $0x90000048  }
0xb6: {  	_ =	sfence  }
0xb7: {  	s30 =	sld [smem:$0x0];
	_ =	sdelay $0x2  }
0xb8: {  	s31 =	sshll.u32 s1, $0xD;
	s1 =	sshrl.u32 s1, $0x2  }
0xb9: {  	s3 =	sand.u32 $0x4000, s31;
	s1 =	sadd.s32 s1, s30  }
0xba: {  	s0 =	sor.u32 s3, s0;
	s1 =	sshll.u32 s1, $0x11  }
0xbb: {  	s0 =	sor.u32 s1, s0  }
0xbc: {  	s0 =	sadd.s32 $0x8F2B, s0  }
0xbd: {  	[sflag:s0] =	ssyncadd.remote.s32 $0x1  }
0xbe: {  	_ =	sfence.sel $0xFFFF  }
0xbf: {  	[dreg:$0x0] =	wrdreg $0xFFFFFFFF;
	(pc) =	sbr.abs _section_cstart, $3  }
0xc0: {  	[dreg:$0x1] =	wrdreg $0xFFFFFFFF  }
0xc1: {  	_ =	task.clear_ibuf [dreg:s7], $0x2FFFF;
	_ =	strace $0x9FFFFFFF  }
0xc2: {  	(tm) =	ssettm $0x7FFFFFFF  }
0xc3: {  	_ =	shalt  }
tec
execute0_lowered:
.L_overlay_start_1:
0x0: {  	(tag) =	ssettag $0x1  }
0x1: {  	s0 =	srdreg.scid  }
0x2: {  	s1 =	stileid.u32;
	s0 =	sand.u32 $0x1, s0  }
0x3: {  	s3 =	sshll.u32 s1, $0xA;
	s4 =	sshll.u32 s0, $0x9  }
0x4: {  	s3 =	sor.u32 s4, s3  }
0x5: {  	s2 =	rddreg [dreg:$0x0];
	s4 =	sshrl.u32 s3, $0x3;
	s3 =	sshll.u32 s3, $0x4  }
0x6: {  	s5 =	rddreg [dreg:$0x1];
	s1 =	simm.s32 $0x0;
	s7 =	sor.u32 $0x400, s3  }
0x7: {  	s8 =	sadd.s32 $0x15200, s2;
	[smem:$0x7FF] =	sst s1;
	s16 =	sadd.s32 s5, s7  }
0x8: {  	s9 =	sadd.s32 $0x55200, s2;
	s17 =	sadd.s32 s8, s7;
	[dreg:$0x3] =	wrdreg s16  }
0x9: {  	s10 =	sadd.s32 $0x95200, s2;
	s18 =	sadd.s32 s9, s7;
	[dreg:$0x4] =	wrdreg s17  }
0xa: {  	s19 =	sor.u32 $0x800, s3;
	s20 =	sadd.s32 s10, s7;
	[dreg:$0x5] =	wrdreg s18  }
0xb: {  	s21 =	sadd.s32 s5, s19;
	[dreg:$0x6] =	wrdreg s20  }
0xc: {  	s23 =	sadd.s32 s8, s19;
	[dreg:$0x7] =	wrdreg s21  }
0xd: {  	s24 =	sadd.s32 s9, s19;
	[dreg:$0x8] =	wrdreg s23  }
0xe: {  	s25 =	sor.u32 $0xC00, s3;
	s11 =	sadd.s32 s10, s19;
	[dreg:$0x9] =	wrdreg s24  }
0xf: {  	s29 =	simm.s32 $0x40;
	s26 =	sadd.s32 s5, s25;
	[dreg:$0xa] =	wrdreg s11  }
0x10: {  	s31 =	simm.s32 $0xD;
	s13 =	sadd.s32 s8, s25;
	[dreg:$0xb] =	wrdreg s26  }
0x11: {  	s30 =	simm.s32 $0xE;
	s14 =	sadd.s32 s9, s25;
	[dreg:$0xc] =	wrdreg s13  }
0x12: {  	s15 =	sor.u32 $0x1000, s3;
	[dreg:$0xd] =	wrdreg s14;
	s13 =	sadd.s32 s10, s25  }
0x13: {  	s28 =	simm.s32 $0x0;
	s17 =	sadd.s32 s5, s15;
	[dreg:$0xe] =	wrdreg s13  }
0x14: {  	s12 =	sadd.s32 $0xD5200, s2;
	s18 =	sadd.s32 s8, s15;
	[dreg:$0xf] =	wrdreg s17  }
0x15: {  	s11 =	sadd.s32 s12, s19;
	s19 =	sadd.s32 s9, s15;
	[dreg:$0x10] =	wrdreg s18  }
0x16: {  	s0 =	ssub.s32 $0x2, s0;
	s21 =	sadd.s32 s10, s15;
	[dreg:$0x11] =	wrdreg s19  }
0x17: {  	s20 =	sor.u32 $0x1400, s3;
	s14 =	sadd.s32 s8, s3;
	[dreg:$0x12] =	wrdreg s21  }
0x18: {  	s6 =	sshrl.u32 s0, $0x1;
	s23 =	sadd.s32 s5, s20;
	[dreg:$0x18] =	wrdreg s14  }
0x19: {  	s22 =	ssub.s32 s0, s6;
	s24 =	sadd.s32 s8, s20;
	[dreg:$0x13] =	wrdreg s23  }
0x1a: {  	s16 =	sadd.s32 s12, s25;
	s25 =	sadd.s32 s9, s20;
	[dreg:$0x14] =	wrdreg s24  }
0x1b: {  	s0 =	sadd.s32 s12, s3;
	s26 =	sadd.s32 s10, s20;
	[dreg:$0x15] =	wrdreg s25  }
0x1c: {  	s6 =	sadd.s32 s12, s7;
	s13 =	sadd.s32 s5, s3;
	[dreg:$0x16] =	wrdreg s26  }
0x1d: {  	s21 =	sadd.s32 s12, s15;
	s15 =	sadd.s32 s9, s3;
	[dreg:$0x17] =	wrdreg s13  }
0x1e: {  	s17 =	sadd.s32 s10, s3;
	s18 =	sor.u32 $0x1800, s3;
	[dreg:$0x19] =	wrdreg s15  }
0x1f: {  	s3 =	sor.u32 $0x1C00, s3;
	[dreg:$0x1a] =	wrdreg s17;
	s19 =	sadd.s32 s5, s18  }
0x20: {  	s26 =	sadd.s32 s12, s20;
	s20 =	sadd.s32 s8, s18;
	[dreg:$0x1b] =	wrdreg s19  }
0x21: {  	s14 =	sadd.s32 $0x9200, s2;
	s23 =	sadd.s32 s9, s18;
	[dreg:$0x1c] =	wrdreg s20  }
0x22: {  	s24 =	sadd.s32 s10, s18;
	s7 =	sadd.s32 s12, s18;
	[dreg:$0x1d] =	wrdreg s23  }
0x23: {  	s5 =	sadd.s32 s5, s3;
	s25 =	sadd.s32 s8, s3;
	[dreg:$0x1e] =	wrdreg s24  }
0x24: {  	s8 =	sadd.s32 s9, s3;
	s9 =	sadd.s32 s10, s3;
	[dreg:$0x1f] =	wrdreg s5  }
0x25: {  	s13 =	sadd.s32 s12, s3;
	s10 =	sadd.s32 s4, s2;
	[smem:$0x7F7] =	sst s25  }
0x26: {  	s15 =	sadd.s32 $0x5200, s2;
	s17 =	sadd.s32 $0xD200, s2;
	[smem:$0x7F8] =	sst s8  }
0x27: {  	s18 =	sadd.s32 $0x11200, s2;
	s4 =	simm.s32 $0xB;
	[smem:$0x7F9] =	sst s9  }
0x28: {  	s19 =	sadd.s32 $0x1200, s2;
	s20 =	sadd.s32 $0xFA00, s2;
	s12 =	sadd.s32 $0xE200, s10  }
0x29: {  	s23 =	sadd.s32 $0xEA00, s10;
	_ =	strace $0x80000047;
	[smem:$0x7FA] =	sst s12  }
0x2a: {  	s24 =	sadd.s32 $0xF200, s10;
	s25 =	smax.u32 s22, $0x1;
	[smem:$0x7FB] =	sst s23  }
0x2b: {  	s2 =	simm.s32 $0x2;
	s5 =	simm.s32 $0x4;
	[smem:$0x7FC] =	sst s24  }
0x2c: {  	s8 =	simm.s32 $0x6;
	s22 =	simm.s32 $0xA;
	[smem:$0x7FD] =	sst s25  }
0x2d: {  	vm0 =	vmmov $0xf;
	s23 =	simm.s32 $0x9;
	s12 =	simm.s32 $0x8;
	s25 =	simm.s32 $0xC  }
.LBB2_1:
0x2e: {  	s3 =	sld [smem:$0x7FA];
	_ =	sdelay $0x1  }
0x2f: {  	s9 =	simm.s32 $0xF  }
0x30: {  	[tilespmem:s1], [sflag:$0xF] =	stream.linear.gather [hbm4b:s3+s1], $0x200, $0x38;
	[tilespmem:$0x13200] =	vst v63  }
0x31: {  	_ =	swait.ge [sflag:s9], $0x200  }
0x32: {  	s24 =	sld [smem:$0x7FB]  }
0x33: {  	[sflag:s9] =	ssyncset.done $0x0  }
0x34: {  	s10 =	simm.s32 $0x200;
	[sflag:s9] =	ssyncadd.s32 $0xFFFFFE00  }
0x35: {  	[tilespmem:s10], [sflag:$0xF] =	stream.linear.gather [hbm4b:s24+s1], $0x200, $0x38;
	[tilespmem:$0x13200] =	vst v63  }
0x36: {  	_ =	swait.ge [sflag:s9], $0x200  }
0x37: {  	s10 =	sld [smem:$0x7FC]  }
0x38: {  	[sflag:s9] =	ssyncset.done $0x0  }
0x39: {  	s24 =	simm.s32 $0x400;
	[sflag:s9] =	ssyncadd.s32 $0xFFFFFE00  }
0x3a: {  	[tilespmem:s24], [sflag:$0xF] =	stream.linear.gather [hbm4b:s10+s1], $0x200, $0x38;
	[tilespmem:$0x13200] =	vst v63  }
0x3b: {  	_ =	swait.ge [sflag:s9], $0x200  }
0x3c: {  	[sflag:s9] =	ssyncset.done $0x0  }
0x3d: {  	s10 =	simm.s32 $0x0;
	[sflag:s9] =	ssyncadd.s32 $0xFFFFFE00  }
0x3e: {  	v0 =	vld [tilespmem:s10+$0x200]  }
0x3f: {  	v1 =	vld [tilespmem:s10+$0x400]  }
0x40: {  	s3 =	simm.s32 $0x40;
	v2 =	vld [tilespmem:s10+$0x0]  }
.LBB2_2:
0x41: {  	p0 =	sne.s32 s3, $0x7C0  }
.Ltmp0:
0x42: {  	_ = 	snop;
	(pc) =	sbr.rel @p0 .LBB2_2-.Ltmp0, $4  }
0x43: {  	s9 =	sshra.s32 s3, $0x2;
	v3 =	vmov v0  }
0x44: {  	v0 =	vld [tilespmem:s9+$0x200];
	v4 =	vsub.s32 v1, v3  }
0x45: {  	v1 =	vld [tilespmem:s9+$0x400];
	v3 =	vsub.s32 v3, v2;
	[tilespmem:s10+$0x800] =	vst v4  }
0x46: {  	s3 =	sadd.s32 $0x40, s3;
	v2 =	vld [tilespmem:s9+$0x0];
	[tilespmem:s10+$0x600] =	vst v3;
	s10 =	smov.u32 s9  }
0x47: {  	_ =	sdelay $0x2  }
0x48: {  	v1 =	vsub.s32 v1, v0  }
0x49: {  	v60 =	vsub.s32 v0, v2;
	[tilespmem:s10+$0x800] =	vst v1  }
0x4a: {  	s3 =	simm.s32 $0x600;
	s9 =	simm.s32 $0xA00;
	[tilespmem:s10+$0x600] =	vst v60  }
0x4b: {  	[tilespmem:s9], [sflag:$0x1] =	stream.indirect.gather [hbm4b:s14+s29], $0x80, s3, s29, $0xb8;
	[tilespmem:$0x13200] =	vst v63  }
0x4c: {  	s24 =	simm.s32 $0x4A00  }
0x4d: {  	[tilespmem:s24], [sflag:$0x3] =	stream.indirect.gather [hbm4b:s15+s29], $0x80, s3, s29, $0xb8;
	[tilespmem:$0x13200] =	vst v63  }
0x4e: {  	s10 =	simm.s32 $0x8A00  }
0x4f: {  	[tilespmem:s10], [sflag:$0x5] =	stream.indirect.gather [hbm4b:s17+s29], $0x20, s3, s29, $0xb8;
	[tilespmem:$0x13200] =	vst v63  }
0x50: {  	s24 =	simm.s32 $0x9A00;
	s3 =	simm.s32 $0x800  }
0x51: {  	[tilespmem:s24], [sflag:$0x7] =	stream.indirect.gather [hbm4b:s18+s29], $0x80, s3, s29, $0xb8;
	[tilespmem:$0x13200] =	vst v63  }
0x52: {  	s10 =	simm.s32 $0xDA00  }
0x53: {  	[tilespmem:s10], [sflag:$0x9] =	stream.indirect.gather [hbm4b:s19+s29], $0x80, s3, s29, $0xb8;
	[tilespmem:$0x13200] =	vst v63  }
0x54: {  	s24 =	simm.s32 $0x11A00  }
0x55: {  	[tilespmem:s24], [sflag:$0xB] =	stream.indirect.gather [hbm4b:s20+s29], $0x30, s3, s29, $0xb8;
	[tilespmem:$0x13200] =	vst v63  }
0x56: {  	s10 =	simm.s32 $0x2A00;
	s3 =	simm.s32 $0x640  }
0x57: {  	[tilespmem:s10], [sflag:$0x2] =	stream.indirect.gather [hbm4b:s14+s29], $0x80, s3, s29, $0xb8;
	[tilespmem:$0x13200] =	vst v63  }
0x58: {  	s24 =	simm.s32 $0x6A00  }
0x59: {  	[tilespmem:s24], [sflag:$0x4] =	stream.indirect.gather [hbm4b:s15+s29], $0x80, s3, s29, $0xb8;
	[tilespmem:$0x13200] =	vst v63  }
0x5a: {  	s10 =	simm.s32 $0x9200  }
0x5b: {  	[tilespmem:s10], [sflag:$0x6] =	stream.indirect.gather [hbm4b:s17+s29], $0x20, s3, s29, $0xb8;
	[tilespmem:$0x13200] =	vst v63  }
0x5c: {  	s24 =	simm.s32 $0xBA00;
	s3 =	simm.s32 $0x840  }
0x5d: {  	[tilespmem:s24], [sflag:$0x8] =	stream.indirect.gather [hbm4b:s18+s29], $0x80, s3, s29, $0xb8;
	[tilespmem:$0x13200] =	vst v63  }
0x5e: {  	s10 =	simm.s32 $0xFA00  }
0x5f: {  	[tilespmem:s10], [sflag:$0xA] =	stream.indirect.gather [hbm4b:s19+s29], $0x80, s3, s29, $0xb8;
	[tilespmem:$0x13200] =	vst v63  }
0x60: {  	s24 =	simm.s32 $0x12600;
	s10 =	simm.s32 $0x1  }
0x61: {  	[tilespmem:s24], [sflag:$0xC] =	stream.indirect.gather [hbm4b:s20+s29], $0x30, s3, s29, $0xb8;
	[tilespmem:$0x13200] =	vst v63  }
0x62: {  	_ =	swait.ge [sflag:s10], $0x2000  }
0x63: {  	[sflag:s10] =	ssyncset.done $0x0  }
0x64: {  	s24 =	simm.s32 $0x3;
	[sflag:s10] =	ssyncadd.s32 $0xFFFFE000  }
0x65: {  	_ =	swait.ge [sflag:s24], $0x2000  }
0x66: {  	[sflag:s24] =	ssyncset.done $0x0  }
0x67: {  	s9 =	simm.s32 $0x5;
	[sflag:s24] =	ssyncadd.s32 $0xFFFFE000  }
0x68: {  	_ =	swait.ge [sflag:s9], $0x800  }
0x69: {  	[sflag:s9] =	ssyncset.done $0x0  }
0x6a: {  	s10 =	simm.s32 $0x7;
	[sflag:s9] =	ssyncadd.s32 $0xFFFFF800  }
0x6b: {  	_ =	swait.ge [sflag:s10], $0x2000  }
0x6c: {  	[sflag:s10] =	ssyncset.done $0x0  }
0x6d: {  	[sflag:s10] =	ssyncadd.s32 $0xFFFFE000  }
0x6e: {  	_ =	swait.ge [sflag:s23], $0x2000  }
0x6f: {  	[sflag:s23] =	ssyncset.done $0x0  }
0x70: {  	[sflag:s23] =	ssyncadd.s32 $0xFFFFE000  }
0x71: {  	_ =	swait.ge [sflag:s4], $0xC00  }
0x72: {  	[sflag:s4] =	ssyncset.done $0x0  }
0x73: {  	s24 =	simm.s32 $0x0;
	[sflag:s4] =	ssyncadd.s32 $0xFFFFF400  }
0x74: {  	v61 =	vld [tilespmem:s24+$0x8A00];
	_ =	sdelay $0x3  }
0x75: {  	s10 =	simm.s32 $0x9A10  }
0x76: {  	v62 =	vld [tilespmem:s10+$0x0];
	[tilespmem:s10+$0xFFFFFFF0] =	vst v61  }
0x77: {  	v63 =	vld [tilespmem:s24+$0x8A10];
	_ =	sdelay $0x4  }
0x78: {  	v0 =	vsel vm0, v63, v62  }
0x79: {  	s3 =	simm.s32 $0x20;
	s24 =	simm.s32 $0x100;
	[tilespmem:s10+$0x0] =	vst v0  }
.LBB2_4:
0x7a: {  	p0 =	sne.s32 s24, $0x1F80;
	v0 =	vld [tilespmem:s3+$0x8A00];
	_ =	sdelay $0x3  }
0x7b: {  	s10 =	sadd.s32 $0x80, s10  }
0x7c: {  	[tilespmem:s10+$0xFFFFFFF0] =	vst v0;
	v0 =	vld [tilespmem:s10+$0x0]  }
0x7d: {  	v1 =	vld [tilespmem:s3+$0x8A10];
	_ =	sdelay $0x1  }
.Ltmp1:
0x7e: {  	(pc) =	sbr.rel @p0 .LBB2_4-.Ltmp1, $3  }
0x7f: {  	_ =	sdelay $0x1  }
0x80: {  	v0 =	vsel vm0, v1, v0  }
0x81: {  	s3 =	sshra.s32 s24, $0x2;
	s24 =	sadd.s32 $0x80, s24;
	[tilespmem:s10+$0x0] =	vst v0  }
0x82: {  	v0 =	vld [tilespmem:s3+$0x8A00];
	_ =	sdelay $0x3  }
0x83: {  	s9 =	sadd.s32 $0x80, s10  }
0x84: {  	v63 =	vld [tilespmem:s9+$0x0];
	[tilespmem:s9+$0xFFFFFFF0] =	vst v0  }
0x85: {  	v1 =	vld [tilespmem:s3+$0x8A10];
	_ =	sdelay $0x4  }
0x86: {  	v0 =	vsel vm0, v1, v63  }
0x87: {  	s10 =	rddreg [dreg:$0x17];
	s24 =	simm.s32 $0xA00;
	s3 =	simm.s32 $0x0;
	[tilespmem:s9+$0x0] =	vst v0  }
0x88: {  	[hbm4b:s10+s3] =	stream.linear.scatter [tilespmem:s24], [sflag:$0xD], $0x2000, $0x38;
	[tilespmem:$0x13200] =	vst v63  }
0x89: {  	s10 =	rddreg [dreg:$0x18];
	s24 =	simm.s32 $0x4A00  }
0x8a: {  	[hbm4b:s10+s3] =	stream.linear.scatter [tilespmem:s24], [sflag:$0xD], $0x2000, $0x38;
	[tilespmem:$0x13200] =	vst v63  }
0x8b: {  	s10 =	rddreg [dreg:$0x19];
	s24 =	simm.s32 $0x9A00  }
0x8c: {  	[hbm4b:s10+s3] =	stream.linear.scatter [tilespmem:s24], [sflag:$0xD], $0x2000, $0x38;
	[tilespmem:$0x13200] =	vst v63  }
0x8d: {  	s9 =	sadd.s32 $0x0, s0;
	s10 =	rddreg [dreg:$0x1a];
	s24 =	simm.s32 $0xDA00  }
0x8e: {  	[hbm4b:s10+s3] =	stream.linear.scatter [tilespmem:s24], [sflag:$0xD], $0x2000, $0x38;
	[tilespmem:$0x13200] =	vst v63  }
0x8f: {  	s3 =	simm.s32 $0x11A00;
	s10 =	simm.s32 $0x10;
	s24 =	simm.s32 $0x11A30  }
.LBB2_6:
0x90: {  	[hbm4b:s9+s1] =	stream.linear.scatter [tilespmem:s3], [sflag:$0xD], $0x28, $0x38;
	[tilespmem:$0x13200] =	vst v63  }
0x91: {  	s9 =	smov.u32 s10;
	s3 =	smov.u32 s24;
	p0 =	sne.s32 s10, $0x3F0  }
.Ltmp2:
0x92: {  	s10 =	sadd.s32 $0x10, s10;
	(pc) =	sbr.rel @p0 .LBB2_6-.Ltmp2, $2  }
0x93: {  	_ =	sdelay $0x2  }
0x94: {  	s24 =	sadd.s32 $0x30, s24;
	s9 =	sadd.s32 s9, s0  }
0x95: {  	[hbm4b:s9+s1] =	stream.linear.scatter [tilespmem:s3], [sflag:$0xD], $0x28, $0x38;
	[tilespmem:$0x13200] =	vst v63  }
0x96: {  	_ =	swait.ge [sflag:s31], $0x2000  }
0x97: {  	[sflag:s31] =	ssyncset.done $0x0  }
0x98: {  	[sflag:s31] =	ssyncadd.s32 $0xFFFFE000  }
0x99: {  	_ =	swait.ge [sflag:s31], $0x2000  }
0x9a: {  	[sflag:s31] =	ssyncset.done $0x0  }
0x9b: {  	[sflag:s31] =	ssyncadd.s32 $0xFFFFE000  }
0x9c: {  	_ =	swait.ge [sflag:s31], $0x2000  }
0x9d: {  	[sflag:s31] =	ssyncset.done $0x0  }
0x9e: {  	[sflag:s31] =	ssyncadd.s32 $0xFFFFE000  }
0x9f: {  	_ =	swait.ge [sflag:s31], $0x2000  }
0xa0: {  	[sflag:s31] =	ssyncset.done $0x0  }
0xa1: {  	[sflag:s31] =	ssyncadd.s32 $0xFFFFE000  }
0xa2: {  	_ =	swait.ge [sflag:s31], $0xA00  }
0xa3: {  	[sflag:s31] =	ssyncset.done $0x0  }
0xa4: {  	s24 =	simm.s32 $0xA00;
	s9 =	simm.s32 $0x680;
	[sflag:s31] =	ssyncadd.s32 $0xFFFFF600  }
0xa5: {  	[tilespmem:s24], [sflag:$0x1] =	stream.indirect.gather [hbm4b:s14+s29], $0x80, s9, s29, $0xb8;
	[tilespmem:$0x13200] =	vst v63  }
0xa6: {  	s10 =	simm.s32 $0x4A00  }
0xa7: {  	[tilespmem:s10], [sflag:$0x3] =	stream.indirect.gather [hbm4b:s15+s29], $0x80, s9, s29, $0xb8;
	[tilespmem:$0x13200] =	vst v63  }
0xa8: {  	s24 =	simm.s32 $0x8A00  }
0xa9: {  	[tilespmem:s24], [sflag:$0x5] =	stream.indirect.gather [hbm4b:s17+s29], $0x20, s9, s29, $0xb8;
	[tilespmem:$0x13200] =	vst v63  }
0xaa: {  	s10 =	simm.s32 $0x9A00;
	s9 =	simm.s32 $0x880  }
0xab: {  	[tilespmem:s10], [sflag:$0x7] =	stream.indirect.gather [hbm4b:s18+s29], $0x80, s9, s29, $0xb8;
	[tilespmem:$0x13200] =	vst v63  }
0xac: {  	s24 =	simm.s32 $0xDA00  }
0xad: {  	[tilespmem:s24], [sflag:$0x9] =	stream.indirect.gather [hbm4b:s19+s29], $0x80, s9, s29, $0xb8;
	[tilespmem:$0x13200] =	vst v63  }
0xae: {  	s10 =	simm.s32 $0x11A00  }
0xaf: {  	[tilespmem:s10], [sflag:$0xB] =	stream.indirect.gather [hbm4b:s20+s29], $0x30, s9, s29, $0xb8;
	[tilespmem:$0x13200] =	vst v63  }
0xb0: {  	_ =	swait.ge [sflag:s2], $0x2000  }
0xb1: {  	[sflag:s2] =	ssyncset.done $0x0  }
0xb2: {  	[sflag:s2] =	ssyncadd.s32 $0xFFFFE000  }
0xb3: {  	_ =	swait.ge [sflag:s5], $0x2000  }
0xb4: {  	[sflag:s5] =	ssyncset.done $0x0  }
0xb5: {  	[sflag:s5] =	ssyncadd.s32 $0xFFFFE000  }
0xb6: {  	_ =	swait.ge [sflag:s8], $0x800  }
0xb7: {  	[sflag:s8] =	ssyncset.done $0x0  }
0xb8: {  	[sflag:s8] =	ssyncadd.s32 $0xFFFFF800  }
0xb9: {  	_ =	swait.ge [sflag:s12], $0x2000  }
0xba: {  	[sflag:s12] =	ssyncset.done $0x0  }
0xbb: {  	[sflag:s12] =	ssyncadd.s32 $0xFFFFE000  }
0xbc: {  	_ =	swait.ge [sflag:s22], $0x2000  }
0xbd: {  	[sflag:s22] =	ssyncset.done $0x0  }
0xbe: {  	[sflag:s22] =	ssyncadd.s32 $0xFFFFE000  }
0xbf: {  	_ =	swait.ge [sflag:s25], $0xC00  }
0xc0: {  	[sflag:s25] =	ssyncset.done $0x0  }
0xc1: {  	s24 =	simm.s32 $0x0;
	[sflag:s25] =	ssyncadd.s32 $0xFFFFF400  }
0xc2: {  	v0 =	vld [tilespmem:s24+$0x9200];
	_ =	sdelay $0x3  }
0xc3: {  	s10 =	simm.s32 $0xBA10  }
0xc4: {  	v63 =	vld [tilespmem:s10+$0x0];
	[tilespmem:s10+$0xFFFFFFF0] =	vst v0  }
0xc5: {  	v1 =	vld [tilespmem:s24+$0x9210];
	_ =	sdelay $0x4  }
0xc6: {  	v0 =	vsel vm0, v1, v63  }
0xc7: {  	s3 =	simm.s32 $0x20;
	s24 =	simm.s32 $0x100;
	[tilespmem:s10+$0x0] =	vst v0  }
.LBB2_8:
0xc8: {  	p0 =	sne.s32 s24, $0x1F80;
	v0 =	vld [tilespmem:s3+$0x9200];
	_ =	sdelay $0x3  }
0xc9: {  	s10 =	sadd.s32 $0x80, s10  }
0xca: {  	[tilespmem:s10+$0xFFFFFFF0] =	vst v0;
	v0 =	vld [tilespmem:s10+$0x0]  }
0xcb: {  	v1 =	vld [tilespmem:s3+$0x9210];
	_ =	sdelay $0x1  }
.Ltmp3:
0xcc: {  	(pc) =	sbr.rel @p0 .LBB2_8-.Ltmp3, $3  }
0xcd: {  	_ =	sdelay $0x1  }
0xce: {  	v0 =	vsel vm0, v1, v0  }
0xcf: {  	s3 =	sshra.s32 s24, $0x2;
	s24 =	sadd.s32 $0x80, s24;
	[tilespmem:s10+$0x0] =	vst v0  }
0xd0: {  	v0 =	vld [tilespmem:s3+$0x9200];
	_ =	sdelay $0x3  }
0xd1: {  	s9 =	sadd.s32 $0x80, s10  }
0xd2: {  	v63 =	vld [tilespmem:s9+$0x0];
	[tilespmem:s9+$0xFFFFFFF0] =	vst v0  }
0xd3: {  	v1 =	vld [tilespmem:s3+$0x9210];
	_ =	sdelay $0x4  }
0xd4: {  	v0 =	vsel vm0, v1, v63  }
0xd5: {  	s10 =	rddreg [dreg:$0x3];
	s24 =	simm.s32 $0x2A00;
	s3 =	simm.s32 $0x0;
	[tilespmem:s9+$0x0] =	vst v0  }
0xd6: {  	[hbm4b:s10+s3] =	stream.linear.scatter [tilespmem:s24], [sflag:$0xE], $0x2000, $0x38;
	[tilespmem:$0x13200] =	vst v63  }
0xd7: {  	s10 =	rddreg [dreg:$0x4];
	s24 =	simm.s32 $0x6A00  }
0xd8: {  	[hbm4b:s10+s3] =	stream.linear.scatter [tilespmem:s24], [sflag:$0xE], $0x2000, $0x38;
	[tilespmem:$0x13200] =	vst v63  }
0xd9: {  	s10 =	rddreg [dreg:$0x5];
	s24 =	simm.s32 $0xBA00  }
0xda: {  	[hbm4b:s10+s3] =	stream.linear.scatter [tilespmem:s24], [sflag:$0xE], $0x2000, $0x38;
	[tilespmem:$0x13200] =	vst v63  }
0xdb: {  	s9 =	sadd.s32 $0x0, s6;
	s10 =	rddreg [dreg:$0x6];
	s24 =	simm.s32 $0xFA00  }
0xdc: {  	[hbm4b:s10+s3] =	stream.linear.scatter [tilespmem:s24], [sflag:$0xE], $0x2000, $0x38;
	[tilespmem:$0x13200] =	vst v63  }
0xdd: {  	s3 =	simm.s32 $0x12600;
	s10 =	simm.s32 $0x10;
	s24 =	simm.s32 $0x12630  }
.LBB2_10:
0xde: {  	[hbm4b:s9+s1] =	stream.linear.scatter [tilespmem:s3], [sflag:$0xE], $0x28, $0x38;
	[tilespmem:$0x13200] =	vst v63  }
0xdf: {  	s9 =	smov.u32 s10;
	s3 =	smov.u32 s24;
	p0 =	sne.s32 s10, $0x3F0  }
.Ltmp4:
0xe0: {  	s10 =	sadd.s32 $0x10, s10;
	(pc) =	sbr.rel @p0 .LBB2_10-.Ltmp4, $2  }
0xe1: {  	_ =	sdelay $0x2  }
0xe2: {  	s24 =	sadd.s32 $0x30, s24;
	s9 =	sadd.s32 s9, s6  }
0xe3: {  	[hbm4b:s9+s1] =	stream.linear.scatter [tilespmem:s3], [sflag:$0xE], $0x28, $0x38;
	[tilespmem:$0x13200] =	vst v63  }
0xe4: {  	_ =	swait.ge [sflag:s30], $0x2000  }
0xe5: {  	[sflag:s30] =	ssyncset.done $0x0  }
0xe6: {  	[sflag:s30] =	ssyncadd.s32 $0xFFFFE000  }
0xe7: {  	_ =	swait.ge [sflag:s30], $0x2000  }
0xe8: {  	[sflag:s30] =	ssyncset.done $0x0  }
0xe9: {  	[sflag:s30] =	ssyncadd.s32 $0xFFFFE000  }
0xea: {  	_ =	swait.ge [sflag:s30], $0x2000  }
0xeb: {  	[sflag:s30] =	ssyncset.done $0x0  }
0xec: {  	[sflag:s30] =	ssyncadd.s32 $0xFFFFE000  }
0xed: {  	_ =	swait.ge [sflag:s30], $0x2000  }
0xee: {  	[sflag:s30] =	ssyncset.done $0x0  }
0xef: {  	[sflag:s30] =	ssyncadd.s32 $0xFFFFE000  }
0xf0: {  	_ =	swait.ge [sflag:s30], $0xA00  }
0xf1: {  	[sflag:s30] =	ssyncset.done $0x0  }
0xf2: {  	s10 =	simm.s32 $0x2A00;
	s9 =	simm.s32 $0x6C0;
	[sflag:s30] =	ssyncadd.s32 $0xFFFFF600  }
0xf3: {  	[tilespmem:s10], [sflag:$0x2] =	stream.indirect.gather [hbm4b:s14+s29], $0x80, s9, s29, $0xb8;
	[tilespmem:$0x13200] =	vst v63  }
0xf4: {  	s24 =	simm.s32 $0x6A00  }
0xf5: {  	[tilespmem:s24], [sflag:$0x4] =	stream.indirect.gather [hbm4b:s15+s29], $0x80, s9, s29, $0xb8;
	[tilespmem:$0x13200] =	vst v63  }
0xf6: {  	s10 =	simm.s32 $0x9200  }
0xf7: {  	[tilespmem:s10], [sflag:$0x6] =	stream.indirect.gather [hbm4b:s17+s29], $0x20, s9, s29, $0xb8;
	[tilespmem:$0x13200] =	vst v63  }
0xf8: {  	s24 =	simm.s32 $0xBA00;
	s9 =	simm.s32 $0x8C0  }
0xf9: {  	[tilespmem:s24], [sflag:$0x8] =	stream.indirect.gather [hbm4b:s18+s29], $0x80, s9, s29, $0xb8;
	[tilespmem:$0x13200] =	vst v63  }
0xfa: {  	s10 =	simm.s32 $0xFA00  }
0xfb: {  	[tilespmem:s10], [sflag:$0xA] =	stream.indirect.gather [hbm4b:s19+s29], $0x80, s9, s29, $0xb8;
	[tilespmem:$0x13200] =	vst v63  }
0xfc: {  	s24 =	simm.s32 $0x12600;
	s10 =	simm.s32 $0x1  }
0xfd: {  	[tilespmem:s24], [sflag:$0xC] =	stream.indirect.gather [hbm4b:s20+s29], $0x30, s9, s29, $0xb8;
	[tilespmem:$0x13200] =	vst v63  }
0xfe: {  	_ =	swait.ge [sflag:s10], $0x2000  }
0xff: {  	[sflag:s10] =	ssyncset.done $0x0  }
0x100: {  	s24 =	simm.s32 $0x3;
	[sflag:s10] =	ssyncadd.s32 $0xFFFFE000  }
0x101: {  	_ =	swait.ge [sflag:s24], $0x2000  }
0x102: {  	[sflag:s24] =	ssyncset.done $0x0  }
0x103: {  	s9 =	simm.s32 $0x5;
	[sflag:s24] =	ssyncadd.s32 $0xFFFFE000  }
0x104: {  	_ =	swait.ge [sflag:s9], $0x800  }
0x105: {  	[sflag:s9] =	ssyncset.done $0x0  }
0x106: {  	s10 =	simm.s32 $0x7;
	[sflag:s9] =	ssyncadd.s32 $0xFFFFF800  }
0x107: {  	_ =	swait.ge [sflag:s10], $0x2000  }
0x108: {  	[sflag:s10] =	ssyncset.done $0x0  }
0x109: {  	[sflag:s10] =	ssyncadd.s32 $0xFFFFE000  }
0x10a: {  	_ =	swait.ge [sflag:s23], $0x2000  }
0x10b: {  	[sflag:s23] =	ssyncset.done $0x0  }
0x10c: {  	[sflag:s23] =	ssyncadd.s32 $0xFFFFE000  }
0x10d: {  	_ =	swait.ge [sflag:s4], $0xC00  }
0x10e: {  	[sflag:s4] =	ssyncset.done $0x0  }
0x10f: {  	s24 =	simm.s32 $0x0;
	[sflag:s4] =	ssyncadd.s32 $0xFFFFF400  }
0x110: {  	v0 =	vld [tilespmem:s24+$0x8A00];
	_ =	sdelay $0x3  }
0x111: {  	s10 =	simm.s32 $0x9A10  }
0x112: {  	v63 =	vld [tilespmem:s10+$0x0];
	[tilespmem:s10+$0xFFFFFFF0] =	vst v0  }
0x113: {  	v1 =	vld [tilespmem:s24+$0x8A10];
	_ =	sdelay $0x4  }
0x114: {  	v0 =	vsel vm0, v1, v63  }
0x115: {  	s3 =	simm.s32 $0x20;
	s24 =	simm.s32 $0x100;
	[tilespmem:s10+$0x0] =	vst v0  }
.LBB2_12:
0x116: {  	p0 =	sne.s32 s24, $0x1F80;
	v0 =	vld [tilespmem:s3+$0x8A00];
	_ =	sdelay $0x3  }
0x117: {  	s10 =	sadd.s32 $0x80, s10  }
0x118: {  	[tilespmem:s10+$0xFFFFFFF0] =	vst v0;
	v0 =	vld [tilespmem:s10+$0x0]  }
0x119: {  	v1 =	vld [tilespmem:s3+$0x8A10];
	_ =	sdelay $0x1  }
.Ltmp5:
0x11a: {  	(pc) =	sbr.rel @p0 .LBB2_12-.Ltmp5, $3  }
0x11b: {  	_ =	sdelay $0x1  }
0x11c: {  	v0 =	vsel vm0, v1, v0  }
0x11d: {  	s3 =	sshra.s32 s24, $0x2;
	s24 =	sadd.s32 $0x80, s24;
	[tilespmem:s10+$0x0] =	vst v0  }
0x11e: {  	v0 =	vld [tilespmem:s3+$0x8A00];
	_ =	sdelay $0x3  }
0x11f: {  	s9 =	sadd.s32 $0x80, s10  }
0x120: {  	v63 =	vld [tilespmem:s9+$0x0];
	[tilespmem:s9+$0xFFFFFFF0] =	vst v0  }
0x121: {  	v1 =	vld [tilespmem:s3+$0x8A10];
	_ =	sdelay $0x4  }
0x122: {  	v0 =	vsel vm0, v1, v63  }
0x123: {  	s10 =	rddreg [dreg:$0x7];
	s24 =	simm.s32 $0xA00;
	s3 =	simm.s32 $0x0;
	[tilespmem:s9+$0x0] =	vst v0  }
0x124: {  	[hbm4b:s10+s3] =	stream.linear.scatter [tilespmem:s24], [sflag:$0xD], $0x2000, $0x38;
	[tilespmem:$0x13200] =	vst v63  }
0x125: {  	s10 =	rddreg [dreg:$0x8];
	s24 =	simm.s32 $0x4A00  }
0x126: {  	[hbm4b:s10+s3] =	stream.linear.scatter [tilespmem:s24], [sflag:$0xD], $0x2000, $0x38;
	[tilespmem:$0x13200] =	vst v63  }
0x127: {  	s10 =	rddreg [dreg:$0x9];
	s24 =	simm.s32 $0x9A00  }
0x128: {  	[hbm4b:s10+s3] =	stream.linear.scatter [tilespmem:s24], [sflag:$0xD], $0x2000, $0x38;
	[tilespmem:$0x13200] =	vst v63  }
0x129: {  	s9 =	sadd.s32 $0x0, s11;
	s10 =	rddreg [dreg:$0xa];
	s24 =	simm.s32 $0xDA00  }
0x12a: {  	[hbm4b:s10+s3] =	stream.linear.scatter [tilespmem:s24], [sflag:$0xD], $0x2000, $0x38;
	[tilespmem:$0x13200] =	vst v63  }
0x12b: {  	s3 =	simm.s32 $0x11A00;
	s10 =	simm.s32 $0x10;
	s24 =	simm.s32 $0x11A30  }
.LBB2_14:
0x12c: {  	[hbm4b:s9+s1] =	stream.linear.scatter [tilespmem:s3], [sflag:$0xD], $0x28, $0x38;
	[tilespmem:$0x13200] =	vst v63  }
0x12d: {  	s9 =	smov.u32 s10;
	s3 =	smov.u32 s24;
	p0 =	sne.s32 s10, $0x3F0  }
.Ltmp6:
0x12e: {  	s10 =	sadd.s32 $0x10, s10;
	(pc) =	sbr.rel @p0 .LBB2_14-.Ltmp6, $2  }
0x12f: {  	_ =	sdelay $0x2  }
0x130: {  	s24 =	sadd.s32 $0x30, s24;
	s9 =	sadd.s32 s9, s11  }
0x131: {  	[hbm4b:s9+s1] =	stream.linear.scatter [tilespmem:s3], [sflag:$0xD], $0x28, $0x38;
	[tilespmem:$0x13200] =	vst v63  }
0x132: {  	_ =	swait.ge [sflag:s31], $0x2000  }
0x133: {  	[sflag:s31] =	ssyncset.done $0x0  }
0x134: {  	[sflag:s31] =	ssyncadd.s32 $0xFFFFE000  }
0x135: {  	_ =	swait.ge [sflag:s31], $0x2000  }
0x136: {  	[sflag:s31] =	ssyncset.done $0x0  }
0x137: {  	[sflag:s31] =	ssyncadd.s32 $0xFFFFE000  }
0x138: {  	_ =	swait.ge [sflag:s31], $0x2000  }
0x139: {  	[sflag:s31] =	ssyncset.done $0x0  }
0x13a: {  	[sflag:s31] =	ssyncadd.s32 $0xFFFFE000  }
0x13b: {  	_ =	swait.ge [sflag:s31], $0x2000  }
0x13c: {  	[sflag:s31] =	ssyncset.done $0x0  }
0x13d: {  	[sflag:s31] =	ssyncadd.s32 $0xFFFFE000  }
0x13e: {  	_ =	swait.ge [sflag:s31], $0xA00  }
0x13f: {  	[sflag:s31] =	ssyncset.done $0x0  }
0x140: {  	s24 =	simm.s32 $0xA00;
	s9 =	simm.s32 $0x700;
	[sflag:s31] =	ssyncadd.s32 $0xFFFFF600  }
0x141: {  	[tilespmem:s24], [sflag:$0x1] =	stream.indirect.gather [hbm4b:s14+s29], $0x80, s9, s29, $0xb8;
	[tilespmem:$0x13200] =	vst v63  }
0x142: {  	s10 =	simm.s32 $0x4A00  }
0x143: {  	[tilespmem:s10], [sflag:$0x3] =	stream.indirect.gather [hbm4b:s15+s29], $0x80, s9, s29, $0xb8;
	[tilespmem:$0x13200] =	vst v63  }
0x144: {  	s24 =	simm.s32 $0x8A00  }
0x145: {  	[tilespmem:s24], [sflag:$0x5] =	stream.indirect.gather [hbm4b:s17+s29], $0x20, s9, s29, $0xb8;
	[tilespmem:$0x13200] =	vst v63  }
0x146: {  	s10 =	simm.s32 $0x9A00;
	s9 =	simm.s32 $0x900  }
0x147: {  	[tilespmem:s10], [sflag:$0x7] =	stream.indirect.gather [hbm4b:s18+s29], $0x80, s9, s29, $0xb8;
	[tilespmem:$0x13200] =	vst v63  }
0x148: {  	s24 =	simm.s32 $0xDA00  }
0x149: {  	[tilespmem:s24], [sflag:$0x9] =	stream.indirect.gather [hbm4b:s19+s29], $0x80, s9, s29, $0xb8;
	[tilespmem:$0x13200] =	vst v63  }
0x14a: {  	s10 =	simm.s32 $0x11A00  }
0x14b: {  	[tilespmem:s10], [sflag:$0xB] =	stream.indirect.gather [hbm4b:s20+s29], $0x30, s9, s29, $0xb8;
	[tilespmem:$0x13200] =	vst v63  }
0x14c: {  	_ =	swait.ge [sflag:s2], $0x2000  }
0x14d: {  	[sflag:s2] =	ssyncset.done $0x0  }
0x14e: {  	[sflag:s2] =	ssyncadd.s32 $0xFFFFE000  }
0x14f: {  	_ =	swait.ge [sflag:s5], $0x2000  }
0x150: {  	[sflag:s5] =	ssyncset.done $0x0  }
0x151: {  	[sflag:s5] =	ssyncadd.s32 $0xFFFFE000  }
0x152: {  	_ =	swait.ge [sflag:s8], $0x800  }
0x153: {  	[sflag:s8] =	ssyncset.done $0x0  }
0x154: {  	[sflag:s8] =	ssyncadd.s32 $0xFFFFF800  }
0x155: {  	_ =	swait.ge [sflag:s12], $0x2000  }
0x156: {  	[sflag:s12] =	ssyncset.done $0x0  }
0x157: {  	[sflag:s12] =	ssyncadd.s32 $0xFFFFE000  }
0x158: {  	_ =	swait.ge [sflag:s22], $0x2000  }
0x159: {  	[sflag:s22] =	ssyncset.done $0x0  }
0x15a: {  	[sflag:s22] =	ssyncadd.s32 $0xFFFFE000  }
0x15b: {  	_ =	swait.ge [sflag:s25], $0xC00  }
0x15c: {  	[sflag:s25] =	ssyncset.done $0x0  }
0x15d: {  	s24 =	simm.s32 $0x0;
	[sflag:s25] =	ssyncadd.s32 $0xFFFFF400  }
0x15e: {  	v0 =	vld [tilespmem:s24+$0x9200];
	_ =	sdelay $0x3  }
0x15f: {  	s10 =	simm.s32 $0xBA10  }
0x160: {  	v63 =	vld [tilespmem:s10+$0x0];
	[tilespmem:s10+$0xFFFFFFF0] =	vst v0  }
0x161: {  	v1 =	vld [tilespmem:s24+$0x9210];
	_ =	sdelay $0x4  }
0x162: {  	v0 =	vsel vm0, v1, v63  }
0x163: {  	s3 =	simm.s32 $0x20;
	s24 =	simm.s32 $0x100;
	[tilespmem:s10+$0x0] =	vst v0  }
.LBB2_16:
0x164: {  	p0 =	sne.s32 s24, $0x1F80;
	v0 =	vld [tilespmem:s3+$0x9200];
	_ =	sdelay $0x3  }
0x165: {  	s10 =	sadd.s32 $0x80, s10  }
0x166: {  	[tilespmem:s10+$0xFFFFFFF0] =	vst v0;
	v0 =	vld [tilespmem:s10+$0x0]  }
0x167: {  	v1 =	vld [tilespmem:s3+$0x9210];
	_ =	sdelay $0x1  }
.Ltmp7:
0x168: {  	(pc) =	sbr.rel @p0 .LBB2_16-.Ltmp7, $3  }
0x169: {  	_ =	sdelay $0x1  }
0x16a: {  	v0 =	vsel vm0, v1, v0  }
0x16b: {  	s3 =	sshra.s32 s24, $0x2;
	s24 =	sadd.s32 $0x80, s24;
	[tilespmem:s10+$0x0] =	vst v0  }
0x16c: {  	v0 =	vld [tilespmem:s3+$0x9200];
	_ =	sdelay $0x3  }
0x16d: {  	s9 =	sadd.s32 $0x80, s10  }
0x16e: {  	v63 =	vld [tilespmem:s9+$0x0];
	[tilespmem:s9+$0xFFFFFFF0] =	vst v0  }
0x16f: {  	v1 =	vld [tilespmem:s3+$0x9210];
	_ =	sdelay $0x4  }
0x170: {  	v0 =	vsel vm0, v1, v63  }
0x171: {  	s10 =	rddreg [dreg:$0xb];
	s24 =	simm.s32 $0x2A00;
	s3 =	simm.s32 $0x0;
	[tilespmem:s9+$0x0] =	vst v0  }
0x172: {  	[hbm4b:s10+s3] =	stream.linear.scatter [tilespmem:s24], [sflag:$0xE], $0x2000, $0x38;
	[tilespmem:$0x13200] =	vst v63  }
0x173: {  	s10 =	rddreg [dreg:$0xc];
	s24 =	simm.s32 $0x6A00  }
0x174: {  	[hbm4b:s10+s3] =	stream.linear.scatter [tilespmem:s24], [sflag:$0xE], $0x2000, $0x38;
	[tilespmem:$0x13200] =	vst v63  }
0x175: {  	s10 =	rddreg [dreg:$0xd];
	s24 =	simm.s32 $0xBA00  }
0x176: {  	[hbm4b:s10+s3] =	stream.linear.scatter [tilespmem:s24], [sflag:$0xE], $0x2000, $0x38;
	[tilespmem:$0x13200] =	vst v63  }
0x177: {  	s9 =	sadd.s32 $0x0, s16;
	s10 =	rddreg [dreg:$0xe];
	s24 =	simm.s32 $0xFA00  }
0x178: {  	[hbm4b:s10+s3] =	stream.linear.scatter [tilespmem:s24], [sflag:$0xE], $0x2000, $0x38;
	[tilespmem:$0x13200] =	vst v63  }
0x179: {  	s3 =	simm.s32 $0x12600;
	s10 =	simm.s32 $0x10;
	s24 =	simm.s32 $0x12630  }
.LBB2_18:
0x17a: {  	[hbm4b:s9+s1] =	stream.linear.scatter [tilespmem:s3], [sflag:$0xE], $0x28, $0x38;
	[tilespmem:$0x13200] =	vst v63  }
0x17b: {  	s9 =	smov.u32 s10;
	s3 =	smov.u32 s24;
	p0 =	sne.s32 s10, $0x3F0  }
.Ltmp8:
0x17c: {  	s10 =	sadd.s32 $0x10, s10;
	(pc) =	sbr.rel @p0 .LBB2_18-.Ltmp8, $2  }
0x17d: {  	_ =	sdelay $0x2  }
0x17e: {  	s24 =	sadd.s32 $0x30, s24;
	s9 =	sadd.s32 s9, s16  }
0x17f: {  	[hbm4b:s9+s1] =	stream.linear.scatter [tilespmem:s3], [sflag:$0xE], $0x28, $0x38;
	[tilespmem:$0x13200] =	vst v63  }
0x180: {  	_ =	swait.ge [sflag:s30], $0x2000  }
0x181: {  	[sflag:s30] =	ssyncset.done $0x0  }
0x182: {  	[sflag:s30] =	ssyncadd.s32 $0xFFFFE000  }
0x183: {  	_ =	swait.ge [sflag:s30], $0x2000  }
0x184: {  	[sflag:s30] =	ssyncset.done $0x0  }
0x185: {  	[sflag:s30] =	ssyncadd.s32 $0xFFFFE000  }
0x186: {  	_ =	swait.ge [sflag:s30], $0x2000  }
0x187: {  	[sflag:s30] =	ssyncset.done $0x0  }
0x188: {  	[sflag:s30] =	ssyncadd.s32 $0xFFFFE000  }
0x189: {  	_ =	swait.ge [sflag:s30], $0x2000  }
0x18a: {  	[sflag:s30] =	ssyncset.done $0x0  }
0x18b: {  	[sflag:s30] =	ssyncadd.s32 $0xFFFFE000  }
0x18c: {  	_ =	swait.ge [sflag:s30], $0xA00  }
0x18d: {  	[sflag:s30] =	ssyncset.done $0x0  }
0x18e: {  	s10 =	simm.s32 $0x2A00;
	s9 =	simm.s32 $0x740;
	[sflag:s30] =	ssyncadd.s32 $0xFFFFF600  }
0x18f: {  	[tilespmem:s10], [sflag:$0x2] =	stream.indirect.gather [hbm4b:s14+s29], $0x80, s9, s29, $0xb8;
	[tilespmem:$0x13200] =	vst v63  }
0x190: {  	s24 =	simm.s32 $0x6A00  }
0x191: {  	[tilespmem:s24], [sflag:$0x4] =	stream.indirect.gather [hbm4b:s15+s29], $0x80, s9, s29, $0xb8;
	[tilespmem:$0x13200] =	vst v63  }
0x192: {  	s10 =	simm.s32 $0x9200  }
0x193: {  	[tilespmem:s10], [sflag:$0x6] =	stream.indirect.gather [hbm4b:s17+s29], $0x20, s9, s29, $0xb8;
	[tilespmem:$0x13200] =	vst v63  }
0x194: {  	s24 =	simm.s32 $0xBA00;
	s9 =	simm.s32 $0x940  }
0x195: {  	[tilespmem:s24], [sflag:$0x8] =	stream.indirect.gather [hbm4b:s18+s29], $0x80, s9, s29, $0xb8;
	[tilespmem:$0x13200] =	vst v63  }
0x196: {  	s10 =	simm.s32 $0xFA00  }
0x197: {  	[tilespmem:s10], [sflag:$0xA] =	stream.indirect.gather [hbm4b:s19+s29], $0x80, s9, s29, $0xb8;
	[tilespmem:$0x13200] =	vst v63  }
0x198: {  	s24 =	simm.s32 $0x12600;
	s10 =	simm.s32 $0x1  }
0x199: {  	[tilespmem:s24], [sflag:$0xC] =	stream.indirect.gather [hbm4b:s20+s29], $0x30, s9, s29, $0xb8;
	[tilespmem:$0x13200] =	vst v63  }
0x19a: {  	_ =	swait.ge [sflag:s10], $0x2000  }
0x19b: {  	[sflag:s10] =	ssyncset.done $0x0  }
0x19c: {  	s24 =	simm.s32 $0x3;
	[sflag:s10] =	ssyncadd.s32 $0xFFFFE000  }
0x19d: {  	_ =	swait.ge [sflag:s24], $0x2000  }
0x19e: {  	[sflag:s24] =	ssyncset.done $0x0  }
0x19f: {  	s9 =	simm.s32 $0x5;
	[sflag:s24] =	ssyncadd.s32 $0xFFFFE000  }
0x1a0: {  	_ =	swait.ge [sflag:s9], $0x800  }
0x1a1: {  	[sflag:s9] =	ssyncset.done $0x0  }
0x1a2: {  	s10 =	simm.s32 $0x7;
	[sflag:s9] =	ssyncadd.s32 $0xFFFFF800  }
0x1a3: {  	_ =	swait.ge [sflag:s10], $0x2000  }
0x1a4: {  	[sflag:s10] =	ssyncset.done $0x0  }
0x1a5: {  	[sflag:s10] =	ssyncadd.s32 $0xFFFFE000  }
0x1a6: {  	_ =	swait.ge [sflag:s23], $0x2000  }
0x1a7: {  	[sflag:s23] =	ssyncset.done $0x0  }
0x1a8: {  	[sflag:s23] =	ssyncadd.s32 $0xFFFFE000  }
0x1a9: {  	_ =	swait.ge [sflag:s4], $0xC00  }
0x1aa: {  	[sflag:s4] =	ssyncset.done $0x0  }
0x1ab: {  	s24 =	simm.s32 $0x0;
	[sflag:s4] =	ssyncadd.s32 $0xFFFFF400  }
0x1ac: {  	v0 =	vld [tilespmem:s24+$0x8A00];
	_ =	sdelay $0x3  }
0x1ad: {  	s10 =	simm.s32 $0x9A10  }
0x1ae: {  	v63 =	vld [tilespmem:s10+$0x0];
	[tilespmem:s10+$0xFFFFFFF0] =	vst v0  }
0x1af: {  	v1 =	vld [tilespmem:s24+$0x8A10];
	_ =	sdelay $0x4  }
0x1b0: {  	v0 =	vsel vm0, v1, v63  }
0x1b1: {  	s3 =	simm.s32 $0x20;
	s24 =	simm.s32 $0x100;
	[tilespmem:s10+$0x0] =	vst v0  }
.LBB2_20:
0x1b2: {  	p0 =	sne.s32 s24, $0x1F80;
	v0 =	vld [tilespmem:s3+$0x8A00];
	_ =	sdelay $0x3  }
0x1b3: {  	s10 =	sadd.s32 $0x80, s10  }
0x1b4: {  	[tilespmem:s10+$0xFFFFFFF0] =	vst v0;
	v0 =	vld [tilespmem:s10+$0x0]  }
0x1b5: {  	v1 =	vld [tilespmem:s3+$0x8A10];
	_ =	sdelay $0x1  }
.Ltmp9:
0x1b6: {  	(pc) =	sbr.rel @p0 .LBB2_20-.Ltmp9, $3  }
0x1b7: {  	_ =	sdelay $0x1  }
0x1b8: {  	v0 =	vsel vm0, v1, v0  }
0x1b9: {  	s3 =	sshra.s32 s24, $0x2;
	s24 =	sadd.s32 $0x80, s24;
	[tilespmem:s10+$0x0] =	vst v0  }
0x1ba: {  	v0 =	vld [tilespmem:s3+$0x8A00];
	_ =	sdelay $0x3  }
0x1bb: {  	s9 =	sadd.s32 $0x80, s10  }
0x1bc: {  	v63 =	vld [tilespmem:s9+$0x0];
	[tilespmem:s9+$0xFFFFFFF0] =	vst v0  }
0x1bd: {  	v1 =	vld [tilespmem:s3+$0x8A10];
	_ =	sdelay $0x4  }
0x1be: {  	v0 =	vsel vm0, v1, v63  }
0x1bf: {  	s10 =	rddreg [dreg:$0xf];
	s24 =	simm.s32 $0xA00;
	s3 =	simm.s32 $0x0;
	[tilespmem:s9+$0x0] =	vst v0  }
0x1c0: {  	[hbm4b:s10+s3] =	stream.linear.scatter [tilespmem:s24], [sflag:$0xD], $0x2000, $0x38;
	[tilespmem:$0x13200] =	vst v63  }
0x1c1: {  	s10 =	rddreg [dreg:$0x10];
	s24 =	simm.s32 $0x4A00  }
0x1c2: {  	[hbm4b:s10+s3] =	stream.linear.scatter [tilespmem:s24], [sflag:$0xD], $0x2000, $0x38;
	[tilespmem:$0x13200] =	vst v63  }
0x1c3: {  	s10 =	rddreg [dreg:$0x11];
	s24 =	simm.s32 $0x9A00  }
0x1c4: {  	[hbm4b:s10+s3] =	stream.linear.scatter [tilespmem:s24], [sflag:$0xD], $0x2000, $0x38;
	[tilespmem:$0x13200] =	vst v63  }
0x1c5: {  	s9 =	sadd.s32 $0x0, s21;
	s10 =	rddreg [dreg:$0x12];
	s24 =	simm.s32 $0xDA00  }
0x1c6: {  	[hbm4b:s10+s3] =	stream.linear.scatter [tilespmem:s24], [sflag:$0xD], $0x2000, $0x38;
	[tilespmem:$0x13200] =	vst v63  }
0x1c7: {  	s3 =	simm.s32 $0x11A00;
	s10 =	simm.s32 $0x10;
	s24 =	simm.s32 $0x11A30  }
.LBB2_22:
0x1c8: {  	[hbm4b:s9+s1] =	stream.linear.scatter [tilespmem:s3], [sflag:$0xD], $0x28, $0x38;
	[tilespmem:$0x13200] =	vst v63  }
0x1c9: {  	s9 =	smov.u32 s10;
	s3 =	smov.u32 s24;
	p0 =	sne.s32 s10, $0x3F0  }
.Ltmp10:
0x1ca: {  	s10 =	sadd.s32 $0x10, s10;
	(pc) =	sbr.rel @p0 .LBB2_22-.Ltmp10, $2  }
0x1cb: {  	_ =	sdelay $0x2  }
0x1cc: {  	s24 =	sadd.s32 $0x30, s24;
	s9 =	sadd.s32 s9, s21  }
0x1cd: {  	[hbm4b:s9+s1] =	stream.linear.scatter [tilespmem:s3], [sflag:$0xD], $0x28, $0x38;
	[tilespmem:$0x13200] =	vst v63  }
0x1ce: {  	_ =	swait.ge [sflag:s31], $0x2000  }
0x1cf: {  	[sflag:s31] =	ssyncset.done $0x0  }
0x1d0: {  	[sflag:s31] =	ssyncadd.s32 $0xFFFFE000  }
0x1d1: {  	_ =	swait.ge [sflag:s31], $0x2000  }
0x1d2: {  	[sflag:s31] =	ssyncset.done $0x0  }
0x1d3: {  	[sflag:s31] =	ssyncadd.s32 $0xFFFFE000  }
0x1d4: {  	_ =	swait.ge [sflag:s31], $0x2000  }
0x1d5: {  	[sflag:s31] =	ssyncset.done $0x0  }
0x1d6: {  	[sflag:s31] =	ssyncadd.s32 $0xFFFFE000  }
0x1d7: {  	_ =	swait.ge [sflag:s31], $0x2000  }
0x1d8: {  	[sflag:s31] =	ssyncset.done $0x0  }
0x1d9: {  	[sflag:s31] =	ssyncadd.s32 $0xFFFFE000  }
0x1da: {  	_ =	swait.ge [sflag:s31], $0xA00  }
0x1db: {  	[sflag:s31] =	ssyncset.done $0x0  }
0x1dc: {  	s24 =	simm.s32 $0xA00;
	s9 =	simm.s32 $0x780;
	[sflag:s31] =	ssyncadd.s32 $0xFFFFF600  }
0x1dd: {  	[tilespmem:s24], [sflag:$0x1] =	stream.indirect.gather [hbm4b:s14+s29], $0x80, s9, s29, $0xb8;
	[tilespmem:$0x13200] =	vst v63  }
0x1de: {  	s10 =	simm.s32 $0x4A00  }
0x1df: {  	[tilespmem:s10], [sflag:$0x3] =	stream.indirect.gather [hbm4b:s15+s29], $0x80, s9, s29, $0xb8;
	[tilespmem:$0x13200] =	vst v63  }
0x1e0: {  	s24 =	simm.s32 $0x8A00  }
0x1e1: {  	[tilespmem:s24], [sflag:$0x5] =	stream.indirect.gather [hbm4b:s17+s29], $0x20, s9, s29, $0xb8;
	[tilespmem:$0x13200] =	vst v63  }
0x1e2: {  	s10 =	simm.s32 $0x9A00;
	s9 =	simm.s32 $0x980  }
0x1e3: {  	[tilespmem:s10], [sflag:$0x7] =	stream.indirect.gather [hbm4b:s18+s29], $0x80, s9, s29, $0xb8;
	[tilespmem:$0x13200] =	vst v63  }
0x1e4: {  	s24 =	simm.s32 $0xDA00  }
0x1e5: {  	[tilespmem:s24], [sflag:$0x9] =	stream.indirect.gather [hbm4b:s19+s29], $0x80, s9, s29, $0xb8;
	[tilespmem:$0x13200] =	vst v63  }
0x1e6: {  	s10 =	simm.s32 $0x11A00  }
0x1e7: {  	[tilespmem:s10], [sflag:$0xB] =	stream.indirect.gather [hbm4b:s20+s29], $0x30, s9, s29, $0xb8;
	[tilespmem:$0x13200] =	vst v63  }
0x1e8: {  	_ =	swait.ge [sflag:s2], $0x2000  }
0x1e9: {  	[sflag:s2] =	ssyncset.done $0x0  }
0x1ea: {  	[sflag:s2] =	ssyncadd.s32 $0xFFFFE000  }
0x1eb: {  	_ =	swait.ge [sflag:s5], $0x2000  }
0x1ec: {  	[sflag:s5] =	ssyncset.done $0x0  }
0x1ed: {  	[sflag:s5] =	ssyncadd.s32 $0xFFFFE000  }
0x1ee: {  	_ =	swait.ge [sflag:s8], $0x800  }
0x1ef: {  	[sflag:s8] =	ssyncset.done $0x0  }
0x1f0: {  	[sflag:s8] =	ssyncadd.s32 $0xFFFFF800  }
0x1f1: {  	_ =	swait.ge [sflag:s12], $0x2000  }
0x1f2: {  	[sflag:s12] =	ssyncset.done $0x0  }
0x1f3: {  	[sflag:s12] =	ssyncadd.s32 $0xFFFFE000  }
0x1f4: {  	_ =	swait.ge [sflag:s22], $0x2000  }
0x1f5: {  	[sflag:s22] =	ssyncset.done $0x0  }
0x1f6: {  	[sflag:s22] =	ssyncadd.s32 $0xFFFFE000  }
0x1f7: {  	_ =	swait.ge [sflag:s25], $0xC00  }
0x1f8: {  	[sflag:s25] =	ssyncset.done $0x0  }
0x1f9: {  	s24 =	simm.s32 $0x0;
	[sflag:s25] =	ssyncadd.s32 $0xFFFFF400  }
0x1fa: {  	v0 =	vld [tilespmem:s24+$0x9200];
	_ =	sdelay $0x3  }
0x1fb: {  	s10 =	simm.s32 $0xBA10  }
0x1fc: {  	v63 =	vld [tilespmem:s10+$0x0];
	[tilespmem:s10+$0xFFFFFFF0] =	vst v0  }
0x1fd: {  	v1 =	vld [tilespmem:s24+$0x9210];
	_ =	sdelay $0x4  }
0x1fe: {  	v0 =	vsel vm0, v1, v63  }
0x1ff: {  	s3 =	simm.s32 $0x20;
	s24 =	simm.s32 $0x100;
	[tilespmem:s10+$0x0] =	vst v0  }
.LBB2_24:
0x200: {  	p0 =	sne.s32 s24, $0x1F80;
	v0 =	vld [tilespmem:s3+$0x9200];
	_ =	sdelay $0x3  }
0x201: {  	s10 =	sadd.s32 $0x80, s10  }
0x202: {  	[tilespmem:s10+$0xFFFFFFF0] =	vst v0;
	v0 =	vld [tilespmem:s10+$0x0]  }
0x203: {  	v1 =	vld [tilespmem:s3+$0x9210];
	_ =	sdelay $0x1  }
.Ltmp11:
0x204: {  	(pc) =	sbr.rel @p0 .LBB2_24-.Ltmp11, $3  }
0x205: {  	_ =	sdelay $0x1  }
0x206: {  	v0 =	vsel vm0, v1, v0  }
0x207: {  	s3 =	sshra.s32 s24, $0x2;
	s24 =	sadd.s32 $0x80, s24;
	[tilespmem:s10+$0x0] =	vst v0  }
0x208: {  	v0 =	vld [tilespmem:s3+$0x9200];
	_ =	sdelay $0x3  }
0x209: {  	s9 =	sadd.s32 $0x80, s10  }
0x20a: {  	v63 =	vld [tilespmem:s9+$0x0];
	[tilespmem:s9+$0xFFFFFFF0] =	vst v0  }
0x20b: {  	v1 =	vld [tilespmem:s3+$0x9210];
	_ =	sdelay $0x4  }
0x20c: {  	v0 =	vsel vm0, v1, v63  }
0x20d: {  	s10 =	rddreg [dreg:$0x13];
	s24 =	simm.s32 $0x2A00;
	s3 =	simm.s32 $0x0;
	[tilespmem:s9+$0x0] =	vst v0  }
0x20e: {  	[hbm4b:s10+s3] =	stream.linear.scatter [tilespmem:s24], [sflag:$0xE], $0x2000, $0x38;
	[tilespmem:$0x13200] =	vst v63  }
0x20f: {  	s10 =	rddreg [dreg:$0x14];
	s24 =	simm.s32 $0x6A00  }
0x210: {  	[hbm4b:s10+s3] =	stream.linear.scatter [tilespmem:s24], [sflag:$0xE], $0x2000, $0x38;
	[tilespmem:$0x13200] =	vst v63  }
0x211: {  	s10 =	rddreg [dreg:$0x15];
	s24 =	simm.s32 $0xBA00  }
0x212: {  	[hbm4b:s10+s3] =	stream.linear.scatter [tilespmem:s24], [sflag:$0xE], $0x2000, $0x38;
	[tilespmem:$0x13200] =	vst v63  }
0x213: {  	s9 =	sadd.s32 $0x0, s26;
	s10 =	rddreg [dreg:$0x16];
	s24 =	simm.s32 $0xFA00  }
0x214: {  	[hbm4b:s10+s3] =	stream.linear.scatter [tilespmem:s24], [sflag:$0xE], $0x2000, $0x38;
	[tilespmem:$0x13200] =	vst v63  }
0x215: {  	s3 =	simm.s32 $0x12600;
	s10 =	simm.s32 $0x10;
	s24 =	simm.s32 $0x12630  }
.LBB2_26:
0x216: {  	[hbm4b:s9+s1] =	stream.linear.scatter [tilespmem:s3], [sflag:$0xE], $0x28, $0x38;
	[tilespmem:$0x13200] =	vst v63  }
0x217: {  	s9 =	smov.u32 s10;
	s3 =	smov.u32 s24;
	p0 =	sne.s32 s10, $0x3F0  }
.Ltmp12:
0x218: {  	s10 =	sadd.s32 $0x10, s10;
	(pc) =	sbr.rel @p0 .LBB2_26-.Ltmp12, $2  }
0x219: {  	_ =	sdelay $0x2  }
0x21a: {  	s24 =	sadd.s32 $0x30, s24;
	s9 =	sadd.s32 s9, s26  }
0x21b: {  	[hbm4b:s9+s1] =	stream.linear.scatter [tilespmem:s3], [sflag:$0xE], $0x28, $0x38;
	[tilespmem:$0x13200] =	vst v63  }
0x21c: {  	_ =	swait.ge [sflag:s30], $0x2000  }
0x21d: {  	[sflag:s30] =	ssyncset.done $0x0  }
0x21e: {  	[sflag:s30] =	ssyncadd.s32 $0xFFFFE000  }
0x21f: {  	_ =	swait.ge [sflag:s30], $0x2000  }
0x220: {  	[sflag:s30] =	ssyncset.done $0x0  }
0x221: {  	[sflag:s30] =	ssyncadd.s32 $0xFFFFE000  }
0x222: {  	_ =	swait.ge [sflag:s30], $0x2000  }
0x223: {  	[sflag:s30] =	ssyncset.done $0x0  }
0x224: {  	[sflag:s30] =	ssyncadd.s32 $0xFFFFE000  }
0x225: {  	_ =	swait.ge [sflag:s30], $0x2000  }
0x226: {  	[sflag:s30] =	ssyncset.done $0x0  }
0x227: {  	[sflag:s30] =	ssyncadd.s32 $0xFFFFE000  }
0x228: {  	_ =	swait.ge [sflag:s30], $0xA00  }
0x229: {  	[sflag:s30] =	ssyncset.done $0x0  }
0x22a: {  	s10 =	simm.s32 $0x2A00;
	s9 =	simm.s32 $0x7C0;
	[sflag:s30] =	ssyncadd.s32 $0xFFFFF600  }
0x22b: {  	[tilespmem:s10], [sflag:$0x2] =	stream.indirect.gather [hbm4b:s14+s29], $0x80, s9, s29, $0xb8;
	[tilespmem:$0x13200] =	vst v63  }
0x22c: {  	s24 =	simm.s32 $0x6A00  }
0x22d: {  	[tilespmem:s24], [sflag:$0x4] =	stream.indirect.gather [hbm4b:s15+s29], $0x80, s9, s29, $0xb8;
	[tilespmem:$0x13200] =	vst v63  }
0x22e: {  	s10 =	simm.s32 $0x9200  }
0x22f: {  	[tilespmem:s10], [sflag:$0x6] =	stream.indirect.gather [hbm4b:s17+s29], $0x20, s9, s29, $0xb8;
	[tilespmem:$0x13200] =	vst v63  }
0x230: {  	s24 =	simm.s32 $0xBA00;
	s9 =	simm.s32 $0x9C0  }
0x231: {  	[tilespmem:s24], [sflag:$0x8] =	stream.indirect.gather [hbm4b:s18+s29], $0x80, s9, s29, $0xb8;
	[tilespmem:$0x13200] =	vst v63  }
0x232: {  	s10 =	simm.s32 $0xFA00  }
0x233: {  	[tilespmem:s10], [sflag:$0xA] =	stream.indirect.gather [hbm4b:s19+s29], $0x80, s9, s29, $0xb8;
	[tilespmem:$0x13200] =	vst v63  }
0x234: {  	s24 =	simm.s32 $0x12600;
	s10 =	simm.s32 $0x1  }
0x235: {  	[tilespmem:s24], [sflag:$0xC] =	stream.indirect.gather [hbm4b:s20+s29], $0x30, s9, s29, $0xb8;
	[tilespmem:$0x13200] =	vst v63  }
0x236: {  	_ =	swait.ge [sflag:s10], $0x2000  }
0x237: {  	[sflag:s10] =	ssyncset.done $0x0  }
0x238: {  	s24 =	simm.s32 $0x3;
	[sflag:s10] =	ssyncadd.s32 $0xFFFFE000  }
0x239: {  	_ =	swait.ge [sflag:s24], $0x2000  }
0x23a: {  	[sflag:s24] =	ssyncset.done $0x0  }
0x23b: {  	s9 =	simm.s32 $0x5;
	[sflag:s24] =	ssyncadd.s32 $0xFFFFE000  }
0x23c: {  	_ =	swait.ge [sflag:s9], $0x800  }
0x23d: {  	[sflag:s9] =	ssyncset.done $0x0  }
0x23e: {  	s10 =	simm.s32 $0x7;
	[sflag:s9] =	ssyncadd.s32 $0xFFFFF800  }
0x23f: {  	_ =	swait.ge [sflag:s10], $0x2000  }
0x240: {  	[sflag:s10] =	ssyncset.done $0x0  }
0x241: {  	[sflag:s10] =	ssyncadd.s32 $0xFFFFE000  }
0x242: {  	_ =	swait.ge [sflag:s23], $0x2000  }
0x243: {  	[sflag:s23] =	ssyncset.done $0x0  }
0x244: {  	[sflag:s23] =	ssyncadd.s32 $0xFFFFE000  }
0x245: {  	_ =	swait.ge [sflag:s4], $0xC00  }
0x246: {  	[sflag:s4] =	ssyncset.done $0x0  }
0x247: {  	s24 =	simm.s32 $0x0;
	[sflag:s4] =	ssyncadd.s32 $0xFFFFF400  }
0x248: {  	v0 =	vld [tilespmem:s24+$0x8A00];
	_ =	sdelay $0x3  }
0x249: {  	s10 =	simm.s32 $0x9A10  }
0x24a: {  	v63 =	vld [tilespmem:s10+$0x0];
	[tilespmem:s10+$0xFFFFFFF0] =	vst v0  }
0x24b: {  	v1 =	vld [tilespmem:s24+$0x8A10];
	_ =	sdelay $0x4  }
0x24c: {  	v0 =	vsel vm0, v1, v63  }
0x24d: {  	s3 =	simm.s32 $0x20;
	s24 =	simm.s32 $0x100;
	[tilespmem:s10+$0x0] =	vst v0  }
.LBB2_28:
0x24e: {  	p0 =	sne.s32 s24, $0x1F80;
	v0 =	vld [tilespmem:s3+$0x8A00];
	_ =	sdelay $0x3  }
0x24f: {  	s10 =	sadd.s32 $0x80, s10  }
0x250: {  	[tilespmem:s10+$0xFFFFFFF0] =	vst v0;
	v0 =	vld [tilespmem:s10+$0x0]  }
0x251: {  	v1 =	vld [tilespmem:s3+$0x8A10];
	_ =	sdelay $0x1  }
.Ltmp13:
0x252: {  	(pc) =	sbr.rel @p0 .LBB2_28-.Ltmp13, $3  }
0x253: {  	_ =	sdelay $0x1  }
0x254: {  	v0 =	vsel vm0, v1, v0  }
0x255: {  	s3 =	sshra.s32 s24, $0x2;
	s24 =	sadd.s32 $0x80, s24;
	[tilespmem:s10+$0x0] =	vst v0  }
0x256: {  	v0 =	vld [tilespmem:s3+$0x8A00];
	_ =	sdelay $0x3  }
0x257: {  	s9 =	sadd.s32 $0x80, s10  }
0x258: {  	v63 =	vld [tilespmem:s9+$0x0];
	[tilespmem:s9+$0xFFFFFFF0] =	vst v0  }
0x259: {  	v1 =	vld [tilespmem:s3+$0x8A10];
	_ =	sdelay $0x4  }
0x25a: {  	v0 =	vsel vm0, v1, v63  }
0x25b: {  	s10 =	rddreg [dreg:$0x1b];
	s24 =	simm.s32 $0xA00;
	s3 =	simm.s32 $0x0;
	[tilespmem:s9+$0x0] =	vst v0  }
0x25c: {  	[hbm4b:s10+s3] =	stream.linear.scatter [tilespmem:s24], [sflag:$0xD], $0x2000, $0x38;
	[tilespmem:$0x13200] =	vst v63  }
0x25d: {  	s10 =	rddreg [dreg:$0x1c];
	s24 =	simm.s32 $0x4A00  }
0x25e: {  	[hbm4b:s10+s3] =	stream.linear.scatter [tilespmem:s24], [sflag:$0xD], $0x2000, $0x38;
	[tilespmem:$0x13200] =	vst v63  }
0x25f: {  	s10 =	rddreg [dreg:$0x1d];
	s24 =	simm.s32 $0x9A00  }
0x260: {  	[hbm4b:s10+s3] =	stream.linear.scatter [tilespmem:s24], [sflag:$0xD], $0x2000, $0x38;
	[tilespmem:$0x13200] =	vst v63  }
0x261: {  	s9 =	sadd.s32 $0x0, s7;
	s10 =	rddreg [dreg:$0x1e];
	s24 =	simm.s32 $0xDA00  }
0x262: {  	[hbm4b:s10+s3] =	stream.linear.scatter [tilespmem:s24], [sflag:$0xD], $0x2000, $0x38;
	[tilespmem:$0x13200] =	vst v63  }
0x263: {  	s3 =	simm.s32 $0x11A00;
	s10 =	simm.s32 $0x10;
	s24 =	simm.s32 $0x11A30  }
.LBB2_30:
0x264: {  	[hbm4b:s9+s1] =	stream.linear.scatter [tilespmem:s3], [sflag:$0xD], $0x28, $0x38;
	[tilespmem:$0x13200] =	vst v63  }
0x265: {  	s9 =	smov.u32 s10;
	s3 =	smov.u32 s24;
	p0 =	sne.s32 s10, $0x3F0  }
.Ltmp14:
0x266: {  	s10 =	sadd.s32 $0x10, s10;
	(pc) =	sbr.rel @p0 .LBB2_30-.Ltmp14, $2  }
0x267: {  	_ =	sdelay $0x2  }
0x268: {  	s24 =	sadd.s32 $0x30, s24;
	s9 =	sadd.s32 s9, s7  }
0x269: {  	[hbm4b:s9+s1] =	stream.linear.scatter [tilespmem:s3], [sflag:$0xD], $0x28, $0x38;
	[tilespmem:$0x13200] =	vst v63  }
0x26a: {  	_ =	swait.ge [sflag:s2], $0x2000  }
0x26b: {  	[sflag:s2] =	ssyncset.done $0x0  }
0x26c: {  	[sflag:s2] =	ssyncadd.s32 $0xFFFFE000  }
0x26d: {  	_ =	swait.ge [sflag:s5], $0x2000  }
0x26e: {  	[sflag:s5] =	ssyncset.done $0x0  }
0x26f: {  	[sflag:s5] =	ssyncadd.s32 $0xFFFFE000  }
0x270: {  	_ =	swait.ge [sflag:s8], $0x800  }
0x271: {  	[sflag:s8] =	ssyncset.done $0x0  }
0x272: {  	[sflag:s8] =	ssyncadd.s32 $0xFFFFF800  }
0x273: {  	_ =	swait.ge [sflag:s12], $0x2000  }
0x274: {  	[sflag:s12] =	ssyncset.done $0x0  }
0x275: {  	[sflag:s12] =	ssyncadd.s32 $0xFFFFE000  }
0x276: {  	_ =	swait.ge [sflag:s22], $0x2000  }
0x277: {  	[sflag:s22] =	ssyncset.done $0x0  }
0x278: {  	[sflag:s22] =	ssyncadd.s32 $0xFFFFE000  }
0x279: {  	_ =	swait.ge [sflag:s25], $0xC00  }
0x27a: {  	[sflag:s25] =	ssyncset.done $0x0  }
0x27b: {  	s24 =	simm.s32 $0x0;
	[sflag:s25] =	ssyncadd.s32 $0xFFFFF400  }
0x27c: {  	v0 =	vld [tilespmem:s24+$0x9200];
	_ =	sdelay $0x3  }
0x27d: {  	s10 =	simm.s32 $0xBA10  }
0x27e: {  	v63 =	vld [tilespmem:s10+$0x0];
	[tilespmem:s10+$0xFFFFFFF0] =	vst v0  }
0x27f: {  	v1 =	vld [tilespmem:s24+$0x9210];
	_ =	sdelay $0x4  }
0x280: {  	v0 =	vsel vm0, v1, v63  }
0x281: {  	s3 =	simm.s32 $0x20;
	s24 =	simm.s32 $0x100;
	[tilespmem:s10+$0x0] =	vst v0  }
.LBB2_32:
0x282: {  	p0 =	sne.s32 s24, $0x1F80;
	v0 =	vld [tilespmem:s3+$0x9200];
	_ =	sdelay $0x3  }
0x283: {  	s10 =	sadd.s32 $0x80, s10  }
0x284: {  	[tilespmem:s10+$0xFFFFFFF0] =	vst v0;
	v0 =	vld [tilespmem:s10+$0x0]  }
0x285: {  	v1 =	vld [tilespmem:s3+$0x9210];
	_ =	sdelay $0x1  }
.Ltmp15:
0x286: {  	(pc) =	sbr.rel @p0 .LBB2_32-.Ltmp15, $3  }
0x287: {  	_ =	sdelay $0x1  }
0x288: {  	v0 =	vsel vm0, v1, v0  }
0x289: {  	s3 =	sshra.s32 s24, $0x2;
	s24 =	sadd.s32 $0x80, s24;
	[tilespmem:s10+$0x0] =	vst v0  }
0x28a: {  	v0 =	vld [tilespmem:s3+$0x9200];
	_ =	sdelay $0x3  }
0x28b: {  	s9 =	sadd.s32 $0x80, s10  }
0x28c: {  	v63 =	vld [tilespmem:s9+$0x0];
	[tilespmem:s9+$0xFFFFFFF0] =	vst v0  }
0x28d: {  	v1 =	vld [tilespmem:s3+$0x9210];
	_ =	sdelay $0x4  }
0x28e: {  	v0 =	vsel vm0, v1, v63  }
0x28f: {  	s10 =	rddreg [dreg:$0x1f];
	s24 =	simm.s32 $0x2A00;
	s3 =	simm.s32 $0x0;
	[tilespmem:s9+$0x0] =	vst v0  }
0x290: {  	[hbm4b:s10+s3] =	stream.linear.scatter [tilespmem:s24], [sflag:$0xE], $0x2000, $0x38;
	[tilespmem:$0x13200] =	vst v63  }
0x291: {  	s10 =	sld [smem:$0x7F7];
	_ =	sdelay $0x1  }
0x292: {  	s24 =	simm.s32 $0x6A00  }
0x293: {  	[hbm4b:s10+s3] =	stream.linear.scatter [tilespmem:s24], [sflag:$0xE], $0x2000, $0x38;
	[tilespmem:$0x13200] =	vst v63  }
0x294: {  	s10 =	sld [smem:$0x7F8];
	_ =	sdelay $0x1  }
0x295: {  	s24 =	simm.s32 $0xBA00  }
0x296: {  	[hbm4b:s10+s3] =	stream.linear.scatter [tilespmem:s24], [sflag:$0xE], $0x2000, $0x38;
	[tilespmem:$0x13200] =	vst v63  }
0x297: {  	s10 =	sld [smem:$0x7F9];
	_ =	sdelay $0x1  }
0x298: {  	s9 =	sadd.s32 $0x0, s13;
	s24 =	simm.s32 $0xFA00  }
0x299: {  	[hbm4b:s10+s3] =	stream.linear.scatter [tilespmem:s24], [sflag:$0xE], $0x2000, $0x38;
	[tilespmem:$0x13200] =	vst v63  }
0x29a: {  	s3 =	simm.s32 $0x12600;
	s10 =	simm.s32 $0x10;
	s24 =	simm.s32 $0x12630  }
.LBB2_34:
0x29b: {  	[hbm4b:s9+s1] =	stream.linear.scatter [tilespmem:s3], [sflag:$0xE], $0x28, $0x38;
	[tilespmem:$0x13200] =	vst v63  }
0x29c: {  	s9 =	smov.u32 s10;
	s3 =	smov.u32 s24;
	p0 =	sne.s32 s10, $0x3F0  }
.Ltmp16:
0x29d: {  	s10 =	sadd.s32 $0x10, s10;
	(pc) =	sbr.rel @p0 .LBB2_34-.Ltmp16, $2  }
0x29e: {  	_ =	sdelay $0x2  }
0x29f: {  	s24 =	sadd.s32 $0x30, s24;
	s9 =	sadd.s32 s9, s13  }
0x2a0: {  	[hbm4b:s9+s1] =	stream.linear.scatter [tilespmem:s3], [sflag:$0xE], $0x28, $0x38;
	[tilespmem:$0x13200] =	vst v63  }
0x2a1: {  	_ =	swait.ge [sflag:s31], $0x2000  }
0x2a2: {  	[sflag:s31] =	ssyncset.done $0x0  }
0x2a3: {  	[sflag:s31] =	ssyncadd.s32 $0xFFFFE000  }
0x2a4: {  	_ =	swait.ge [sflag:s31], $0x2000  }
0x2a5: {  	[sflag:s31] =	ssyncset.done $0x0  }
0x2a6: {  	[sflag:s31] =	ssyncadd.s32 $0xFFFFE000  }
0x2a7: {  	_ =	swait.ge [sflag:s31], $0x2000  }
0x2a8: {  	[sflag:s31] =	ssyncset.done $0x0  }
0x2a9: {  	[sflag:s31] =	ssyncadd.s32 $0xFFFFE000  }
0x2aa: {  	_ =	swait.ge [sflag:s31], $0x2000  }
0x2ab: {  	[sflag:s31] =	ssyncset.done $0x0  }
0x2ac: {  	[sflag:s31] =	ssyncadd.s32 $0xFFFFE000  }
0x2ad: {  	_ =	swait.ge [sflag:s31], $0xA00  }
0x2ae: {  	[sflag:s31] =	ssyncset.done $0x0  }
0x2af: {  	[sflag:s31] =	ssyncadd.s32 $0xFFFFF600  }
0x2b0: {  	_ =	swait.ge [sflag:s30], $0x2000  }
0x2b1: {  	[sflag:s30] =	ssyncset.done $0x0  }
0x2b2: {  	[sflag:s30] =	ssyncadd.s32 $0xFFFFE000  }
0x2b3: {  	_ =	swait.ge [sflag:s30], $0x2000  }
0x2b4: {  	[sflag:s30] =	ssyncset.done $0x0  }
0x2b5: {  	[sflag:s30] =	ssyncadd.s32 $0xFFFFE000  }
0x2b6: {  	_ =	swait.ge [sflag:s30], $0x2000  }
0x2b7: {  	[sflag:s30] =	ssyncset.done $0x0  }
0x2b8: {  	[sflag:s30] =	ssyncadd.s32 $0xFFFFE000  }
0x2b9: {  	_ =	swait.ge [sflag:s30], $0x2000  }
0x2ba: {  	[sflag:s30] =	ssyncset.done $0x0  }
0x2bb: {  	[sflag:s30] =	ssyncadd.s32 $0xFFFFE000  }
0x2bc: {  	_ =	swait.ge [sflag:s30], $0xA00  }
0x2bd: {  	s24 =	sld [smem:$0x7FD];
	_ =	sdelay $0x1  }
0x2be: {  	s28 =	sadd.s32 $0x1, s28  }
0x2bf: {  	p0 =	sne.s32 s28, s24  }
.Ltmp17:
0x2c0: {  	_ = 	snop;
	(pc) =	sbr.rel @p0 .LBB2_1-.Ltmp17, $3  }
0x2c1: {  	_ =	sdelay $0x1  }
0x2c2: {  	[sflag:s30] =	ssyncset.done $0x0  }
0x2c3: {  	[sflag:s30] =	ssyncadd.s32 $0xFFFFF600  }
0x2c4: {  	_ =	sfence.sel $0x180000  }
0x2c5: {  	[bflag:$0x0] =	sbarrier.arrive $0xFFFF  }
0x2c6: {  	_ =	strace $0x90000047  }
0x2c7: {  	s0 =	stileid.u32;
	[bflag:$0x2] =	sbarrier.arrive $0xFFFF  }
0x2c8: {  	p0 =	sne.s32 s0, $0x0;
	s0 =	rddreg [dreg:$0x2]  }
0x2c9: {  	s0 =	sadd.s32 @!p0 $0x100000, s0  }
0x2ca: {  	[sflag:s0] =	ssyncadd.tile.s32 @!p0 $0x1;
	_ =	shalt  }
.Lfunc_end2:
_tile_overlayer_lowered:
.L_overlay_start_2:
0x2cb: {  	(tag) =	ssettag $0x2  }
0x2cc: {  	s0 =	rddreg [dreg:$0x0];
	s2 =	stileid.u32  }
0x2cd: {  	s1 =	rddreg [dreg:$0x1];
	p0 =	sne.s32 s2, $0x0  }
0x2ce: {  	s3 =	rddreg [dreg:$0x2];
	[bflag:$0x3] =	sbarrier.arrive $0xFFFF;
	s2 =	simm.s32 @!p0 $0x1C0F  }
0x2cf: {  	[timem:s3], [sflag:s2] =	dma.local @!p0 [hbm:s0], s1  }
0x2d0: {  	s0 =	simm.s32 @!p0 $0xF  }
0x2d1: {  	_ =	swait.ge @!p0 [sflag:s0], s1  }
0x2d2: {  	s1 =	ssub.s32 @!p0 $0x0, s1;
	[sflag:s0] =	ssyncset.done @!p0 $0x0  }
0x2d3: {  	[sflag:s0] =	ssyncadd.s32 @!p0 s1  }
0x2d4: {  	[bflag:$0x3] =	sbarrier.arrive $0xFFFF  }
0x2d5: {  	_ =	shalt  }

// kernel: sparse-core-data-format-call.cloned.1.call-start
scs
called_computation_lowered:
.L_overlay_start_0:
0x0: {  	s2 =	sld [smem:$0x3FD9]  }
0x1: {  	s3 =	sld [smem:$0x3FFE];
	_ =	sdelay $0x1  }
0x2: {  	s1 =	srdreg.scid  }
0x3: {  	s0 =	sand.u32 $0x1, s1  }
0x4: {  	s18 =	sshll.u32 s0, $0xA;
	s2 =	sadd.s32 s3, s2  }
0x5: {  	s2 =	sadd.s32 s2, s18  }
0x6: {  	[smem:$0x3FC6] =	sst s2  }
0x7: {  	_ = 	snop  }
0x8: {  	s2 =	sld [smem:$0x3FD0];
	(tm) =	ssettm $0x1  }
0x9: {  	s19 =	sld [smem:$0x3FFB];
	_ =	sdelay $0x3  }
0xa: {  	_ =	strace s19  }
0xb: {  	s3 =	sld [smem:$0x3FFC];
	_ =	sdelay $0x3  }
0xc: {  	_ =	strace s3  }
0xd: {  	s3 =	sld [smem:$0x3FFD];
	_ =	sdelay $0x3  }
0xe: {  	_ =	strace s3  }
0xf: {  	_ =	strace $0x8FFFFFFF  }
0x10: {  	s20 =	sld [smem:$0x3FDB];
	_ =	sdelay $0x1  }
0x11: {  	s4 =	simm.s32 $_scs_section_size  }
0x12: {  	s5 =	simm.s32 $_size__tile_overlayer_lowered;
	s6 =	simm.s32 $_tile_overlayer_lowered  }
0x13: {  	s23 =	simm.s32 $0x1BFF;
	s22 =	sshll.u32 s6, $0x1;
	s3 =	sadd.s32 s4, s20  }
0x14: {  	s7 =	simm.s32 $0x0;
	s21 =	sshll.u32 s5, $0x1;
	s5 =	sadd.s32 s22, s3  }
0x15: {  	[timem:s7], [sflag:s23] =	dma.local [hbm:s5], s21  }
0x16: {  	_ =	swait.ge [sflag:s23], s21  }
0x17: {  	s4 =	ssub.s32 $0x0, s21;
	[sflag:s23] =	ssyncset.done $0x0  }
0x18: {  	[sflag:s23] =	ssyncadd.s32 s4;
	_ =	sdelay $0x1  }
0x19: {  	s24 =	simm.s32 $0x1B8B  }
0x1a: {  	_ =	swait.ge [sflag:s24], $0x1  }
0x1b: {  	[sflag:s24] =	ssyncset.done $0x0  }
0x1c: {  	s26 =	simm.s32 $0x1B8E;
	s25 =	sld [smem:$0x3FFE];
	[sflag:s24] =	ssyncadd.s32 $0xFFFFFFFF  }
0x1d: {  	s27 =	simm.s32 $execute0_lowered;
	[smem:$0x3FD2] =	sst s26  }
0x1e: {  	s5 =	sshll.u32 s27, $0x1;
	_ =	strace $0x80000049;
	[dreg:$0x1] =	wrdreg $0xFFFFFFFF  }
0x1f: {  	s28 =	simm.s32 $_size_execute0_lowered;
	s3 =	sadd.s32 s3, s5;
	[dreg:$0x0] =	wrdreg $0x0  }
0x20: {  	s5 =	sshll.u32 s28, $0x1;
	[dreg:$0x2] =	wrdreg s3  }
0x21: {  	[dreg:$0x3] =	wrdreg s5  }
0x22: {  	[dreg:$0x4] =	wrdreg $0xC0  }
0x23: {  	_ =	task [dreg:s7], $0x5FFFF  }
0x24: {  	[dreg:$0x1] =	wrdreg $0xFFFFFFFF  }
0x25: {  	[dreg:$0x0] =	wrdreg $0x60  }
0x26: {  	[dreg:$0x2] =	wrdreg s25  }
0x27: {  	[dreg:$0x3] =	wrdreg s2  }
0x28: {  	[dreg:$0x4] =	wrdreg $0x9  }
0x29: {  	_ =	task.clear_ibuf [dreg:s7], $0x5FFFF;
	_ =	strace $0x90000049  }
0x2a: {  	s29 =	simm.s32 $0x9;
	_ =	strace $0x8000004B  }
0x2b: {  	_ =	swait.ge [sflag:s29], $0x1  }
0x2c: {  	[sflag:s29] =	ssyncadd.s32 $0xFFFFFFFF  }
0x2d: {  	_ =	strace $0x9000004B  }
0x2e: {  	_ =	sfence  }
0x2f: {  	s30 =	sld [smem:$0x0];
	_ =	sdelay $0x2  }
0x30: {  	s31 =	sshll.u32 s1, $0xD;
	s1 =	sshrl.u32 s1, $0x2  }
0x31: {  	s3 =	sand.u32 $0x4000, s31;
	s1 =	sadd.s32 s1, s30  }
0x32: {  	s0 =	sor.u32 s3, s0;
	s1 =	sshll.u32 s1, $0x11  }
0x33: {  	s0 =	sor.u32 s1, s0  }
0x34: {  	s0 =	sadd.s32 $0x8F2B, s0  }
0x35: {  	[sflag:s0] =	ssyncadd.remote.s32 $0x1  }
0x36: {  	_ =	sfence.sel $0xFFFF  }
0x37: {  	[dreg:$0x0] =	wrdreg $0xFFFFFFFF;
	(pc) =	sbr.abs _section_cstart, $3  }
0x38: {  	[dreg:$0x1] =	wrdreg $0xFFFFFFFF  }
0x39: {  	_ =	task.clear_ibuf [dreg:s7], $0x2FFFF;
	_ =	strace $0x9FFFFFFF  }
0x3a: {  	(tm) =	ssettm $0x7FFFFFFF  }
0x3b: {  	_ =	shalt  }
tec
execute0_lowered:
.L_overlay_start_1:
0x0: {  	(tag) =	ssettag $0x1  }
0x1: {  	s0 =	srdreg.scid  }
0x2: {  	s1 =	sshll.u32 s0, $0x4  }
0x3: {  	s6 =	rddreg [dreg:$0x0];
	s0 =	stileid.u32;
	s1 =	sand.u32 $0x10, s1  }
0x4: {  	s3 =	rddreg [dreg:$0x1];
	s1 =	sor.u32 s0, s1  }
0x5: {  	s5 =	simm.s32 $0x1;
	s31 =	simm.s32 $0x2;
	s2 =	sshll.u32 s1, $0x7  }
0x6: {  	s15 =	simm.s32 $0x0;
	s8 =	simm.s32 $0x20000;
	s4 =	ssub.s32 $0x4000, s2  }
0x7: {  	s14 =	simm.s32 $0x0;
	s9 =	simm.s32 $0x0;
	s30 =	sand.u32 $0xF80, s4  }
0x8: {  	s10 =	simm.s32 $0x0;
	s11 =	simm.s32 $0x0;
	p0 =	sne.s32 s30, $0x0  }
.Ltmp0:
0x9: {  	s7 =	sshrl.u32 s4, $0xC;
	s5 =	simm.s32 @!p0 $0x0;
	(pc) =	sbr.rel .LBB1_1-.Ltmp0, $4  }
0xa: {  	s13 =	simm.s32 $0x0;
	s1 =	rddreg [dreg:$0x2];
	s5 =	sadd.s32 s5, s7  }
0xb: {  	_ =	strace $0x8000004A;
	s4 =	simm.s32 $0x1;
	s5 =	smul.u32 $0x5, s5  }
0xc: {  	s6 =	sadd.s32 $0x115200, s6;
	s12 =	smov.u32 s2;
	[sflag:s4] =	ssyncpa.u1 $0x0  }
0xd: {  	[sflag:s31] =	ssyncpa.u1 $0x0;
	p0 =	por $0x0, $0x0;
	s7 =	sadd.s32 $0x1, s5  }
.LBB1_4:
0xe: {  	s20 =	sshra.s32 s20, $0x2  }
0xf: {  	s28 =	sand.u32 $0x78, s10;
	s21 =	sshll.u32 s9, $0xE;
	s22 =	sshll.u32 s10, $0x3  }
0x10: {  	s24 =	sshll.u32 s9, $0x7;
	p1 =	sgt.s32 s9, $0x1A8;
	s30 =	sshra.s32 s9, $0x1F  }
0x11: {  	s26 =	sshra.s32 s10, $0x1F;
	s19 =	sadd.s32 s20, s19;
	s21 =	sand.u32 $0xFFFE0000, s21  }
0x12: {  	v5 =	vld [tilespmem:s17+$0xFFFFFFD0];
	[tilespmem:s18+$0x2040 ss:$0x81] =	vst.msk $0xffff, v4;
	s23 =	sand.u32 $0xFFFFFC00, s22;
	s29 =	sand.u32 $0x380, s24;
	s22 =	sand.u32 $0x3C00, s22  }
0x13: {  	v58 =	vld [tilespmem:s17+$0xFFFFFFE0];
	[tilespmem:s18+$0x2850 ss:$0x81] =	vst.msk $0xffff, v3;
	s21 =	sadd.s32 s23, s21;
	s20 =	sor.u32 s28, s22;
	s22 =	smov.u32 s9  }
0x14: {  	v59 =	vld [tilespmem:s17+$0xFFFFFFF0];
	[tilespmem:s18+$0x3060 ss:$0x81] =	vst.msk $0xffff, v2;
	s24 =	sand.u32 s30, s9;
	s21 =	sshrl.u32 s21, $0xE;
	s22 =	simm.s32 @!p1 $0x1A8  }
0x15: {  	v60 =	vld [tilespmem:s17+$0x0];
	[tilespmem:s18+$0x0 ss:$0x81] =	vst.msk $0xffff, v1;
	p1 =	sgt.s32 s10, $0x3F80;
	s31 =	ssub.s32 s22, s24;
	s22 =	smov.u32 s10  }
0x16: {  	v61 =	vld [tilespmem:s17+$0x10];
	[tilespmem:s19+$0x3870 ss:$0x81] =	vst.msk $0xffff, v0;
	s25 =	smulhi.u32 $0x76B982, s21;
	s24 =	sand.u32 s26, s10;
	s22 =	simm.s32 @!p1 $0x3F80  }
0x17: {  	v62 =	vld [tilespmem:s17+$0x20];
	s20 =	sor.u32 s29, s20;
	[tilespmem:s19+$0x810 ss:$0x81] =	vst.msk $0xffff, v5;
	s27 =	sadd.s32 $0xFFFFFE58, s31;
	s22 =	ssub.s32 s22, s24  }
0x18: {  	v63 =	vld [tilespmem:s17+$0xFFFFFFC0];
	[tilespmem:s19+$0x1020 ss:$0x81] =	vst.msk $0xffff, v58;
	s18 =	ssub.s32 $0x228, s31;
	s28 =	smul.u32 $0x228, s25;
	s29 =	sadd.s32 $0xFFFFC080, s22  }
0x19: {  	[tilespmem:s19+$0x1830 ss:$0x81] =	vst.msk $0xffff, v59;
	p1 =	sgt.s32 s27, $0x7F;
	s22 =	ssub.s32 $0x4000, s22;
	p2 =	sgt.s32 s29, $0x7F  }
0x1a: {  	s30 =	sand.u32 $0x7, s10;
	[tilespmem:s19+$0x2040 ss:$0x81] =	vst.msk $0xffff, v60;
	s18 =	simm.s32 @p1 $0x0;
	s22 =	simm.s32 @p2 $0x0  }
0x1b: {  	s20 =	sshrl.u32 s20, $0x3;
	[tilespmem:s19+$0x2850 ss:$0x81] =	vst.msk $0xffff, v61;
	s17 =	ssub.s32 s21, s28;
	s18 =	smul.u32 s22, s18  }
0x1c: {  	[tilespmem:s19+$0x3060 ss:$0x81] =	vst.msk $0xffff, v62;
	s20 =	sadd.s32 s3, s20;
	s21 =	sshll.u32 s30, $0x12;
	s17 =	sshll.u32 s17, $0xB  }
0x1d: {  	[tilespmem:s19+$0x0 ss:$0x81] =	vst.msk $0xffff, v63;
	s31 =	sor.u32 $0x400, s21;
	s17 =	sadd.s32 s17, s20;
	s18 =	sand.u32 $0x3FFFFFFF, s18  }
0x1e: {  	[hbm4b:s17+s31] =	stream.strided.scatter [tilespmem:s16], [sflag:$0x2], s18, s8, s31, $0x20;
	[tilespmem:$0x10100] =	vst v63  }
.LBB1_5:
0x1f: {  	p1 =	slt.u32 s13, $0x2  }
0x20: {  	s17 =	smov.u32 s15;
	p2 =	sgt.s32 @!p1 s15, $0x1A8;
	s16 =	sshra.s32 @!p1 s15, $0x1F  }
0x21: {  	p3 =	sgt.s32 @!p1 s14, $0x3F80;
	s18 =	sshra.s32 @!p1 s14, $0x1F;
	p2 =	por !p2, p1  }
0x22: {  	s15 =	sand.u32 @!p1 s16, s15;
	p3 =	por !p3, p1;
	s16 =	smov.u32 s14  }
0x23: {  	s14 =	sand.u32 @!p1 s18, s14;
	s17 =	simm.s32 @p2 $0x1A8;
	s16 =	simm.s32 @p3 $0x3F80  }
0x24: {  	s15 =	ssub.s32 @!p1 s17, s15;
	s14 =	ssub.s32 @!p1 s16, s14  }
0x25: {  	s18 =	smov.u32 s12;
	s16 =	sadd.s32 @!p1 $0xFFFFFE58, s15;
	s17 =	sadd.s32 @!p1 $0xFFFFC080, s14  }
0x26: {  	s15 =	ssub.s32 @!p1 $0x228, s15;
	p2 =	sgt.s32 @!p1 s16, $0x7F;
	p3 =	sgt.s32 @!p1 s17, $0x7F  }
0x27: {  	s14 =	ssub.s32 @!p1 $0x4000, s14;
	p2 =	por !p2, p1;
	p3 =	por !p3, p1  }
0x28: {  	s16 =	sadd.s32 $0x80, s11;
	s15 =	simm.s32 @!p2 $0x0;
	s14 =	simm.s32 @!p3 $0x0  }
0x29: {  	p2 =	sgt.s32 s16, $0x227;
	s14 =	smul.u32 @!p1 s14, s15;
	s15 =	sadd.s32 $0x1000, s12  }
0x2a: {  	s18 =	smov.u32 @p2 s15  }
0x2b: {  	s16 =	simm.s32 @p2 $0x0;
	p2 =	sgt.s32 s18, $0x3FFF  }
0x2c: {  	s18 =	smov.u32 @p2 s2;
	p2 =	sne.s32 s13, s7  }
.Ltmp1:
0x2d: {  	p0 =	por !p0, !p0;
	s17 =	simm.s32 @!p1 $0x2;
	(pc) =	sbr.rel @!p2 .LBB1_6-.Ltmp1, $4  }
0x2e: {  	s15 =	smov.u32 s9;
	s9 =	smov.u32 s11;
	s14 =	sand.u32 @!p1 $0x3FFFFFFF, s14  }
0x2f: {  	s11 =	smov.u32 s16;
	_ =	swait.ge @!p1 [sflag:s17], s14;
	s19 =	ssub.s32 @!p1 $0x0, s14  }
0x30: {  	s14 =	smov.u32 s10;
	s13 =	sadd.s32 $0x1, s13;
	[sflag:s17] =	ssyncset.done @!p1 $0x0  }
0x31: {  	s10 =	smov.u32 s12;
	s12 =	smov.u32 s18;
	[sflag:s17] =	ssyncadd.s32 @!p1 s19  }
.LBB1_1:
0x32: {  	p1 =	sge.u32 s13, s5  }
0x33: {  	s16 =	sshrl.u32 @!p1 s12, $0x3  }
0x34: {  	s17 =	sshll.u32 @!p1 s11, $0x3;
	s16 =	smul.u32 @!p1 $0x1400, s16  }
0x35: {  	s18 =	sshll.u32 @!p1 s12, $0x7;
	s17 =	sand.u32 @!p1 $0xFFFFFC00, s17  }
0x36: {  	s16 =	sadd.s32 @!p1 s16, s17;
	s17 =	sand.u32 @!p1 $0x380, s18  }
0x37: {  	s18 =	sand.u32 @!p1 $0x7F, s11;
	s16 =	sor.u32 @!p1 s17, s16  }
0x38: {  	s17 =	sor.u32 @!p1 s18, s16  }
0x39: {  	s18 =	smulhi.u32 @!p1 $0xCCCCCCCD, s17;
	_ =	sdelay $0x1  }
0x3a: {  	s16 =	smulhi.u32 @!p1 $0xCCCCCCCD, s16;
	s18 =	sshrl.u32 @!p1 s18, $0x9  }
0x3b: {  	s18 =	smul.u32 @!p1 $0x280, s18  }
0x3c: {  	s31 =	sadd.s32 $0xFFFFFFFF, s13;
	s19 =	sxor.u32 @!p1 $0xFFFFFFFF, s13;
	s16 =	sshrl.u32 @!p1 s16, $0x9  }
0x3d: {  	s19 =	sshll.u32 @!p1 s19, $0xE;
	s16 =	sand.u32 @!p1 $0x3FFF, s16;
	s17 =	ssub.s32 @!p1 s17, s18  }
0x3e: {  	s16 =	smul.u32 @!p1 $0x50, s16;
	s18 =	sshrl.u32 @!p1 s17, $0x3;
	s17 =	sand.u32 @!p1 $0x7, s17  }
0x3f: {  	s19 =	sand.u32 @!p1 $0x4000, s19;
	s18 =	sadd.s32 @!p1 s6, s18;
	s17 =	sshll.u32 @!p1 s17, $0x12  }
0x40: {  	s16 =	sadd.s32 @!p1 s16, s18;
	s17 =	sor.u32 @!p1 $0x400, s17;
	s18 =	simm.s32 @!p1 $0x1400  }
0x41: {  	[tilespmem:s19], [sflag:$0x1] =	stream.strided.gather @!p1 [hbm4b:s16+s17], $0x4000, s18, s17, $0x38;
	[tilespmem:$0x10100] =	vst v63  }
0x42: {  	p1 =	sge.u32 s31, s5  }
.Ltmp2:
0x43: {  	_ = 	snop;
	(pc) =	sbr.rel @p1 .LBB1_5-.Ltmp2, $1  }
0x44: {  	_ =	sdelay $0x3  }
0x45: {  	s16 =	simm.s32 $0x1  }
0x46: {  	_ =	swait.ge [sflag:s4], $0x4000;
	s16 =	simm.s32 @!p0 $0x0  }
0x47: {  	[sflag:s4] =	ssyncset.done $0x0;
	s17 =	sshll.u32 s16, $0xE  }
0x48: {  	[sflag:s4] =	ssyncadd.s32 $0xFFFFC000;
	s17 =	sor.u32 $0x40, s17  }
0x49: {  	s16 =	smul.u32 $0x10200, s16;
	v0 =	vld [tilespmem:s17+$0x30]  }
0x4a: {  	v1 =	vld [tilespmem:s17+$0xFFFFFFD0]  }
0x4b: {  	s16 =	sshrl.u32 s16, $0x2;
	v5 =	vld [tilespmem:s17+$0xFFFFFFE0]  }
0x4c: {  	v6 =	vld [tilespmem:s17+$0xFFFFFFF0];
	s19 =	sor.u32 $0x8000, s16  }
0x4d: {  	s31 =	sand.u32 $0x1, s13;
	v4 =	vld [tilespmem:s17+$0x0];
	s18 =	sadd.s32 $0x0, s19  }
0x4e: {  	v3 =	vld [tilespmem:s17+$0x10];
	s16 =	smul.u32 $0x10200, s31;
	[tilespmem:s18+$0x3870 ss:$0x81] =	vst.msk $0xffff, v0  }
0x4f: {  	v2 =	vld [tilespmem:s17+$0x20];
	[tilespmem:s18+$0x810 ss:$0x81] =	vst.msk $0xffff, v1  }
0x50: {  	s16 =	sshrl.u32 s16, $0x2;
	v1 =	vld [tilespmem:s17+$0xFFFFFFC0];
	[tilespmem:s18+$0x1020 ss:$0x81] =	vst.msk $0xffff, v5;
	s17 =	sadd.s32 $0x80, s17  }
0x51: {  	s20 =	simm.s32 $0x4;
	s21 =	simm.s32 $0x8;
	s16 =	sor.u32 $0x8000, s16;
	[tilespmem:s18+$0x1830 ss:$0x81] =	vst.msk $0xffff, v6;
	v0 =	vld [tilespmem:s17+$0x30]  }
.LBB1_3:
0x52: {  	p1 =	sne.s32 s21, $0x1FC;
	v5 =	vld [tilespmem:s17+$0xFFFFFFD0];
	[tilespmem:s18+$0x2040 ss:$0x81] =	vst.msk $0xffff, v4  }
0x53: {  	v6 =	vld [tilespmem:s17+$0xFFFFFFE0];
	[tilespmem:s18+$0x2850 ss:$0x81] =	vst.msk $0xffff, v3  }
0x54: {  	s22 =	sshra.s32 s20, $0x2;
	s20 =	smov.u32 s21;
	v7 =	vld [tilespmem:s17+$0xFFFFFFF0];
	[tilespmem:s18+$0x3060 ss:$0x81] =	vst.msk $0xffff, v2  }
.Ltmp3:
0x55: {  	v4 =	vld [tilespmem:s17+$0x0];
	[tilespmem:s18+$0x0 ss:$0x81] =	vst.msk $0xffff, v1;
	s18 =	sadd.s32 s22, s19;
	(pc) =	sbr.rel @p1 .LBB1_3-.Ltmp3, $4  }
0x56: {  	v3 =	vld [tilespmem:s17+$0x10];
	[tilespmem:s18+$0x3870 ss:$0x81] =	vst.msk $0xffff, v0  }
0x57: {  	[tilespmem:s18+$0x810 ss:$0x81] =	vst.msk $0xffff, v5;
	v2 =	vld [tilespmem:s17+$0x20]  }
0x58: {  	v1 =	vld [tilespmem:s17+$0xFFFFFFC0];
	[tilespmem:s18+$0x1020 ss:$0x81] =	vst.msk $0xffff, v6;
	s17 =	sadd.s32 $0x80, s17  }
0x59: {  	s21 =	sadd.s32 $0x4, s21;
	v0 =	vld [tilespmem:s17+$0x30];
	[tilespmem:s18+$0x1830 ss:$0x81] =	vst.msk $0xffff, v7  }
.Ltmp4:
0x5a: {  	_ = 	snop;
	(pc) =	sbr.rel .LBB1_4-.Ltmp4, $1  }
0x5b: {  	_ =	sdelay $0x3  }
.LBB1_6:
0x5c: {  	_ =	sfence.sel $0x180000  }
0x5d: {  	s2 =	simm.s32 $0x1;
	[bflag:$0x0] =	sbarrier.arrive $0xFFFF  }
0x5e: {  	s31 =	simm.s32 $0x2;
	[sflag:s2] =	ssyncpa.u1 $0x1  }
0x5f: {  	[sflag:s31] =	ssyncpa.u1 $0x1  }
0x60: {  	p0 =	sne.s32 s0, $0x0;
	_ =	strace $0x9000004A  }
0x61: {  	s0 =	sadd.s32 @!p0 $0x100000, s1;
	[bflag:$0x2] =	sbarrier.arrive $0xFFFF  }
0x62: {  	[sflag:s0] =	ssyncadd.tile.s32 @!p0 $0x1;
	_ =	shalt  }
.Lfunc_end1:
_tile_overlayer_lowered:
.L_overlay_start_2:
0x63: {  	(tag) =	ssettag $0x2  }
0x64: {  	s0 =	rddreg [dreg:$0x0];
	s2 =	stileid.u32  }
0x65: {  	s1 =	rddreg [dreg:$0x1];
	p0 =	sne.s32 s2, $0x0  }
0x66: {  	s3 =	rddreg [dreg:$0x2];
	[bflag:$0x3] =	sbarrier.arrive $0xFFFF;
	s2 =	simm.s32 @!p0 $0x1C01  }
0x67: {  	[timem:s3], [sflag:s2] =	dma.local @!p0 [hbm:s0], s1  }
0x68: {  	s0 =	simm.s32 @!p0 $0x1  }
0x69: {  	_ =	swait.ge @!p0 [sflag:s0], s1  }
0x6a: {  	s1 =	ssub.s32 @!p0 $0x0, s1;
	[sflag:s0] =	ssyncset.done @!p0 $0x0  }
0x6b: {  	[sflag:s0] =	ssyncadd.s32 @!p0 s1  }
0x6c: {  	[bflag:$0x3] =	sbarrier.arrive $0xFFFF  }
0x6d: {  	_ =	shalt  }

</sc_bundles>
